<compile_context>
chip_gen: v7x
topology: tpu7x:2x2x1
jax: 0.10.2.dev20260603
libtpu: 0.0.44.dev20260713+nightly
codegen_flags: <defaults>
</compile_context>

<pallas_src>
import functools

import jax
import jax.numpy as jnp
from jax import lax
from jax.experimental import pallas as pl
from jax.experimental.pallas import tpu as pltpu
from jax.experimental.pallas import tpu_sc as plsc

_N = 1000
_B = 16384
_NC = 2
_NS = 16
_NW = _NC * _NS
_BPW = _B // _NW
_CT = 128
_NCT = _BPW // _CT
_H0 = 504
_H1 = _N - _H0
_L = 16

_mesh = plsc.VectorSubcoreMesh(core_axis_name="c", subcore_axis_name="s")


@functools.partial(
    pl.kernel,
    out_type=jax.ShapeDtypeStruct((_N, _B), jnp.float32),
    mesh=_mesh,
    compiler_params=pltpu.CompilerParams(needs_layout_passes=False),
    scratch_types=[
        pltpu.VMEM((_BPW,), jnp.int32),
        pltpu.VMEM((_H0, _CT), jnp.float32),
        pltpu.VMEM((_H0, _CT), jnp.float32),
        pltpu.SemaphoreType.DMA,
        pltpu.SemaphoreType.DMA,
    ],
)
def _onehot_t_sc(x_hbm, out_hbm, idx_v, buf0, buf1, sem0, sem1):
    wid = lax.axis_index("s") * _NC + lax.axis_index("c")
    base_col = wid * _BPW

    pltpu.sync_copy(x_hbm.at[pl.ds(base_col, _BPW)], idx_v)

    zeros = jnp.zeros((_L,), jnp.float32)
    ones = jnp.ones((_L,), jnp.float32)
    iota = lax.iota(jnp.int32, _L)

    def zero_fill(buf):
        def zero_body(r, carry):
            for c in range(0, _CT, _L):
                buf[r, pl.ds(c, _L)] = zeros
            return carry
        lax.fori_loop(0, _H0, zero_body, 0)

    def scatter(buf, ct, lo, hi, val):
        for k in range(_CT // _L):
            xv = idx_v[pl.ds(ct * _CT + k * _L, _L)]
            cols = iota + (k * _L)
            mask = (xv >= lo) & (xv < hi)
            plsc.store_scatter(buf, [xv - lo, cols], val, mask=mask)

    chunks = [(ct, h) for ct in range(_NCT) for h in range(2)]
    halves = ((0, _H0), (_H0, _N))
    bufs = (buf0, buf1)
    sems = (sem0, sem1)
    copies = [None, None]
    for i, (ct, h) in enumerate(chunks):
        b = i % 2
        lo, hi = halves[h]
        if i < 2:
            zero_fill(bufs[b])
        if copies[b] is not None:
            copies[b].wait()
            pct, ph = chunks[i - 2]
            plo, phi = halves[ph]
            scatter(bufs[b], pct, plo, phi, zeros)
        scatter(bufs[b], ct, lo, hi, ones)
        rows = hi - lo
        src = bufs[b] if rows == _H0 else bufs[b].at[pl.ds(0, rows)]
        dst = out_hbm.at[pl.ds(lo, rows), pl.ds(base_col + ct * _CT, _CT)]
        copies[b] = pltpu.async_copy(src, dst, sems[b])
    copies[0].wait()
    copies[1].wait()


def kernel(x):
    return _onehot_t_sc(x.astype(jnp.int32)).T

# --- scband reference (transcript-rebuilt; emitter-appended) ---
"""Pipeline reference for scband-discrete2-one-hot-3848290697479 (READ-ONLY COPY).

The authoritative reference and input builder live on the scoring server;
editing this copy changes nothing except your own understanding.
"""

import jax, jax.numpy as jnp
import numpy as np

N = 1000
B = 16384

def setup_inputs(seed: int = 0) -> dict:
    key = jax.random.key(seed)
    x = jax.random.randint(key, (B,), 0, N, dtype=jnp.int64 if jax.config.jax_enable_x64 else jnp.int32)
    return {"x": x}

def reference(x) -> jnp.ndarray:
    # Faithful translation of Discrete2OneHot.forward:
    # oh = zeros((B, n)); oh[range(B), x.long()] = 1
    oh = jnp.zeros((x.shape[0], N), dtype=jnp.float32)
    rows = jnp.arange(x.shape[0])
    oh = oh.at[rows, x.astype(jnp.int32)].set(1.0)
    return oh

if __name__ == "__main__":
    import jax
    _d = setup_inputs()
    print(jax.jit(kernel)(*tuple(_d.values())))

</pallas_src>

<mosaic_0001>
#map = affine_map<(d0, d1) -> (0)>
#map1 = affine_map<(d0, d1) -> (0, 0)>
module attributes {stable_mosaic.version = 14 : i64} {
  func.func @_onehot_t_sc(%arg0: i32, %arg1: i32, %arg2: memref<16384xi32, #tpu.memory_space<hbm>>, %arg3: memref<1000x16384xf32, #tpu.memory_space<hbm>>, %arg4: memref<512xi32, #tpu.memory_space<vmem>>, %arg5: memref<504x128xf32, #tpu.memory_space<vmem>>, %arg6: memref<504x128xf32, #tpu.memory_space<vmem>>, %arg7: memref<!tpu.dma_semaphore, #tpu.memory_space<semaphore_mem>>, %arg8: memref<!tpu.dma_semaphore, #tpu.memory_space<semaphore_mem>>) attributes {dimension_semantics = [#tpu.dimension_semantics<core_parallel>, #tpu.dimension_semantics<subcore_parallel>], iteration_bounds = array<i64: 2, 16>, scalar_prefetch = 0 : i64, scratch_operands = 5 : i64, tpu.core_type = #tpu.core_type<sc_vector_subcore>, window_params = [{transform_indices = #map}, {transform_indices = #map1}]} {
    %mul3A = arith.constant 2 : i32
    %mul3A_0 = arith.muli %arg1, %mul3A : i32
    %add3A = arith.addi %mul3A_0, %arg0 : i32
    %mul3A_1 = arith.constant 512 : i32
    %mul3A_2 = arith.muli %add3A, %mul3A_1 : i32
    "tpu.region"() ({
      %run_scoped3A = tpu.sem_alloc : memref<!tpu.dma_semaphore, #tpu.memory_space<semaphore_mem>>
      %dma_start3A_1818 = tpu.memref_slice %arg2[%mul3A_2] : memref<16384xi32, #tpu.memory_space<hbm>> -> memref<512xi32, #tpu.memory_space<hbm>>
      %dma_start3A_1819 = tpu.memref_slice %arg2[%mul3A_2] : memref<16384xi32, #tpu.memory_space<hbm>> -> memref<512xi32, #tpu.memory_space<hbm>>
      tpu.enqueue_dma source(%dma_start3A_1819 : memref<512xi32, #tpu.memory_space<hbm>>) target(%arg4 : memref<512xi32, #tpu.memory_space<vmem>>) target_semaphore(%run_scoped3A : memref<!tpu.dma_semaphore, #tpu.memory_space<semaphore_mem>>)
      %dma_wait3A_1820 = tpu.memref_slice %arg2[%mul3A_2] : memref<16384xi32, #tpu.memory_space<hbm>> -> memref<512xi32, #tpu.memory_space<hbm>>
      %dma_wait3A_1821 = tpu.memref_slice %arg2[%mul3A_2] : memref<16384xi32, #tpu.memory_space<hbm>> -> memref<512xi32, #tpu.memory_space<hbm>>
      tpu.wait_dma2 semaphore(%run_scoped3A : memref<!tpu.dma_semaphore, #tpu.memory_space<semaphore_mem>>) src(%dma_wait3A_1821 : memref<512xi32, #tpu.memory_space<hbm>>) dst(%arg4 : memref<512xi32, #tpu.memory_space<vmem>>)
      tpu.yield
    }) : () -> ()
    %broadcast_in_dim3A = arith.constant 0.000000e+00 : f32
    %broadcast_in_dim3A_3 = vector.broadcast %broadcast_in_dim3A : f32 to vector<16xf32>
    %broadcast_in_dim3A_4 = arith.constant 1.000000e+00 : f32
    %broadcast_in_dim3A_5 = vector.broadcast %broadcast_in_dim3A_4 : f32 to vector<16xf32>
    %iota3A = tpu.iota {dimensions = array<i32: 0>} : vector<16xi32>
    %scan3A = arith.constant 0 : i32
    %scan3A_6 = arith.constant 0 : i32
    %scan3A_7 = arith.constant 504 : i32
    %scan3A_8 = arith.addi %scan3A_6, %scan3A_7 : i32
    %scan3A_9 = arith.constant 1 : i32
    scf.for %scan3A_1818 = %scan3A_6 to %scan3A_8 step %scan3A_9  : i32 {
      %swap3A = arith.index_cast %scan3A_1818 : i32 to index
      %swap3A_1819 = arith.constant 0 : index
      %swap3A_1820 = tpu.vector_load %arg5[%swap3A, %swap3A_1819] {strides = array<i32>} : memref<504x128xf32, #tpu.memory_space<vmem>>, vector<16xf32>,
      tpu.vector_store %arg5[%swap3A, %swap3A_1819], %broadcast_in_dim3A_3 {strides = array<i32>} : memref<504x128xf32, #tpu.memory_space<vmem>>, vector<16xf32>,
      %swap3A_1821 = arith.index_cast %scan3A_1818 : i32 to index
      %swap3A_1822 = arith.constant 16 : index
      %swap3A_1823 = tpu.vector_load %arg5[%swap3A_1821, %swap3A_1822] {strides = array<i32>} : memref<504x128xf32, #tpu.memory_space<vmem>>, vector<16xf32>,
      tpu.vector_store %arg5[%swap3A_1821, %swap3A_1822], %broadcast_in_dim3A_3 {strides = array<i32>} : memref<504x128xf32, #tpu.memory_space<vmem>>, vector<16xf32>,
      %swap3A_1824 = arith.index_cast %scan3A_1818 : i32 to index
      %swap3A_1825 = arith.constant 32 : index
      %swap3A_1826 = tpu.vector_load %arg5[%swap3A_1824, %swap3A_1825] {strides = array<i32>} : memref<504x128xf32, #tpu.memory_space<vmem>>, vector<16xf32>,
      tpu.vector_store %arg5[%swap3A_1824, %swap3A_1825], %broadcast_in_dim3A_3 {strides = array<i32>} : memref<504x128xf32, #tpu.memory_space<vmem>>, vector<16xf32>,
      %swap3A_1827 = arith.index_cast %scan3A_1818 : i32 to index
      %swap3A_1828 = arith.constant 48 : index
      %swap3A_1829 = tpu.vector_load %arg5[%swap3A_1827, %swap3A_1828] {strides = array<i32>} : memref<504x128xf32, #tpu.memory_space<vmem>>, vector<16xf32>,
      tpu.vector_store %arg5[%swap3A_1827, %swap3A_1828], %broadcast_in_dim3A_3 {strides = array<i32>} : memref<504x128xf32, #tpu.memory_space<vmem>>, vector<16xf32>,
      %swap3A_1830 = arith.index_cast %scan3A_1818 : i32 to index
      %swap3A_1831 = arith.constant 64 : index
      %swap3A_1832 = tpu.vector_load %arg5[%swap3A_1830, %swap3A_1831] {strides = array<i32>} : memref<504x128xf32, #tpu.memory_space<vmem>>, vector<16xf32>,
      tpu.vector_store %arg5[%swap3A_1830, %swap3A_1831], %broadcast_in_dim3A_3 {strides = array<i32>} : memref<504x128xf32, #tpu.memory_space<vmem>>, vector<16xf32>,
      %swap3A_1833 = arith.index_cast %scan3A_1818 : i32 to index
      %swap3A_1834 = arith.constant 80 : index
      %swap3A_1835 = tpu.vector_load %arg5[%swap3A_1833, %swap3A_1834] {strides = array<i32>} : memref<504x128xf32, #tpu.memory_space<vmem>>, vector<16xf32>,
      tpu.vector_store %arg5[%swap3A_1833, %swap3A_1834], %broadcast_in_dim3A_3 {strides = array<i32>} : memref<504x128xf32, #tpu.memory_space<vmem>>, vector<16xf32>,
      %swap3A_1836 = arith.index_cast %scan3A_1818 : i32 to index
      %swap3A_1837 = arith.constant 96 : index
      %swap3A_1838 = tpu.vector_load %arg5[%swap3A_1836, %swap3A_1837] {strides = array<i32>} : memref<504x128xf32, #tpu.memory_space<vmem>>, vector<16xf32>,
      tpu.vector_store %arg5[%swap3A_1836, %swap3A_1837], %broadcast_in_dim3A_3 {strides = array<i32>} : memref<504x128xf32, #tpu.memory_space<vmem>>, vector<16xf32>,
      %swap3A_1839 = arith.index_cast %scan3A_1818 : i32 to index
      %swap3A_1840 = arith.constant 112 : index
      %swap3A_1841 = tpu.vector_load %arg5[%swap3A_1839, %swap3A_1840] {strides = array<i32>} : memref<504x128xf32, #tpu.memory_space<vmem>>, vector<16xf32>,
      tpu.vector_store %arg5[%swap3A_1839, %swap3A_1840], %broadcast_in_dim3A_3 {strides = array<i32>} : memref<504x128xf32, #tpu.memory_space<vmem>>, vector<16xf32>,
    }
    %scan3A_10 = arith.constant 504 : i32
    %get3A = arith.constant 0 : index
    %get3A_11 = tpu.vector_load %arg4[%get3A] {strides = array<i32>} : memref<512xi32, #tpu.memory_space<vmem>>, vector<16xi32>,
    %add3A_12 = arith.constant 0 : i32
    %add3A_13 = vector.broadcast %add3A_12 : i32 to vector<16xi32>
    %add3A_14 = arith.addi %iota3A, %add3A_13 : vector<16xi32>
    %ge3A = arith.constant 0 : i32
    %ge3A_15 = vector.broadcast %ge3A : i32 to vector<16xi32>
    %ge3A_16 = arith.cmpi sge, %get3A_11, %ge3A_15 : vector<16xi32>
    %lt3A = arith.constant 504 : i32
    %lt3A_17 = vector.broadcast %lt3A : i32 to vector<16xi32>
    %lt3A_18 = arith.cmpi slt, %get3A_11, %lt3A_17 : vector<16xi32>
    %and3A = arith.andi %ge3A_16, %lt3A_18 : vector<16xi1>
    %sub3A = arith.constant 0 : i32
    %sub3A_19 = vector.broadcast %sub3A : i32 to vector<16xi32>
    %sub3A_20 = arith.subi %get3A_11, %sub3A_19 : vector<16xi32>
    tpu.vector_store_idx %arg5[%sub3A_20, %add3A_14], %broadcast_in_dim3A_5 masked %and3A : memref<504x128xf32, #tpu.memory_space<vmem>>[vector<16xi32>, vector<16xi32>], vector<16xf32>, vector<16xi1>
    %get3A_21 = arith.constant 16 : index
    %get3A_22 = tpu.vector_load %arg4[%get3A_21] {strides = array<i32>} : memref<512xi32, #tpu.memory_space<vmem>>, vector<16xi32>,
    %add3A_23 = arith.constant 16 : i32
    %add3A_24 = vector.broadcast %add3A_23 : i32 to vector<16xi32>
    %add3A_25 = arith.addi %iota3A, %add3A_24 : vector<16xi32>
    %ge3A_26 = arith.constant 0 : i32
    %ge3A_27 = vector.broadcast %ge3A_26 : i32 to vector<16xi32>
    %ge3A_28 = arith.cmpi sge, %get3A_22, %ge3A_27 : vector<16xi32>
    %lt3A_29 = arith.constant 504 : i32
    %lt3A_30 = vector.broadcast %lt3A_29 : i32 to vector<16xi32>
    %lt3A_31 = arith.cmpi slt, %get3A_22, %lt3A_30 : vector<16xi32>
    %and3A_32 = arith.andi %ge3A_28, %lt3A_31 : vector<16xi1>
    %sub3A_33 = arith.constant 0 : i32
    %sub3A_34 = vector.broadcast %sub3A_33 : i32 to vector<16xi32>
    %sub3A_35 = arith.subi %get3A_22, %sub3A_34 : vector<16xi32>
    tpu.vector_store_idx %arg5[%sub3A_35, %add3A_25], %broadcast_in_dim3A_5 masked %and3A_32 : memref<504x128xf32, #tpu.memory_space<vmem>>[vector<16xi32>, vector<16xi32>], vector<16xf32>, vector<16xi1>
    %get3A_36 = arith.constant 32 : index
    %get3A_37 = tpu.vector_load %arg4[%get3A_36] {strides = array<i32>} : memref<512xi32, #tpu.memory_space<vmem>>, vector<16xi32>,
    %add3A_38 = arith.constant 32 : i32
    %add3A_39 = vector.broadcast %add3A_38 : i32 to vector<16xi32>
    %add3A_40 = arith.addi %iota3A, %add3A_39 : vector<16xi32>
    %ge3A_41 = arith.constant 0 : i32
    %ge3A_42 = vector.broadcast %ge3A_41 : i32 to vector<16xi32>
    %ge3A_43 = arith.cmpi sge, %get3A_37, %ge3A_42 : vector<16xi32>
    %lt3A_44 = arith.constant 504 : i32
    %lt3A_45 = vector.broadcast %lt3A_44 : i32 to vector<16xi32>
    %lt3A_46 = arith.cmpi slt, %get3A_37, %lt3A_45 : vector<16xi32>
    %and3A_47 = arith.andi %ge3A_43, %lt3A_46 : vector<16xi1>
    %sub3A_48 = arith.constant 0 : i32
    %sub3A_49 = vector.broadcast %sub3A_48 : i32 to vector<16xi32>
    %sub3A_50 = arith.subi %get3A_37, %sub3A_49 : vector<16xi32>
    tpu.vector_store_idx %arg5[%sub3A_50, %add3A_40], %broadcast_in_dim3A_5 masked %and3A_47 : memref<504x128xf32, #tpu.memory_space<vmem>>[vector<16xi32>, vector<16xi32>], vector<16xf32>, vector<16xi1>
    %get3A_51 = arith.constant 48 : index
    %get3A_52 = tpu.vector_load %arg4[%get3A_51] {strides = array<i32>} : memref<512xi32, #tpu.memory_space<vmem>>, vector<16xi32>,
    %add3A_53 = arith.constant 48 : i32
    %add3A_54 = vector.broadcast %add3A_53 : i32 to vector<16xi32>
    %add3A_55 = arith.addi %iota3A, %add3A_54 : vector<16xi32>
    %ge3A_56 = arith.constant 0 : i32
    %ge3A_57 = vector.broadcast %ge3A_56 : i32 to vector<16xi32>
    %ge3A_58 = arith.cmpi sge, %get3A_52, %ge3A_57 : vector<16xi32>
    %lt3A_59 = arith.constant 504 : i32
    %lt3A_60 = vector.broadcast %lt3A_59 : i32 to vector<16xi32>
    %lt3A_61 = arith.cmpi slt, %get3A_52, %lt3A_60 : vector<16xi32>
    %and3A_62 = arith.andi %ge3A_58, %lt3A_61 : vector<16xi1>
    %sub3A_63 = arith.constant 0 : i32
    %sub3A_64 = vector.broadcast %sub3A_63 : i32 to vector<16xi32>
    %sub3A_65 = arith.subi %get3A_52, %sub3A_64 : vector<16xi32>
    tpu.vector_store_idx %arg5[%sub3A_65, %add3A_55], %broadcast_in_dim3A_5 masked %and3A_62 : memref<504x128xf32, #tpu.memory_space<vmem>>[vector<16xi32>, vector<16xi32>], vector<16xf32>, vector<16xi1>
    %get3A_66 = arith.constant 64 : index
    %get3A_67 = tpu.vector_load %arg4[%get3A_66] {strides = array<i32>} : memref<512xi32, #tpu.memory_space<vmem>>, vector<16xi32>,
    %add3A_68 = arith.constant 64 : i32
    %add3A_69 = vector.broadcast %add3A_68 : i32 to vector<16xi32>
    %add3A_70 = arith.addi %iota3A, %add3A_69 : vector<16xi32>
    %ge3A_71 = arith.constant 0 : i32
    %ge3A_72 = vector.broadcast %ge3A_71 : i32 to vector<16xi32>
    %ge3A_73 = arith.cmpi sge, %get3A_67, %ge3A_72 : vector<16xi32>
    %lt3A_74 = arith.constant 504 : i32
    %lt3A_75 = vector.broadcast %lt3A_74 : i32 to vector<16xi32>
    %lt3A_76 = arith.cmpi slt, %get3A_67, %lt3A_75 : vector<16xi32>
    %and3A_77 = arith.andi %ge3A_73, %lt3A_76 : vector<16xi1>
    %sub3A_78 = arith.constant 0 : i32
    %sub3A_79 = vector.broadcast %sub3A_78 : i32 to vector<16xi32>
    %sub3A_80 = arith.subi %get3A_67, %sub3A_79 : vector<16xi32>
    tpu.vector_store_idx %arg5[%sub3A_80, %add3A_70], %broadcast_in_dim3A_5 masked %and3A_77 : memref<504x128xf32, #tpu.memory_space<vmem>>[vector<16xi32>, vector<16xi32>], vector<16xf32>, vector<16xi1>
    %get3A_81 = arith.constant 80 : index
    %get3A_82 = tpu.vector_load %arg4[%get3A_81] {strides = array<i32>} : memref<512xi32, #tpu.memory_space<vmem>>, vector<16xi32>,
    %add3A_83 = arith.constant 80 : i32
    %add3A_84 = vector.broadcast %add3A_83 : i32 to vector<16xi32>
    %add3A_85 = arith.addi %iota3A, %add3A_84 : vector<16xi32>
    %ge3A_86 = arith.constant 0 : i32
    %ge3A_87 = vector.broadcast %ge3A_86 : i32 to vector<16xi32>
    %ge3A_88 = arith.cmpi sge, %get3A_82, %ge3A_87 : vector<16xi32>
    %lt3A_89 = arith.constant 504 : i32
    %lt3A_90 = vector.broadcast %lt3A_89 : i32 to vector<16xi32>
    %lt3A_91 = arith.cmpi slt, %get3A_82, %lt3A_90 : vector<16xi32>
    %and3A_92 = arith.andi %ge3A_88, %lt3A_91 : vector<16xi1>
    %sub3A_93 = arith.constant 0 : i32
    %sub3A_94 = vector.broadcast %sub3A_93 : i32 to vector<16xi32>
    %sub3A_95 = arith.subi %get3A_82, %sub3A_94 : vector<16xi32>
    tpu.vector_store_idx %arg5[%sub3A_95, %add3A_85], %broadcast_in_dim3A_5 masked %and3A_92 : memref<504x128xf32, #tpu.memory_space<vmem>>[vector<16xi32>, vector<16xi32>], vector<16xf32>, vector<16xi1>
    %get3A_96 = arith.constant 96 : index
    %get3A_97 = tpu.vector_load %arg4[%get3A_96] {strides = array<i32>} : memref<512xi32, #tpu.memory_space<vmem>>, vector<16xi32>,
    %add3A_98 = arith.constant 96 : i32
    %add3A_99 = vector.broadcast %add3A_98 : i32 to vector<16xi32>
    %add3A_100 = arith.addi %iota3A, %add3A_99 : vector<16xi32>
    %ge3A_101 = arith.constant 0 : i32
    %ge3A_102 = vector.broadcast %ge3A_101 : i32 to vector<16xi32>
    %ge3A_103 = arith.cmpi sge, %get3A_97, %ge3A_102 : vector<16xi32>
    %lt3A_104 = arith.constant 504 : i32
    %lt3A_105 = vector.broadcast %lt3A_104 : i32 to vector<16xi32>
    %lt3A_106 = arith.cmpi slt, %get3A_97, %lt3A_105 : vector<16xi32>
    %and3A_107 = arith.andi %ge3A_103, %lt3A_106 : vector<16xi1>
    %sub3A_108 = arith.constant 0 : i32
    %sub3A_109 = vector.broadcast %sub3A_108 : i32 to vector<16xi32>
    %sub3A_110 = arith.subi %get3A_97, %sub3A_109 : vector<16xi32>
    tpu.vector_store_idx %arg5[%sub3A_110, %add3A_100], %broadcast_in_dim3A_5 masked %and3A_107 : memref<504x128xf32, #tpu.memory_space<vmem>>[vector<16xi32>, vector<16xi32>], vector<16xf32>, vector<16xi1>
    %get3A_111 = arith.constant 112 : index
    %get3A_112 = tpu.vector_load %arg4[%get3A_111] {strides = array<i32>} : memref<512xi32, #tpu.memory_space<vmem>>, vector<16xi32>,
    %add3A_113 = arith.constant 112 : i32
    %add3A_114 = vector.broadcast %add3A_113 : i32 to vector<16xi32>
    %add3A_115 = arith.addi %iota3A, %add3A_114 : vector<16xi32>
    %ge3A_116 = arith.constant 0 : i32
    %ge3A_117 = vector.broadcast %ge3A_116 : i32 to vector<16xi32>
    %ge3A_118 = arith.cmpi sge, %get3A_112, %ge3A_117 : vector<16xi32>
    %lt3A_119 = arith.constant 504 : i32
    %lt3A_120 = vector.broadcast %lt3A_119 : i32 to vector<16xi32>
    %lt3A_121 = arith.cmpi slt, %get3A_112, %lt3A_120 : vector<16xi32>
    %and3A_122 = arith.andi %ge3A_118, %lt3A_121 : vector<16xi1>
    %sub3A_123 = arith.constant 0 : i32
    %sub3A_124 = vector.broadcast %sub3A_123 : i32 to vector<16xi32>
    %sub3A_125 = arith.subi %get3A_112, %sub3A_124 : vector<16xi32>
    tpu.vector_store_idx %arg5[%sub3A_125, %add3A_115], %broadcast_in_dim3A_5 masked %and3A_122 : memref<504x128xf32, #tpu.memory_space<vmem>>[vector<16xi32>, vector<16xi32>], vector<16xf32>, vector<16xi1>
    %add3A_126 = arith.constant 0 : i32
    %add3A_127 = arith.addi %mul3A_2, %add3A_126 : i32
    %dma_start3A = arith.constant 0 : i32
    %dma_start3A_128 = tpu.memref_slice %arg3[%dma_start3A, %add3A_127] : memref<1000x16384xf32, #tpu.memory_space<hbm>> -> memref<504x128xf32, #tpu.memory_space<hbm>>
    %dma_start3A_129 = arith.constant 0 : i32
    %dma_start3A_130 = tpu.memref_slice %arg3[%dma_start3A_129, %add3A_127] : memref<1000x16384xf32, #tpu.memory_space<hbm>> -> memref<504x128xf32, #tpu.memory_space<hbm>>
    tpu.enqueue_dma source(%arg5 : memref<504x128xf32, #tpu.memory_space<vmem>>) target(%dma_start3A_130 : memref<504x128xf32, #tpu.memory_space<hbm>>) target_semaphore(%arg7 : memref<!tpu.dma_semaphore, #tpu.memory_space<semaphore_mem>>)
    %scan3A_131 = arith.constant 0 : i32
    %scan3A_132 = arith.constant 0 : i32
    %scan3A_133 = arith.constant 504 : i32
    %scan3A_134 = arith.addi %scan3A_132, %scan3A_133 : i32
    %scan3A_135 = arith.constant 1 : i32
    scf.for %scan3A_1818 = %scan3A_132 to %scan3A_134 step %scan3A_135  : i32 {
      %swap3A = arith.index_cast %scan3A_1818 : i32 to index
      %swap3A_1819 = arith.constant 0 : index
      %swap3A_1820 = tpu.vector_load %arg6[%swap3A, %swap3A_1819] {strides = array<i32>} : memref<504x128xf32, #tpu.memory_space<vmem>>, vector<16xf32>,
      tpu.vector_store %arg6[%swap3A, %swap3A_1819], %broadcast_in_dim3A_3 {strides = array<i32>} : memref<504x128xf32, #tpu.memory_space<vmem>>, vector<16xf32>,
      %swap3A_1821 = arith.index_cast %scan3A_1818 : i32 to index
      %swap3A_1822 = arith.constant 16 : index
      %swap3A_1823 = tpu.vector_load %arg6[%swap3A_1821, %swap3A_1822] {strides = array<i32>} : memref<504x128xf32, #tpu.memory_space<vmem>>, vector<16xf32>,
      tpu.vector_store %arg6[%swap3A_1821, %swap3A_1822], %broadcast_in_dim3A_3 {strides = array<i32>} : memref<504x128xf32, #tpu.memory_space<vmem>>, vector<16xf32>,
      %swap3A_1824 = arith.index_cast %scan3A_1818 : i32 to index
      %swap3A_1825 = arith.constant 32 : index
      %swap3A_1826 = tpu.vector_load %arg6[%swap3A_1824, %swap3A_1825] {strides = array<i32>} : memref<504x128xf32, #tpu.memory_space<vmem>>, vector<16xf32>,
      tpu.vector_store %arg6[%swap3A_1824, %swap3A_1825], %broadcast_in_dim3A_3 {strides = array<i32>} : memref<504x128xf32, #tpu.memory_space<vmem>>, vector<16xf32>,
      %swap3A_1827 = arith.index_cast %scan3A_1818 : i32 to index
      %swap3A_1828 = arith.constant 48 : index
      %swap3A_1829 = tpu.vector_load %arg6[%swap3A_1827, %swap3A_1828] {strides = array<i32>} : memref<504x128xf32, #tpu.memory_space<vmem>>, vector<16xf32>,
      tpu.vector_store %arg6[%swap3A_1827, %swap3A_1828], %broadcast_in_dim3A_3 {strides = array<i32>} : memref<504x128xf32, #tpu.memory_space<vmem>>, vector<16xf32>,
      %swap3A_1830 = arith.index_cast %scan3A_1818 : i32 to index
      %swap3A_1831 = arith.constant 64 : index
      %swap3A_1832 = tpu.vector_load %arg6[%swap3A_1830, %swap3A_1831] {strides = array<i32>} : memref<504x128xf32, #tpu.memory_space<vmem>>, vector<16xf32>,
      tpu.vector_store %arg6[%swap3A_1830, %swap3A_1831], %broadcast_in_dim3A_3 {strides = array<i32>} : memref<504x128xf32, #tpu.memory_space<vmem>>, vector<16xf32>,
      %swap3A_1833 = arith.index_cast %scan3A_1818 : i32 to index
      %swap3A_1834 = arith.constant 80 : index
      %swap3A_1835 = tpu.vector_load %arg6[%swap3A_1833, %swap3A_1834] {strides = array<i32>} : memref<504x128xf32, #tpu.memory_space<vmem>>, vector<16xf32>,
      tpu.vector_store %arg6[%swap3A_1833, %swap3A_1834], %broadcast_in_dim3A_3 {strides = array<i32>} : memref<504x128xf32, #tpu.memory_space<vmem>>, vector<16xf32>,
      %swap3A_1836 = arith.index_cast %scan3A_1818 : i32 to index
      %swap3A_1837 = arith.constant 96 : index
      %swap3A_1838 = tpu.vector_load %arg6[%swap3A_1836, %swap3A_1837] {strides = array<i32>} : memref<504x128xf32, #tpu.memory_space<vmem>>, vector<16xf32>,
      tpu.vector_store %arg6[%swap3A_1836, %swap3A_1837], %broadcast_in_dim3A_3 {strides = array<i32>} : memref<504x128xf32, #tpu.memory_space<vmem>>, vector<16xf32>,
      %swap3A_1839 = arith.index_cast %scan3A_1818 : i32 to index
      %swap3A_1840 = arith.constant 112 : index
      %swap3A_1841 = tpu.vector_load %arg6[%swap3A_1839, %swap3A_1840] {strides = array<i32>} : memref<504x128xf32, #tpu.memory_space<vmem>>, vector<16xf32>,
      tpu.vector_store %arg6[%swap3A_1839, %swap3A_1840], %broadcast_in_dim3A_3 {strides = array<i32>} : memref<504x128xf32, #tpu.memory_space<vmem>>, vector<16xf32>,
    }
    %scan3A_136 = arith.constant 504 : i32
    %get3A_137 = arith.constant 0 : index
    %get3A_138 = tpu.vector_load %arg4[%get3A_137] {strides = array<i32>} : memref<512xi32, #tpu.memory_space<vmem>>, vector<16xi32>,
    %add3A_139 = arith.constant 0 : i32
    %add3A_140 = vector.broadcast %add3A_139 : i32 to vector<16xi32>
    %add3A_141 = arith.addi %iota3A, %add3A_140 : vector<16xi32>
    %ge3A_142 = arith.constant 504 : i32
    %ge3A_143 = vector.broadcast %ge3A_142 : i32 to vector<16xi32>
    %ge3A_144 = arith.cmpi sge, %get3A_138, %ge3A_143 : vector<16xi32>
    %lt3A_145 = arith.constant 1000 : i32
    %lt3A_146 = vector.broadcast %lt3A_145 : i32 to vector<16xi32>
    %lt3A_147 = arith.cmpi slt, %get3A_138, %lt3A_146 : vector<16xi32>
    %and3A_148 = arith.andi %ge3A_144, %lt3A_147 : vector<16xi1>
    %sub3A_149 = arith.constant 504 : i32
    %sub3A_150 = vector.broadcast %sub3A_149 : i32 to vector<16xi32>
    %sub3A_151 = arith.subi %get3A_138, %sub3A_150 : vector<16xi32>
    tpu.vector_store_idx %arg6[%sub3A_151, %add3A_141], %broadcast_in_dim3A_5 masked %and3A_148 : memref<504x128xf32, #tpu.memory_space<vmem>>[vector<16xi32>, vector<16xi32>], vector<16xf32>, vector<16xi1>
    %get3A_152 = arith.constant 16 : index
    %get3A_153 = tpu.vector_load %arg4[%get3A_152] {strides = array<i32>} : memref<512xi32, #tpu.memory_space<vmem>>, vector<16xi32>,
    %add3A_154 = arith.constant 16 : i32
    %add3A_155 = vector.broadcast %add3A_154 : i32 to vector<16xi32>
    %add3A_156 = arith.addi %iota3A, %add3A_155 : vector<16xi32>
    %ge3A_157 = arith.constant 504 : i32
    %ge3A_158 = vector.broadcast %ge3A_157 : i32 to vector<16xi32>
    %ge3A_159 = arith.cmpi sge, %get3A_153, %ge3A_158 : vector<16xi32>
    %lt3A_160 = arith.constant 1000 : i32
    %lt3A_161 = vector.broadcast %lt3A_160 : i32 to vector<16xi32>
    %lt3A_162 = arith.cmpi slt, %get3A_153, %lt3A_161 : vector<16xi32>
    %and3A_163 = arith.andi %ge3A_159, %lt3A_162 : vector<16xi1>
    %sub3A_164 = arith.constant 504 : i32
    %sub3A_165 = vector.broadcast %sub3A_164 : i32 to vector<16xi32>
    %sub3A_166 = arith.subi %get3A_153, %sub3A_165 : vector<16xi32>
    tpu.vector_store_idx %arg6[%sub3A_166, %add3A_156], %broadcast_in_dim3A_5 masked %and3A_163 : memref<504x128xf32, #tpu.memory_space<vmem>>[vector<16xi32>, vector<16xi32>], vector<16xf32>, vector<16xi1>
    %get3A_167 = arith.constant 32 : index
    %get3A_168 = tpu.vector_load %arg4[%get3A_167] {strides = array<i32>} : memref<512xi32, #tpu.memory_space<vmem>>, vector<16xi32>,
    %add3A_169 = arith.constant 32 : i32
    %add3A_170 = vector.broadcast %add3A_169 : i32 to vector<16xi32>
    %add3A_171 = arith.addi %iota3A, %add3A_170 : vector<16xi32>
    %ge3A_172 = arith.constant 504 : i32
    %ge3A_173 = vector.broadcast %ge3A_172 : i32 to vector<16xi32>
    %ge3A_174 = arith.cmpi sge, %get3A_168, %ge3A_173 : vector<16xi32>
    %lt3A_175 = arith.constant 1000 : i32
    %lt3A_176 = vector.broadcast %lt3A_175 : i32 to vector<16xi32>
    %lt3A_177 = arith.cmpi slt, %get3A_168, %lt3A_176 : vector<16xi32>
    %and3A_178 = arith.andi %ge3A_174, %lt3A_177 : vector<16xi1>
    %sub3A_179 = arith.constant 504 : i32
    %sub3A_180 = vector.broadcast %sub3A_179 : i32 to vector<16xi32>
    %sub3A_181 = arith.subi %get3A_168, %sub3A_180 : vector<16xi32>
    tpu.vector_store_idx %arg6[%sub3A_181, %add3A_171], %broadcast_in_dim3A_5 masked %and3A_178 : memref<504x128xf32, #tpu.memory_space<vmem>>[vector<16xi32>, vector<16xi32>], vector<16xf32>, vector<16xi1>
    %get3A_182 = arith.constant 48 : index
    %get3A_183 = tpu.vector_load %arg4[%get3A_182] {strides = array<i32>} : memref<512xi32, #tpu.memory_space<vmem>>, vector<16xi32>,
    %add3A_184 = arith.constant 48 : i32
    %add3A_185 = vector.broadcast %add3A_184 : i32 to vector<16xi32>
    %add3A_186 = arith.addi %iota3A, %add3A_185 : vector<16xi32>
    %ge3A_187 = arith.constant 504 : i32
    %ge3A_188 = vector.broadcast %ge3A_187 : i32 to vector<16xi32>
    %ge3A_189 = arith.cmpi sge, %get3A_183, %ge3A_188 : vector<16xi32>
    %lt3A_190 = arith.constant 1000 : i32
    %lt3A_191 = vector.broadcast %lt3A_190 : i32 to vector<16xi32>
    %lt3A_192 = arith.cmpi slt, %get3A_183, %lt3A_191 : vector<16xi32>
    %and3A_193 = arith.andi %ge3A_189, %lt3A_192 : vector<16xi1>
    %sub3A_194 = arith.constant 504 : i32
    %sub3A_195 = vector.broadcast %sub3A_194 : i32 to vector<16xi32>
    %sub3A_196 = arith.subi %get3A_183, %sub3A_195 : vector<16xi32>
    tpu.vector_store_idx %arg6[%sub3A_196, %add3A_186], %broadcast_in_dim3A_5 masked %and3A_193 : memref<504x128xf32, #tpu.memory_space<vmem>>[vector<16xi32>, vector<16xi32>], vector<16xf32>, vector<16xi1>
    %get3A_197 = arith.constant 64 : index
    %get3A_198 = tpu.vector_load %arg4[%get3A_197] {strides = array<i32>} : memref<512xi32, #tpu.memory_space<vmem>>, vector<16xi32>,
    %add3A_199 = arith.constant 64 : i32
    %add3A_200 = vector.broadcast %add3A_199 : i32 to vector<16xi32>
    %add3A_201 = arith.addi %iota3A, %add3A_200 : vector<16xi32>
    %ge3A_202 = arith.constant 504 : i32
    %ge3A_203 = vector.broadcast %ge3A_202 : i32 to vector<16xi32>
    %ge3A_204 = arith.cmpi sge, %get3A_198, %ge3A_203 : vector<16xi32>
    %lt3A_205 = arith.constant 1000 : i32
    %lt3A_206 = vector.broadcast %lt3A_205 : i32 to vector<16xi32>
    %lt3A_207 = arith.cmpi slt, %get3A_198, %lt3A_206 : vector<16xi32>
    %and3A_208 = arith.andi %ge3A_204, %lt3A_207 : vector<16xi1>
    %sub3A_209 = arith.constant 504 : i32
    %sub3A_210 = vector.broadcast %sub3A_209 : i32 to vector<16xi32>
    %sub3A_211 = arith.subi %get3A_198, %sub3A_210 : vector<16xi32>
    tpu.vector_store_idx %arg6[%sub3A_211, %add3A_201], %broadcast_in_dim3A_5 masked %and3A_208 : memref<504x128xf32, #tpu.memory_space<vmem>>[vector<16xi32>, vector<16xi32>], vector<16xf32>, vector<16xi1>
    %get3A_212 = arith.constant 80 : index
    %get3A_213 = tpu.vector_load %arg4[%get3A_212] {strides = array<i32>} : memref<512xi32, #tpu.memory_space<vmem>>, vector<16xi32>,
    %add3A_214 = arith.constant 80 : i32
    %add3A_215 = vector.broadcast %add3A_214 : i32 to vector<16xi32>
    %add3A_216 = arith.addi %iota3A, %add3A_215 : vector<16xi32>
    %ge3A_217 = arith.constant 504 : i32
    %ge3A_218 = vector.broadcast %ge3A_217 : i32 to vector<16xi32>
    %ge3A_219 = arith.cmpi sge, %get3A_213, %ge3A_218 : vector<16xi32>
    %lt3A_220 = arith.constant 1000 : i32
    %lt3A_221 = vector.broadcast %lt3A_220 : i32 to vector<16xi32>
    %lt3A_222 = arith.cmpi slt, %get3A_213, %lt3A_221 : vector<16xi32>
    %and3A_223 = arith.andi %ge3A_219, %lt3A_222 : vector<16xi1>
    %sub3A_224 = arith.constant 504 : i32
    %sub3A_225 = vector.broadcast %sub3A_224 : i32 to vector<16xi32>
    %sub3A_226 = arith.subi %get3A_213, %sub3A_225 : vector<16xi32>
    tpu.vector_store_idx %arg6[%sub3A_226, %add3A_216], %broadcast_in_dim3A_5 masked %and3A_223 : memref<504x128xf32, #tpu.memory_space<vmem>>[vector<16xi32>, vector<16xi32>], vector<16xf32>, vector<16xi1>
    %get3A_227 = arith.constant 96 : index
    %get3A_228 = tpu.vector_load %arg4[%get3A_227] {strides = array<i32>} : memref<512xi32, #tpu.memory_space<vmem>>, vector<16xi32>,
    %add3A_229 = arith.constant 96 : i32
    %add3A_230 = vector.broadcast %add3A_229 : i32 to vector<16xi32>
    %add3A_231 = arith.addi %iota3A, %add3A_230 : vector<16xi32>
    %ge3A_232 = arith.constant 504 : i32
    %ge3A_233 = vector.broadcast %ge3A_232 : i32 to vector<16xi32>
    %ge3A_234 = arith.cmpi sge, %get3A_228, %ge3A_233 : vector<16xi32>
    %lt3A_235 = arith.constant 1000 : i32
    %lt3A_236 = vector.broadcast %lt3A_235 : i32 to vector<16xi32>
    %lt3A_237 = arith.cmpi slt, %get3A_228, %lt3A_236 : vector<16xi32>
    %and3A_238 = arith.andi %ge3A_234, %lt3A_237 : vector<16xi1>
    %sub3A_239 = arith.constant 504 : i32
    %sub3A_240 = vector.broadcast %sub3A_239 : i32 to vector<16xi32>
    %sub3A_241 = arith.subi %get3A_228, %sub3A_240 : vector<16xi32>
    tpu.vector_store_idx %arg6[%sub3A_241, %add3A_231], %broadcast_in_dim3A_5 masked %and3A_238 : memref<504x128xf32, #tpu.memory_space<vmem>>[vector<16xi32>, vector<16xi32>], vector<16xf32>, vector<16xi1>
    %get3A_242 = arith.constant 112 : index
    %get3A_243 = tpu.vector_load %arg4[%get3A_242] {strides = array<i32>} : memref<512xi32, #tpu.memory_space<vmem>>, vector<16xi32>,
    %add3A_244 = arith.constant 112 : i32
    %add3A_245 = vector.broadcast %add3A_244 : i32 to vector<16xi32>
    %add3A_246 = arith.addi %iota3A, %add3A_245 : vector<16xi32>
    %ge3A_247 = arith.constant 504 : i32
    %ge3A_248 = vector.broadcast %ge3A_247 : i32 to vector<16xi32>
    %ge3A_249 = arith.cmpi sge, %get3A_243, %ge3A_248 : vector<16xi32>
    %lt3A_250 = arith.constant 1000 : i32
    %lt3A_251 = vector.broadcast %lt3A_250 : i32 to vector<16xi32>
    %lt3A_252 = arith.cmpi slt, %get3A_243, %lt3A_251 : vector<16xi32>
    %and3A_253 = arith.andi %ge3A_249, %lt3A_252 : vector<16xi1>
    %sub3A_254 = arith.constant 504 : i32
    %sub3A_255 = vector.broadcast %sub3A_254 : i32 to vector<16xi32>
    %sub3A_256 = arith.subi %get3A_243, %sub3A_255 : vector<16xi32>
    tpu.vector_store_idx %arg6[%sub3A_256, %add3A_246], %broadcast_in_dim3A_5 masked %and3A_253 : memref<504x128xf32, #tpu.memory_space<vmem>>[vector<16xi32>, vector<16xi32>], vector<16xf32>, vector<16xi1>
    %add3A_257 = arith.constant 0 : i32
    %add3A_258 = arith.addi %mul3A_2, %add3A_257 : i32
    %dma_start3A_259 = arith.constant 0 : i32
    %dma_start3A_260 = arith.constant 0 : i32
    %dma_start3A_261 = tpu.memref_slice %arg6[%dma_start3A_259, %dma_start3A_260] : memref<504x128xf32, #tpu.memory_space<vmem>> -> memref<496x128xf32, #tpu.memory_space<vmem>>
    %dma_start3A_262 = arith.constant 504 : i32
    %dma_start3A_263 = tpu.memref_slice %arg3[%dma_start3A_262, %add3A_258] : memref<1000x16384xf32, #tpu.memory_space<hbm>> -> memref<496x128xf32, #tpu.memory_space<hbm>>
    %dma_start3A_264 = arith.constant 504 : i32
    %dma_start3A_265 = tpu.memref_slice %arg3[%dma_start3A_264, %add3A_258] : memref<1000x16384xf32, #tpu.memory_space<hbm>> -> memref<496x128xf32, #tpu.memory_space<hbm>>
    %dma_start3A_266 = arith.constant 0 : i32
    %dma_start3A_267 = arith.constant 0 : i32
    %dma_start3A_268 = tpu.memref_slice %arg6[%dma_start3A_266, %dma_start3A_267] : memref<504x128xf32, #tpu.memory_space<vmem>> -> memref<496x128xf32, #tpu.memory_space<vmem>>
    tpu.enqueue_dma source(%dma_start3A_268 : memref<496x128xf32, #tpu.memory_space<vmem>>) target(%dma_start3A_265 : memref<496x128xf32, #tpu.memory_space<hbm>>) target_semaphore(%arg8 : memref<!tpu.dma_semaphore, #tpu.memory_space<semaphore_mem>>)
    %dma_wait3A = arith.constant 0 : i32
    %dma_wait3A_269 = tpu.memref_slice %arg3[%dma_wait3A, %add3A_127] : memref<1000x16384xf32, #tpu.memory_space<hbm>> -> memref<504x128xf32, #tpu.memory_space<hbm>>
    %dma_wait3A_270 = arith.constant 0 : i32
    %dma_wait3A_271 = tpu.memref_slice %arg3[%dma_wait3A_270, %add3A_127] : memref<1000x16384xf32, #tpu.memory_space<hbm>> -> memref<504x128xf32, #tpu.memory_space<hbm>>
    tpu.wait_dma2 semaphore(%arg7 : memref<!tpu.dma_semaphore, #tpu.memory_space<semaphore_mem>>) src(%arg5 : memref<504x128xf32, #tpu.memory_space<vmem>>) dst(%dma_wait3A_271 : memref<504x128xf32, #tpu.memory_space<hbm>>)
    %get3A_272 = arith.constant 0 : index
    %get3A_273 = tpu.vector_load %arg4[%get3A_272] {strides = array<i32>} : memref<512xi32, #tpu.memory_space<vmem>>, vector<16xi32>,
    %add3A_274 = arith.constant 0 : i32
    %add3A_275 = vector.broadcast %add3A_274 : i32 to vector<16xi32>
    %add3A_276 = arith.addi %iota3A, %add3A_275 : vector<16xi32>
    %ge3A_277 = arith.constant 0 : i32
    %ge3A_278 = vector.broadcast %ge3A_277 : i32 to vector<16xi32>
    %ge3A_279 = arith.cmpi sge, %get3A_273, %ge3A_278 : vector<16xi32>
    %lt3A_280 = arith.constant 504 : i32
    %lt3A_281 = vector.broadcast %lt3A_280 : i32 to vector<16xi32>
    %lt3A_282 = arith.cmpi slt, %get3A_273, %lt3A_281 : vector<16xi32>
    %and3A_283 = arith.andi %ge3A_279, %lt3A_282 : vector<16xi1>
    %sub3A_284 = arith.constant 0 : i32
    %sub3A_285 = vector.broadcast %sub3A_284 : i32 to vector<16xi32>
    %sub3A_286 = arith.subi %get3A_273, %sub3A_285 : vector<16xi32>
    tpu.vector_store_idx %arg5[%sub3A_286, %add3A_276], %broadcast_in_dim3A_3 masked %and3A_283 : memref<504x128xf32, #tpu.memory_space<vmem>>[vector<16xi32>, vector<16xi32>], vector<16xf32>, vector<16xi1>
    %get3A_287 = arith.constant 16 : index
    %get3A_288 = tpu.vector_load %arg4[%get3A_287] {strides = array<i32>} : memref<512xi32, #tpu.memory_space<vmem>>, vector<16xi32>,
    %add3A_289 = arith.constant 16 : i32
    %add3A_290 = vector.broadcast %add3A_289 : i32 to vector<16xi32>
    %add3A_291 = arith.addi %iota3A, %add3A_290 : vector<16xi32>
    %ge3A_292 = arith.constant 0 : i32
    %ge3A_293 = vector.broadcast %ge3A_292 : i32 to vector<16xi32>
    %ge3A_294 = arith.cmpi sge, %get3A_288, %ge3A_293 : vector<16xi32>
    %lt3A_295 = arith.constant 504 : i32
    %lt3A_296 = vector.broadcast %lt3A_295 : i32 to vector<16xi32>
    %lt3A_297 = arith.cmpi slt, %get3A_288, %lt3A_296 : vector<16xi32>
    %and3A_298 = arith.andi %ge3A_294, %lt3A_297 : vector<16xi1>
    %sub3A_299 = arith.constant 0 : i32
    %sub3A_300 = vector.broadcast %sub3A_299 : i32 to vector<16xi32>
    %sub3A_301 = arith.subi %get3A_288, %sub3A_300 : vector<16xi32>
    tpu.vector_store_idx %arg5[%sub3A_301, %add3A_291], %broadcast_in_dim3A_3 masked %and3A_298 : memref<504x128xf32, #tpu.memory_space<vmem>>[vector<16xi32>, vector<16xi32>], vector<16xf32>, vector<16xi1>
    %get3A_302 = arith.constant 32 : index
    %get3A_303 = tpu.vector_load %arg4[%get3A_302] {strides = array<i32>} : memref<512xi32, #tpu.memory_space<vmem>>, vector<16xi32>,
    %add3A_304 = arith.constant 32 : i32
    %add3A_305 = vector.broadcast %add3A_304 : i32 to vector<16xi32>
    %add3A_306 = arith.addi %iota3A, %add3A_305 : vector<16xi32>
    %ge3A_307 = arith.constant 0 : i32
    %ge3A_308 = vector.broadcast %ge3A_307 : i32 to vector<16xi32>
    %ge3A_309 = arith.cmpi sge, %get3A_303, %ge3A_308 : vector<16xi32>
    %lt3A_310 = arith.constant 504 : i32
    %lt3A_311 = vector.broadcast %lt3A_310 : i32 to vector<16xi32>
    %lt3A_312 = arith.cmpi slt, %get3A_303, %lt3A_311 : vector<16xi32>
    %and3A_313 = arith.andi %ge3A_309, %lt3A_312 : vector<16xi1>
    %sub3A_314 = arith.constant 0 : i32
    %sub3A_315 = vector.broadcast %sub3A_314 : i32 to vector<16xi32>
    %sub3A_316 = arith.subi %get3A_303, %sub3A_315 : vector<16xi32>
    tpu.vector_store_idx %arg5[%sub3A_316, %add3A_306], %broadcast_in_dim3A_3 masked %and3A_313 : memref<504x128xf32, #tpu.memory_space<vmem>>[vector<16xi32>, vector<16xi32>], vector<16xf32>, vector<16xi1>
    %get3A_317 = arith.constant 48 : index
    %get3A_318 = tpu.vector_load %arg4[%get3A_317] {strides = array<i32>} : memref<512xi32, #tpu.memory_space<vmem>>, vector<16xi32>,
    %add3A_319 = arith.constant 48 : i32
    %add3A_320 = vector.broadcast %add3A_319 : i32 to vector<16xi32>
    %add3A_321 = arith.addi %iota3A, %add3A_320 : vector<16xi32>
    %ge3A_322 = arith.constant 0 : i32
    %ge3A_323 = vector.broadcast %ge3A_322 : i32 to vector<16xi32>
    %ge3A_324 = arith.cmpi sge, %get3A_318, %ge3A_323 : vector<16xi32>
    %lt3A_325 = arith.constant 504 : i32
    %lt3A_326 = vector.broadcast %lt3A_325 : i32 to vector<16xi32>
    %lt3A_327 = arith.cmpi slt, %get3A_318, %lt3A_326 : vector<16xi32>
    %and3A_328 = arith.andi %ge3A_324, %lt3A_327 : vector<16xi1>
    %sub3A_329 = arith.constant 0 : i32
    %sub3A_330 = vector.broadcast %sub3A_329 : i32 to vector<16xi32>
    %sub3A_331 = arith.subi %get3A_318, %sub3A_330 : vector<16xi32>
    tpu.vector_store_idx %arg5[%sub3A_331, %add3A_321], %broadcast_in_dim3A_3 masked %and3A_328 : memref<504x128xf32, #tpu.memory_space<vmem>>[vector<16xi32>, vector<16xi32>], vector<16xf32>, vector<16xi1>
    %get3A_332 = arith.constant 64 : index
    %get3A_333 = tpu.vector_load %arg4[%get3A_332] {strides = array<i32>} : memref<512xi32, #tpu.memory_space<vmem>>, vector<16xi32>,
    %add3A_334 = arith.constant 64 : i32
    %add3A_335 = vector.broadcast %add3A_334 : i32 to vector<16xi32>
    %add3A_336 = arith.addi %iota3A, %add3A_335 : vector<16xi32>
    %ge3A_337 = arith.constant 0 : i32
    %ge3A_338 = vector.broadcast %ge3A_337 : i32 to vector<16xi32>
    %ge3A_339 = arith.cmpi sge, %get3A_333, %ge3A_338 : vector<16xi32>
    %lt3A_340 = arith.constant 504 : i32
    %lt3A_341 = vector.broadcast %lt3A_340 : i32 to vector<16xi32>
    %lt3A_342 = arith.cmpi slt, %get3A_333, %lt3A_341 : vector<16xi32>
    %and3A_343 = arith.andi %ge3A_339, %lt3A_342 : vector<16xi1>
    %sub3A_344 = arith.constant 0 : i32
    %sub3A_345 = vector.broadcast %sub3A_344 : i32 to vector<16xi32>
    %sub3A_346 = arith.subi %get3A_333, %sub3A_345 : vector<16xi32>
    tpu.vector_store_idx %arg5[%sub3A_346, %add3A_336], %broadcast_in_dim3A_3 masked %and3A_343 : memref<504x128xf32, #tpu.memory_space<vmem>>[vector<16xi32>, vector<16xi32>], vector<16xf32>, vector<16xi1>
    %get3A_347 = arith.constant 80 : index
    %get3A_348 = tpu.vector_load %arg4[%get3A_347] {strides = array<i32>} : memref<512xi32, #tpu.memory_space<vmem>>, vector<16xi32>,
    %add3A_349 = arith.constant 80 : i32
    %add3A_350 = vector.broadcast %add3A_349 : i32 to vector<16xi32>
    %add3A_351 = arith.addi %iota3A, %add3A_350 : vector<16xi32>
    %ge3A_352 = arith.constant 0 : i32
    %ge3A_353 = vector.broadcast %ge3A_352 : i32 to vector<16xi32>
    %ge3A_354 = arith.cmpi sge, %get3A_348, %ge3A_353 : vector<16xi32>
    %lt3A_355 = arith.constant 504 : i32
    %lt3A_356 = vector.broadcast %lt3A_355 : i32 to vector<16xi32>
    %lt3A_357 = arith.cmpi slt, %get3A_348, %lt3A_356 : vector<16xi32>
    %and3A_358 = arith.andi %ge3A_354, %lt3A_357 : vector<16xi1>
    %sub3A_359 = arith.constant 0 : i32
    %sub3A_360 = vector.broadcast %sub3A_359 : i32 to vector<16xi32>
    %sub3A_361 = arith.subi %get3A_348, %sub3A_360 : vector<16xi32>
    tpu.vector_store_idx %arg5[%sub3A_361, %add3A_351], %broadcast_in_dim3A_3 masked %and3A_358 : memref<504x128xf32, #tpu.memory_space<vmem>>[vector<16xi32>, vector<16xi32>], vector<16xf32>, vector<16xi1>
    %get3A_362 = arith.constant 96 : index
    %get3A_363 = tpu.vector_load %arg4[%get3A_362] {strides = array<i32>} : memref<512xi32, #tpu.memory_space<vmem>>, vector<16xi32>,
    %add3A_364 = arith.constant 96 : i32
    %add3A_365 = vector.broadcast %add3A_364 : i32 to vector<16xi32>
    %add3A_366 = arith.addi %iota3A, %add3A_365 : vector<16xi32>
    %ge3A_367 = arith.constant 0 : i32
    %ge3A_368 = vector.broadcast %ge3A_367 : i32 to vector<16xi32>
    %ge3A_369 = arith.cmpi sge, %get3A_363, %ge3A_368 : vector<16xi32>
    %lt3A_370 = arith.constant 504 : i32
    %lt3A_371 = vector.broadcast %lt3A_370 : i32 to vector<16xi32>
    %lt3A_372 = arith.cmpi slt, %get3A_363, %lt3A_371 : vector<16xi32>
    %and3A_373 = arith.andi %ge3A_369, %lt3A_372 : vector<16xi1>
    %sub3A_374 = arith.constant 0 : i32
    %sub3A_375 = vector.broadcast %sub3A_374 : i32 to vector<16xi32>
    %sub3A_376 = arith.subi %get3A_363, %sub3A_375 : vector<16xi32>
    tpu.vector_store_idx %arg5[%sub3A_376, %add3A_366], %broadcast_in_dim3A_3 masked %and3A_373 : memref<504x128xf32, #tpu.memory_space<vmem>>[vector<16xi32>, vector<16xi32>], vector<16xf32>, vector<16xi1>
    %get3A_377 = arith.constant 112 : index
    %get3A_378 = tpu.vector_load %arg4[%get3A_377] {strides = array<i32>} : memref<512xi32, #tpu.memory_space<vmem>>, vector<16xi32>,
    %add3A_379 = arith.constant 112 : i32
    %add3A_380 = vector.broadcast %add3A_379 : i32 to vector<16xi32>
    %add3A_381 = arith.addi %iota3A, %add3A_380 : vector<16xi32>
    %ge3A_382 = arith.constant 0 : i32
    %ge3A_383 = vector.broadcast %ge3A_382 : i32 to vector<16xi32>
    %ge3A_384 = arith.cmpi sge, %get3A_378, %ge3A_383 : vector<16xi32>
    %lt3A_385 = arith.constant 504 : i32
    %lt3A_386 = vector.broadcast %lt3A_385 : i32 to vector<16xi32>
    %lt3A_387 = arith.cmpi slt, %get3A_378, %lt3A_386 : vector<16xi32>
    %and3A_388 = arith.andi %ge3A_384, %lt3A_387 : vector<16xi1>
    %sub3A_389 = arith.constant 0 : i32
    %sub3A_390 = vector.broadcast %sub3A_389 : i32 to vector<16xi32>
    %sub3A_391 = arith.subi %get3A_378, %sub3A_390 : vector<16xi32>
    tpu.vector_store_idx %arg5[%sub3A_391, %add3A_381], %broadcast_in_dim3A_3 masked %and3A_388 : memref<504x128xf32, #tpu.memory_space<vmem>>[vector<16xi32>, vector<16xi32>], vector<16xf32>, vector<16xi1>
    %get3A_392 = arith.constant 128 : index
    %get3A_393 = tpu.vector_load %arg4[%get3A_392] {strides = array<i32>} : memref<512xi32, #tpu.memory_space<vmem>>, vector<16xi32>,
    %add3A_394 = arith.constant 0 : i32
    %add3A_395 = vector.broadcast %add3A_394 : i32 to vector<16xi32>
    %add3A_396 = arith.addi %iota3A, %add3A_395 : vector<16xi32>
    %ge3A_397 = arith.constant 0 : i32
    %ge3A_398 = vector.broadcast %ge3A_397 : i32 to vector<16xi32>
    %ge3A_399 = arith.cmpi sge, %get3A_393, %ge3A_398 : vector<16xi32>
    %lt3A_400 = arith.constant 504 : i32
    %lt3A_401 = vector.broadcast %lt3A_400 : i32 to vector<16xi32>
    %lt3A_402 = arith.cmpi slt, %get3A_393, %lt3A_401 : vector<16xi32>
    %and3A_403 = arith.andi %ge3A_399, %lt3A_402 : vector<16xi1>
    %sub3A_404 = arith.constant 0 : i32
    %sub3A_405 = vector.broadcast %sub3A_404 : i32 to vector<16xi32>
    %sub3A_406 = arith.subi %get3A_393, %sub3A_405 : vector<16xi32>
    tpu.vector_store_idx %arg5[%sub3A_406, %add3A_396], %broadcast_in_dim3A_5 masked %and3A_403 : memref<504x128xf32, #tpu.memory_space<vmem>>[vector<16xi32>, vector<16xi32>], vector<16xf32>, vector<16xi1>
    %get3A_407 = arith.constant 144 : index
    %get3A_408 = tpu.vector_load %arg4[%get3A_407] {strides = array<i32>} : memref<512xi32, #tpu.memory_space<vmem>>, vector<16xi32>,
    %add3A_409 = arith.constant 16 : i32
    %add3A_410 = vector.broadcast %add3A_409 : i32 to vector<16xi32>
    %add3A_411 = arith.addi %iota3A, %add3A_410 : vector<16xi32>
    %ge3A_412 = arith.constant 0 : i32
    %ge3A_413 = vector.broadcast %ge3A_412 : i32 to vector<16xi32>
    %ge3A_414 = arith.cmpi sge, %get3A_408, %ge3A_413 : vector<16xi32>
    %lt3A_415 = arith.constant 504 : i32
    %lt3A_416 = vector.broadcast %lt3A_415 : i32 to vector<16xi32>
    %lt3A_417 = arith.cmpi slt, %get3A_408, %lt3A_416 : vector<16xi32>
    %and3A_418 = arith.andi %ge3A_414, %lt3A_417 : vector<16xi1>
    %sub3A_419 = arith.constant 0 : i32
    %sub3A_420 = vector.broadcast %sub3A_419 : i32 to vector<16xi32>
    %sub3A_421 = arith.subi %get3A_408, %sub3A_420 : vector<16xi32>
    tpu.vector_store_idx %arg5[%sub3A_421, %add3A_411], %broadcast_in_dim3A_5 masked %and3A_418 : memref<504x128xf32, #tpu.memory_space<vmem>>[vector<16xi32>, vector<16xi32>], vector<16xf32>, vector<16xi1>
    %get3A_422 = arith.constant 160 : index
    %get3A_423 = tpu.vector_load %arg4[%get3A_422] {strides = array<i32>} : memref<512xi32, #tpu.memory_space<vmem>>, vector<16xi32>,
    %add3A_424 = arith.constant 32 : i32
    %add3A_425 = vector.broadcast %add3A_424 : i32 to vector<16xi32>
    %add3A_426 = arith.addi %iota3A, %add3A_425 : vector<16xi32>
    %ge3A_427 = arith.constant 0 : i32
    %ge3A_428 = vector.broadcast %ge3A_427 : i32 to vector<16xi32>
    %ge3A_429 = arith.cmpi sge, %get3A_423, %ge3A_428 : vector<16xi32>
    %lt3A_430 = arith.constant 504 : i32
    %lt3A_431 = vector.broadcast %lt3A_430 : i32 to vector<16xi32>
    %lt3A_432 = arith.cmpi slt, %get3A_423, %lt3A_431 : vector<16xi32>
    %and3A_433 = arith.andi %ge3A_429, %lt3A_432 : vector<16xi1>
    %sub3A_434 = arith.constant 0 : i32
    %sub3A_435 = vector.broadcast %sub3A_434 : i32 to vector<16xi32>
    %sub3A_436 = arith.subi %get3A_423, %sub3A_435 : vector<16xi32>
    tpu.vector_store_idx %arg5[%sub3A_436, %add3A_426], %broadcast_in_dim3A_5 masked %and3A_433 : memref<504x128xf32, #tpu.memory_space<vmem>>[vector<16xi32>, vector<16xi32>], vector<16xf32>, vector<16xi1>
    %get3A_437 = arith.constant 176 : index
    %get3A_438 = tpu.vector_load %arg4[%get3A_437] {strides = array<i32>} : memref<512xi32, #tpu.memory_space<vmem>>, vector<16xi32>,
    %add3A_439 = arith.constant 48 : i32
    %add3A_440 = vector.broadcast %add3A_439 : i32 to vector<16xi32>
    %add3A_441 = arith.addi %iota3A, %add3A_440 : vector<16xi32>
    %ge3A_442 = arith.constant 0 : i32
    %ge3A_443 = vector.broadcast %ge3A_442 : i32 to vector<16xi32>
    %ge3A_444 = arith.cmpi sge, %get3A_438, %ge3A_443 : vector<16xi32>
    %lt3A_445 = arith.constant 504 : i32
    %lt3A_446 = vector.broadcast %lt3A_445 : i32 to vector<16xi32>
    %lt3A_447 = arith.cmpi slt, %get3A_438, %lt3A_446 : vector<16xi32>
    %and3A_448 = arith.andi %ge3A_444, %lt3A_447 : vector<16xi1>
    %sub3A_449 = arith.constant 0 : i32
    %sub3A_450 = vector.broadcast %sub3A_449 : i32 to vector<16xi32>
    %sub3A_451 = arith.subi %get3A_438, %sub3A_450 : vector<16xi32>
    tpu.vector_store_idx %arg5[%sub3A_451, %add3A_441], %broadcast_in_dim3A_5 masked %and3A_448 : memref<504x128xf32, #tpu.memory_space<vmem>>[vector<16xi32>, vector<16xi32>], vector<16xf32>, vector<16xi1>
    %get3A_452 = arith.constant 192 : index
    %get3A_453 = tpu.vector_load %arg4[%get3A_452] {strides = array<i32>} : memref<512xi32, #tpu.memory_space<vmem>>, vector<16xi32>,
    %add3A_454 = arith.constant 64 : i32
    %add3A_455 = vector.broadcast %add3A_454 : i32 to vector<16xi32>
    %add3A_456 = arith.addi %iota3A, %add3A_455 : vector<16xi32>
    %ge3A_457 = arith.constant 0 : i32
    %ge3A_458 = vector.broadcast %ge3A_457 : i32 to vector<16xi32>
    %ge3A_459 = arith.cmpi sge, %get3A_453, %ge3A_458 : vector<16xi32>
    %lt3A_460 = arith.constant 504 : i32
    %lt3A_461 = vector.broadcast %lt3A_460 : i32 to vector<16xi32>
    %lt3A_462 = arith.cmpi slt, %get3A_453, %lt3A_461 : vector<16xi32>
    %and3A_463 = arith.andi %ge3A_459, %lt3A_462 : vector<16xi1>
    %sub3A_464 = arith.constant 0 : i32
    %sub3A_465 = vector.broadcast %sub3A_464 : i32 to vector<16xi32>
    %sub3A_466 = arith.subi %get3A_453, %sub3A_465 : vector<16xi32>
    tpu.vector_store_idx %arg5[%sub3A_466, %add3A_456], %broadcast_in_dim3A_5 masked %and3A_463 : memref<504x128xf32, #tpu.memory_space<vmem>>[vector<16xi32>, vector<16xi32>], vector<16xf32>, vector<16xi1>
    %get3A_467 = arith.constant 208 : index
    %get3A_468 = tpu.vector_load %arg4[%get3A_467] {strides = array<i32>} : memref<512xi32, #tpu.memory_space<vmem>>, vector<16xi32>,
    %add3A_469 = arith.constant 80 : i32
    %add3A_470 = vector.broadcast %add3A_469 : i32 to vector<16xi32>
    %add3A_471 = arith.addi %iota3A, %add3A_470 : vector<16xi32>
    %ge3A_472 = arith.constant 0 : i32
    %ge3A_473 = vector.broadcast %ge3A_472 : i32 to vector<16xi32>
    %ge3A_474 = arith.cmpi sge, %get3A_468, %ge3A_473 : vector<16xi32>
    %lt3A_475 = arith.constant 504 : i32
    %lt3A_476 = vector.broadcast %lt3A_475 : i32 to vector<16xi32>
    %lt3A_477 = arith.cmpi slt, %get3A_468, %lt3A_476 : vector<16xi32>
    %and3A_478 = arith.andi %ge3A_474, %lt3A_477 : vector<16xi1>
    %sub3A_479 = arith.constant 0 : i32
    %sub3A_480 = vector.broadcast %sub3A_479 : i32 to vector<16xi32>
    %sub3A_481 = arith.subi %get3A_468, %sub3A_480 : vector<16xi32>
    tpu.vector_store_idx %arg5[%sub3A_481, %add3A_471], %broadcast_in_dim3A_5 masked %and3A_478 : memref<504x128xf32, #tpu.memory_space<vmem>>[vector<16xi32>, vector<16xi32>], vector<16xf32>, vector<16xi1>
    %get3A_482 = arith.constant 224 : index
    %get3A_483 = tpu.vector_load %arg4[%get3A_482] {strides = array<i32>} : memref<512xi32, #tpu.memory_space<vmem>>, vector<16xi32>,
    %add3A_484 = arith.constant 96 : i32
    %add3A_485 = vector.broadcast %add3A_484 : i32 to vector<16xi32>
    %add3A_486 = arith.addi %iota3A, %add3A_485 : vector<16xi32>
    %ge3A_487 = arith.constant 0 : i32
    %ge3A_488 = vector.broadcast %ge3A_487 : i32 to vector<16xi32>
    %ge3A_489 = arith.cmpi sge, %get3A_483, %ge3A_488 : vector<16xi32>
    %lt3A_490 = arith.constant 504 : i32
    %lt3A_491 = vector.broadcast %lt3A_490 : i32 to vector<16xi32>
    %lt3A_492 = arith.cmpi slt, %get3A_483, %lt3A_491 : vector<16xi32>
    %and3A_493 = arith.andi %ge3A_489, %lt3A_492 : vector<16xi1>
    %sub3A_494 = arith.constant 0 : i32
    %sub3A_495 = vector.broadcast %sub3A_494 : i32 to vector<16xi32>
    %sub3A_496 = arith.subi %get3A_483, %sub3A_495 : vector<16xi32>
    tpu.vector_store_idx %arg5[%sub3A_496, %add3A_486], %broadcast_in_dim3A_5 masked %and3A_493 : memref<504x128xf32, #tpu.memory_space<vmem>>[vector<16xi32>, vector<16xi32>], vector<16xf32>, vector<16xi1>
    %get3A_497 = arith.constant 240 : index
    %get3A_498 = tpu.vector_load %arg4[%get3A_497] {strides = array<i32>} : memref<512xi32, #tpu.memory_space<vmem>>, vector<16xi32>,
    %add3A_499 = arith.constant 112 : i32
    %add3A_500 = vector.broadcast %add3A_499 : i32 to vector<16xi32>
    %add3A_501 = arith.addi %iota3A, %add3A_500 : vector<16xi32>
    %ge3A_502 = arith.constant 0 : i32
    %ge3A_503 = vector.broadcast %ge3A_502 : i32 to vector<16xi32>
    %ge3A_504 = arith.cmpi sge, %get3A_498, %ge3A_503 : vector<16xi32>
    %lt3A_505 = arith.constant 504 : i32
    %lt3A_506 = vector.broadcast %lt3A_505 : i32 to vector<16xi32>
    %lt3A_507 = arith.cmpi slt, %get3A_498, %lt3A_506 : vector<16xi32>
    %and3A_508 = arith.andi %ge3A_504, %lt3A_507 : vector<16xi1>
    %sub3A_509 = arith.constant 0 : i32
    %sub3A_510 = vector.broadcast %sub3A_509 : i32 to vector<16xi32>
    %sub3A_511 = arith.subi %get3A_498, %sub3A_510 : vector<16xi32>
    tpu.vector_store_idx %arg5[%sub3A_511, %add3A_501], %broadcast_in_dim3A_5 masked %and3A_508 : memref<504x128xf32, #tpu.memory_space<vmem>>[vector<16xi32>, vector<16xi32>], vector<16xf32>, vector<16xi1>
    %add3A_512 = arith.constant 128 : i32
    %add3A_513 = arith.addi %mul3A_2, %add3A_512 : i32
    %dma_start3A_514 = arith.constant 0 : i32
    %dma_start3A_515 = tpu.memref_slice %arg3[%dma_start3A_514, %add3A_513] : memref<1000x16384xf32, #tpu.memory_space<hbm>> -> memref<504x128xf32, #tpu.memory_space<hbm>>
    %dma_start3A_516 = arith.constant 0 : i32
    %dma_start3A_517 = tpu.memref_slice %arg3[%dma_start3A_516, %add3A_513] : memref<1000x16384xf32, #tpu.memory_space<hbm>> -> memref<504x128xf32, #tpu.memory_space<hbm>>
    tpu.enqueue_dma source(%arg5 : memref<504x128xf32, #tpu.memory_space<vmem>>) target(%dma_start3A_517 : memref<504x128xf32, #tpu.memory_space<hbm>>) target_semaphore(%arg7 : memref<!tpu.dma_semaphore, #tpu.memory_space<semaphore_mem>>)
    %dma_wait3A_518 = arith.constant 0 : i32
    %dma_wait3A_519 = arith.constant 0 : i32
    %dma_wait3A_520 = tpu.memref_slice %arg6[%dma_wait3A_518, %dma_wait3A_519] : memref<504x128xf32, #tpu.memory_space<vmem>> -> memref<496x128xf32, #tpu.memory_space<vmem>>
    %dma_wait3A_521 = arith.constant 504 : i32
    %dma_wait3A_522 = tpu.memref_slice %arg3[%dma_wait3A_521, %add3A_258] : memref<1000x16384xf32, #tpu.memory_space<hbm>> -> memref<496x128xf32, #tpu.memory_space<hbm>>
    %dma_wait3A_523 = arith.constant 504 : i32
    %dma_wait3A_524 = tpu.memref_slice %arg3[%dma_wait3A_523, %add3A_258] : memref<1000x16384xf32, #tpu.memory_space<hbm>> -> memref<496x128xf32, #tpu.memory_space<hbm>>
    %dma_wait3A_525 = arith.constant 0 : i32
    %dma_wait3A_526 = arith.constant 0 : i32
    %dma_wait3A_527 = tpu.memref_slice %arg6[%dma_wait3A_525, %dma_wait3A_526] : memref<504x128xf32, #tpu.memory_space<vmem>> -> memref<496x128xf32, #tpu.memory_space<vmem>>
    tpu.wait_dma2 semaphore(%arg8 : memref<!tpu.dma_semaphore, #tpu.memory_space<semaphore_mem>>) src(%dma_wait3A_527 : memref<496x128xf32, #tpu.memory_space<vmem>>) dst(%dma_wait3A_524 : memref<496x128xf32, #tpu.memory_space<hbm>>)
    %get3A_528 = arith.constant 0 : index
    %get3A_529 = tpu.vector_load %arg4[%get3A_528] {strides = array<i32>} : memref<512xi32, #tpu.memory_space<vmem>>, vector<16xi32>,
    %add3A_530 = arith.constant 0 : i32
    %add3A_531 = vector.broadcast %add3A_530 : i32 to vector<16xi32>
    %add3A_532 = arith.addi %iota3A, %add3A_531 : vector<16xi32>
    %ge3A_533 = arith.constant 504 : i32
    %ge3A_534 = vector.broadcast %ge3A_533 : i32 to vector<16xi32>
    %ge3A_535 = arith.cmpi sge, %get3A_529, %ge3A_534 : vector<16xi32>
    %lt3A_536 = arith.constant 1000 : i32
    %lt3A_537 = vector.broadcast %lt3A_536 : i32 to vector<16xi32>
    %lt3A_538 = arith.cmpi slt, %get3A_529, %lt3A_537 : vector<16xi32>
    %and3A_539 = arith.andi %ge3A_535, %lt3A_538 : vector<16xi1>
    %sub3A_540 = arith.constant 504 : i32
    %sub3A_541 = vector.broadcast %sub3A_540 : i32 to vector<16xi32>
    %sub3A_542 = arith.subi %get3A_529, %sub3A_541 : vector<16xi32>
    tpu.vector_store_idx %arg6[%sub3A_542, %add3A_532], %broadcast_in_dim3A_3 masked %and3A_539 : memref<504x128xf32, #tpu.memory_space<vmem>>[vector<16xi32>, vector<16xi32>], vector<16xf32>, vector<16xi1>
    %get3A_543 = arith.constant 16 : index
    %get3A_544 = tpu.vector_load %arg4[%get3A_543] {strides = array<i32>} : memref<512xi32, #tpu.memory_space<vmem>>, vector<16xi32>,
    %add3A_545 = arith.constant 16 : i32
    %add3A_546 = vector.broadcast %add3A_545 : i32 to vector<16xi32>
    %add3A_547 = arith.addi %iota3A, %add3A_546 : vector<16xi32>
    %ge3A_548 = arith.constant 504 : i32
    %ge3A_549 = vector.broadcast %ge3A_548 : i32 to vector<16xi32>
    %ge3A_550 = arith.cmpi sge, %get3A_544, %ge3A_549 : vector<16xi32>
    %lt3A_551 = arith.constant 1000 : i32
    %lt3A_552 = vector.broadcast %lt3A_551 : i32 to vector<16xi32>
    %lt3A_553 = arith.cmpi slt, %get3A_544, %lt3A_552 : vector<16xi32>
    %and3A_554 = arith.andi %ge3A_550, %lt3A_553 : vector<16xi1>
    %sub3A_555 = arith.constant 504 : i32
    %sub3A_556 = vector.broadcast %sub3A_555 : i32 to vector<16xi32>
    %sub3A_557 = arith.subi %get3A_544, %sub3A_556 : vector<16xi32>
    tpu.vector_store_idx %arg6[%sub3A_557, %add3A_547], %broadcast_in_dim3A_3 masked %and3A_554 : memref<504x128xf32, #tpu.memory_space<vmem>>[vector<16xi32>, vector<16xi32>], vector<16xf32>, vector<16xi1>
    %get3A_558 = arith.constant 32 : index
    %get3A_559 = tpu.vector_load %arg4[%get3A_558] {strides = array<i32>} : memref<512xi32, #tpu.memory_space<vmem>>, vector<16xi32>,
    %add3A_560 = arith.constant 32 : i32
    %add3A_561 = vector.broadcast %add3A_560 : i32 to vector<16xi32>
    %add3A_562 = arith.addi %iota3A, %add3A_561 : vector<16xi32>
    %ge3A_563 = arith.constant 504 : i32
    %ge3A_564 = vector.broadcast %ge3A_563 : i32 to vector<16xi32>
    %ge3A_565 = arith.cmpi sge, %get3A_559, %ge3A_564 : vector<16xi32>
    %lt3A_566 = arith.constant 1000 : i32
    %lt3A_567 = vector.broadcast %lt3A_566 : i32 to vector<16xi32>
    %lt3A_568 = arith.cmpi slt, %get3A_559, %lt3A_567 : vector<16xi32>
    %and3A_569 = arith.andi %ge3A_565, %lt3A_568 : vector<16xi1>
    %sub3A_570 = arith.constant 504 : i32
    %sub3A_571 = vector.broadcast %sub3A_570 : i32 to vector<16xi32>
    %sub3A_572 = arith.subi %get3A_559, %sub3A_571 : vector<16xi32>
    tpu.vector_store_idx %arg6[%sub3A_572, %add3A_562], %broadcast_in_dim3A_3 masked %and3A_569 : memref<504x128xf32, #tpu.memory_space<vmem>>[vector<16xi32>, vector<16xi32>], vector<16xf32>, vector<16xi1>
    %get3A_573 = arith.constant 48 : index
    %get3A_574 = tpu.vector_load %arg4[%get3A_573] {strides = array<i32>} : memref<512xi32, #tpu.memory_space<vmem>>, vector<16xi32>,
    %add3A_575 = arith.constant 48 : i32
    %add3A_576 = vector.broadcast %add3A_575 : i32 to vector<16xi32>
    %add3A_577 = arith.addi %iota3A, %add3A_576 : vector<16xi32>
    %ge3A_578 = arith.constant 504 : i32
    %ge3A_579 = vector.broadcast %ge3A_578 : i32 to vector<16xi32>
    %ge3A_580 = arith.cmpi sge, %get3A_574, %ge3A_579 : vector<16xi32>
    %lt3A_581 = arith.constant 1000 : i32
    %lt3A_582 = vector.broadcast %lt3A_581 : i32 to vector<16xi32>
    %lt3A_583 = arith.cmpi slt, %get3A_574, %lt3A_582 : vector<16xi32>
    %and3A_584 = arith.andi %ge3A_580, %lt3A_583 : vector<16xi1>
    %sub3A_585 = arith.constant 504 : i32
    %sub3A_586 = vector.broadcast %sub3A_585 : i32 to vector<16xi32>
    %sub3A_587 = arith.subi %get3A_574, %sub3A_586 : vector<16xi32>
    tpu.vector_store_idx %arg6[%sub3A_587, %add3A_577], %broadcast_in_dim3A_3 masked %and3A_584 : memref<504x128xf32, #tpu.memory_space<vmem>>[vector<16xi32>, vector<16xi32>], vector<16xf32>, vector<16xi1>
    %get3A_588 = arith.constant 64 : index
    %get3A_589 = tpu.vector_load %arg4[%get3A_588] {strides = array<i32>} : memref<512xi32, #tpu.memory_space<vmem>>, vector<16xi32>,
    %add3A_590 = arith.constant 64 : i32
    %add3A_591 = vector.broadcast %add3A_590 : i32 to vector<16xi32>
    %add3A_592 = arith.addi %iota3A, %add3A_591 : vector<16xi32>
    %ge3A_593 = arith.constant 504 : i32
    %ge3A_594 = vector.broadcast %ge3A_593 : i32 to vector<16xi32>
    %ge3A_595 = arith.cmpi sge, %get3A_589, %ge3A_594 : vector<16xi32>
    %lt3A_596 = arith.constant 1000 : i32
    %lt3A_597 = vector.broadcast %lt3A_596 : i32 to vector<16xi32>
    %lt3A_598 = arith.cmpi slt, %get3A_589, %lt3A_597 : vector<16xi32>
    %and3A_599 = arith.andi %ge3A_595, %lt3A_598 : vector<16xi1>
    %sub3A_600 = arith.constant 504 : i32
    %sub3A_601 = vector.broadcast %sub3A_600 : i32 to vector<16xi32>
    %sub3A_602 = arith.subi %get3A_589, %sub3A_601 : vector<16xi32>
    tpu.vector_store_idx %arg6[%sub3A_602, %add3A_592], %broadcast_in_dim3A_3 masked %and3A_599 : memref<504x128xf32, #tpu.memory_space<vmem>>[vector<16xi32>, vector<16xi32>], vector<16xf32>, vector<16xi1>
    %get3A_603 = arith.constant 80 : index
    %get3A_604 = tpu.vector_load %arg4[%get3A_603] {strides = array<i32>} : memref<512xi32, #tpu.memory_space<vmem>>, vector<16xi32>,
    %add3A_605 = arith.constant 80 : i32
    %add3A_606 = vector.broadcast %add3A_605 : i32 to vector<16xi32>
    %add3A_607 = arith.addi %iota3A, %add3A_606 : vector<16xi32>
    %ge3A_608 = arith.constant 504 : i32
    %ge3A_609 = vector.broadcast %ge3A_608 : i32 to vector<16xi32>
    %ge3A_610 = arith.cmpi sge, %get3A_604, %ge3A_609 : vector<16xi32>
    %lt3A_611 = arith.constant 1000 : i32
    %lt3A_612 = vector.broadcast %lt3A_611 : i32 to vector<16xi32>
    %lt3A_613 = arith.cmpi slt, %get3A_604, %lt3A_612 : vector<16xi32>
    %and3A_614 = arith.andi %ge3A_610, %lt3A_613 : vector<16xi1>
    %sub3A_615 = arith.constant 504 : i32
    %sub3A_616 = vector.broadcast %sub3A_615 : i32 to vector<16xi32>
    %sub3A_617 = arith.subi %get3A_604, %sub3A_616 : vector<16xi32>
    tpu.vector_store_idx %arg6[%sub3A_617, %add3A_607], %broadcast_in_dim3A_3 masked %and3A_614 : memref<504x128xf32, #tpu.memory_space<vmem>>[vector<16xi32>, vector<16xi32>], vector<16xf32>, vector<16xi1>
    %get3A_618 = arith.constant 96 : index
    %get3A_619 = tpu.vector_load %arg4[%get3A_618] {strides = array<i32>} : memref<512xi32, #tpu.memory_space<vmem>>, vector<16xi32>,
    %add3A_620 = arith.constant 96 : i32
    %add3A_621 = vector.broadcast %add3A_620 : i32 to vector<16xi32>
    %add3A_622 = arith.addi %iota3A, %add3A_621 : vector<16xi32>
    %ge3A_623 = arith.constant 504 : i32
    %ge3A_624 = vector.broadcast %ge3A_623 : i32 to vector<16xi32>
    %ge3A_625 = arith.cmpi sge, %get3A_619, %ge3A_624 : vector<16xi32>
    %lt3A_626 = arith.constant 1000 : i32
    %lt3A_627 = vector.broadcast %lt3A_626 : i32 to vector<16xi32>
    %lt3A_628 = arith.cmpi slt, %get3A_619, %lt3A_627 : vector<16xi32>
    %and3A_629 = arith.andi %ge3A_625, %lt3A_628 : vector<16xi1>
    %sub3A_630 = arith.constant 504 : i32
    %sub3A_631 = vector.broadcast %sub3A_630 : i32 to vector<16xi32>
    %sub3A_632 = arith.subi %get3A_619, %sub3A_631 : vector<16xi32>
    tpu.vector_store_idx %arg6[%sub3A_632, %add3A_622], %broadcast_in_dim3A_3 masked %and3A_629 : memref<504x128xf32, #tpu.memory_space<vmem>>[vector<16xi32>, vector<16xi32>], vector<16xf32>, vector<16xi1>
    %get3A_633 = arith.constant 112 : index
    %get3A_634 = tpu.vector_load %arg4[%get3A_633] {strides = array<i32>} : memref<512xi32, #tpu.memory_space<vmem>>, vector<16xi32>,
    %add3A_635 = arith.constant 112 : i32
    %add3A_636 = vector.broadcast %add3A_635 : i32 to vector<16xi32>
    %add3A_637 = arith.addi %iota3A, %add3A_636 : vector<16xi32>
    %ge3A_638 = arith.constant 504 : i32
    %ge3A_639 = vector.broadcast %ge3A_638 : i32 to vector<16xi32>
    %ge3A_640 = arith.cmpi sge, %get3A_634, %ge3A_639 : vector<16xi32>
    %lt3A_641 = arith.constant 1000 : i32
    %lt3A_642 = vector.broadcast %lt3A_641 : i32 to vector<16xi32>
    %lt3A_643 = arith.cmpi slt, %get3A_634, %lt3A_642 : vector<16xi32>
    %and3A_644 = arith.andi %ge3A_640, %lt3A_643 : vector<16xi1>
    %sub3A_645 = arith.constant 504 : i32
    %sub3A_646 = vector.broadcast %sub3A_645 : i32 to vector<16xi32>
    %sub3A_647 = arith.subi %get3A_634, %sub3A_646 : vector<16xi32>
    tpu.vector_store_idx %arg6[%sub3A_647, %add3A_637], %broadcast_in_dim3A_3 masked %and3A_644 : memref<504x128xf32, #tpu.memory_space<vmem>>[vector<16xi32>, vector<16xi32>], vector<16xf32>, vector<16xi1>
    %get3A_648 = arith.constant 128 : index
    %get3A_649 = tpu.vector_load %arg4[%get3A_648] {strides = array<i32>} : memref<512xi32, #tpu.memory_space<vmem>>, vector<16xi32>,
    %add3A_650 = arith.constant 0 : i32
    %add3A_651 = vector.broadcast %add3A_650 : i32 to vector<16xi32>
    %add3A_652 = arith.addi %iota3A, %add3A_651 : vector<16xi32>
    %ge3A_653 = arith.constant 504 : i32
    %ge3A_654 = vector.broadcast %ge3A_653 : i32 to vector<16xi32>
    %ge3A_655 = arith.cmpi sge, %get3A_649, %ge3A_654 : vector<16xi32>
    %lt3A_656 = arith.constant 1000 : i32
    %lt3A_657 = vector.broadcast %lt3A_656 : i32 to vector<16xi32>
    %lt3A_658 = arith.cmpi slt, %get3A_649, %lt3A_657 : vector<16xi32>
    %and3A_659 = arith.andi %ge3A_655, %lt3A_658 : vector<16xi1>
    %sub3A_660 = arith.constant 504 : i32
    %sub3A_661 = vector.broadcast %sub3A_660 : i32 to vector<16xi32>
    %sub3A_662 = arith.subi %get3A_649, %sub3A_661 : vector<16xi32>
    tpu.vector_store_idx %arg6[%sub3A_662, %add3A_652], %broadcast_in_dim3A_5 masked %and3A_659 : memref<504x128xf32, #tpu.memory_space<vmem>>[vector<16xi32>, vector<16xi32>], vector<16xf32>, vector<16xi1>
    %get3A_663 = arith.constant 144 : index
    %get3A_664 = tpu.vector_load %arg4[%get3A_663] {strides = array<i32>} : memref<512xi32, #tpu.memory_space<vmem>>, vector<16xi32>,
    %add3A_665 = arith.constant 16 : i32
    %add3A_666 = vector.broadcast %add3A_665 : i32 to vector<16xi32>
    %add3A_667 = arith.addi %iota3A, %add3A_666 : vector<16xi32>
    %ge3A_668 = arith.constant 504 : i32
    %ge3A_669 = vector.broadcast %ge3A_668 : i32 to vector<16xi32>
    %ge3A_670 = arith.cmpi sge, %get3A_664, %ge3A_669 : vector<16xi32>
    %lt3A_671 = arith.constant 1000 : i32
    %lt3A_672 = vector.broadcast %lt3A_671 : i32 to vector<16xi32>
    %lt3A_673 = arith.cmpi slt, %get3A_664, %lt3A_672 : vector<16xi32>
    %and3A_674 = arith.andi %ge3A_670, %lt3A_673 : vector<16xi1>
    %sub3A_675 = arith.constant 504 : i32
    %sub3A_676 = vector.broadcast %sub3A_675 : i32 to vector<16xi32>
    %sub3A_677 = arith.subi %get3A_664, %sub3A_676 : vector<16xi32>
    tpu.vector_store_idx %arg6[%sub3A_677, %add3A_667], %broadcast_in_dim3A_5 masked %and3A_674 : memref<504x128xf32, #tpu.memory_space<vmem>>[vector<16xi32>, vector<16xi32>], vector<16xf32>, vector<16xi1>
    %get3A_678 = arith.constant 160 : index
    %get3A_679 = tpu.vector_load %arg4[%get3A_678] {strides = array<i32>} : memref<512xi32, #tpu.memory_space<vmem>>, vector<16xi32>,
    %add3A_680 = arith.constant 32 : i32
    %add3A_681 = vector.broadcast %add3A_680 : i32 to vector<16xi32>
    %add3A_682 = arith.addi %iota3A, %add3A_681 : vector<16xi32>
    %ge3A_683 = arith.constant 504 : i32
    %ge3A_684 = vector.broadcast %ge3A_683 : i32 to vector<16xi32>
    %ge3A_685 = arith.cmpi sge, %get3A_679, %ge3A_684 : vector<16xi32>
    %lt3A_686 = arith.constant 1000 : i32
    %lt3A_687 = vector.broadcast %lt3A_686 : i32 to vector<16xi32>
    %lt3A_688 = arith.cmpi slt, %get3A_679, %lt3A_687 : vector<16xi32>
    %and3A_689 = arith.andi %ge3A_685, %lt3A_688 : vector<16xi1>
    %sub3A_690 = arith.constant 504 : i32
    %sub3A_691 = vector.broadcast %sub3A_690 : i32 to vector<16xi32>
    %sub3A_692 = arith.subi %get3A_679, %sub3A_691 : vector<16xi32>
    tpu.vector_store_idx %arg6[%sub3A_692, %add3A_682], %broadcast_in_dim3A_5 masked %and3A_689 : memref<504x128xf32, #tpu.memory_space<vmem>>[vector<16xi32>, vector<16xi32>], vector<16xf32>, vector<16xi1>
    %get3A_693 = arith.constant 176 : index
    %get3A_694 = tpu.vector_load %arg4[%get3A_693] {strides = array<i32>} : memref<512xi32, #tpu.memory_space<vmem>>, vector<16xi32>,
    %add3A_695 = arith.constant 48 : i32
    %add3A_696 = vector.broadcast %add3A_695 : i32 to vector<16xi32>
    %add3A_697 = arith.addi %iota3A, %add3A_696 : vector<16xi32>
    %ge3A_698 = arith.constant 504 : i32
    %ge3A_699 = vector.broadcast %ge3A_698 : i32 to vector<16xi32>
    %ge3A_700 = arith.cmpi sge, %get3A_694, %ge3A_699 : vector<16xi32>
    %lt3A_701 = arith.constant 1000 : i32
    %lt3A_702 = vector.broadcast %lt3A_701 : i32 to vector<16xi32>
    %lt3A_703 = arith.cmpi slt, %get3A_694, %lt3A_702 : vector<16xi32>
    %and3A_704 = arith.andi %ge3A_700, %lt3A_703 : vector<16xi1>
    %sub3A_705 = arith.constant 504 : i32
    %sub3A_706 = vector.broadcast %sub3A_705 : i32 to vector<16xi32>
    %sub3A_707 = arith.subi %get3A_694, %sub3A_706 : vector<16xi32>
    tpu.vector_store_idx %arg6[%sub3A_707, %add3A_697], %broadcast_in_dim3A_5 masked %and3A_704 : memref<504x128xf32, #tpu.memory_space<vmem>>[vector<16xi32>, vector<16xi32>], vector<16xf32>, vector<16xi1>
    %get3A_708 = arith.constant 192 : index
    %get3A_709 = tpu.vector_load %arg4[%get3A_708] {strides = array<i32>} : memref<512xi32, #tpu.memory_space<vmem>>, vector<16xi32>,
    %add3A_710 = arith.constant 64 : i32
    %add3A_711 = vector.broadcast %add3A_710 : i32 to vector<16xi32>
    %add3A_712 = arith.addi %iota3A, %add3A_711 : vector<16xi32>
    %ge3A_713 = arith.constant 504 : i32
    %ge3A_714 = vector.broadcast %ge3A_713 : i32 to vector<16xi32>
    %ge3A_715 = arith.cmpi sge, %get3A_709, %ge3A_714 : vector<16xi32>
    %lt3A_716 = arith.constant 1000 : i32
    %lt3A_717 = vector.broadcast %lt3A_716 : i32 to vector<16xi32>
    %lt3A_718 = arith.cmpi slt, %get3A_709, %lt3A_717 : vector<16xi32>
    %and3A_719 = arith.andi %ge3A_715, %lt3A_718 : vector<16xi1>
    %sub3A_720 = arith.constant 504 : i32
    %sub3A_721 = vector.broadcast %sub3A_720 : i32 to vector<16xi32>
    %sub3A_722 = arith.subi %get3A_709, %sub3A_721 : vector<16xi32>
    tpu.vector_store_idx %arg6[%sub3A_722, %add3A_712], %broadcast_in_dim3A_5 masked %and3A_719 : memref<504x128xf32, #tpu.memory_space<vmem>>[vector<16xi32>, vector<16xi32>], vector<16xf32>, vector<16xi1>
    %get3A_723 = arith.constant 208 : index
    %get3A_724 = tpu.vector_load %arg4[%get3A_723] {strides = array<i32>} : memref<512xi32, #tpu.memory_space<vmem>>, vector<16xi32>,
    %add3A_725 = arith.constant 80 : i32
    %add3A_726 = vector.broadcast %add3A_725 : i32 to vector<16xi32>
    %add3A_727 = arith.addi %iota3A, %add3A_726 : vector<16xi32>
    %ge3A_728 = arith.constant 504 : i32
    %ge3A_729 = vector.broadcast %ge3A_728 : i32 to vector<16xi32>
    %ge3A_730 = arith.cmpi sge, %get3A_724, %ge3A_729 : vector<16xi32>
    %lt3A_731 = arith.constant 1000 : i32
    %lt3A_732 = vector.broadcast %lt3A_731 : i32 to vector<16xi32>
    %lt3A_733 = arith.cmpi slt, %get3A_724, %lt3A_732 : vector<16xi32>
    %and3A_734 = arith.andi %ge3A_730, %lt3A_733 : vector<16xi1>
    %sub3A_735 = arith.constant 504 : i32
    %sub3A_736 = vector.broadcast %sub3A_735 : i32 to vector<16xi32>
    %sub3A_737 = arith.subi %get3A_724, %sub3A_736 : vector<16xi32>
    tpu.vector_store_idx %arg6[%sub3A_737, %add3A_727], %broadcast_in_dim3A_5 masked %and3A_734 : memref<504x128xf32, #tpu.memory_space<vmem>>[vector<16xi32>, vector<16xi32>], vector<16xf32>, vector<16xi1>
    %get3A_738 = arith.constant 224 : index
    %get3A_739 = tpu.vector_load %arg4[%get3A_738] {strides = array<i32>} : memref<512xi32, #tpu.memory_space<vmem>>, vector<16xi32>,
    %add3A_740 = arith.constant 96 : i32
    %add3A_741 = vector.broadcast %add3A_740 : i32 to vector<16xi32>
    %add3A_742 = arith.addi %iota3A, %add3A_741 : vector<16xi32>
    %ge3A_743 = arith.constant 504 : i32
    %ge3A_744 = vector.broadcast %ge3A_743 : i32 to vector<16xi32>
    %ge3A_745 = arith.cmpi sge, %get3A_739, %ge3A_744 : vector<16xi32>
    %lt3A_746 = arith.constant 1000 : i32
    %lt3A_747 = vector.broadcast %lt3A_746 : i32 to vector<16xi32>
    %lt3A_748 = arith.cmpi slt, %get3A_739, %lt3A_747 : vector<16xi32>
    %and3A_749 = arith.andi %ge3A_745, %lt3A_748 : vector<16xi1>
    %sub3A_750 = arith.constant 504 : i32
    %sub3A_751 = vector.broadcast %sub3A_750 : i32 to vector<16xi32>
    %sub3A_752 = arith.subi %get3A_739, %sub3A_751 : vector<16xi32>
    tpu.vector_store_idx %arg6[%sub3A_752, %add3A_742], %broadcast_in_dim3A_5 masked %and3A_749 : memref<504x128xf32, #tpu.memory_space<vmem>>[vector<16xi32>, vector<16xi32>], vector<16xf32>, vector<16xi1>
    %get3A_753 = arith.constant 240 : index
    %get3A_754 = tpu.vector_load %arg4[%get3A_753] {strides = array<i32>} : memref<512xi32, #tpu.memory_space<vmem>>, vector<16xi32>,
    %add3A_755 = arith.constant 112 : i32
    %add3A_756 = vector.broadcast %add3A_755 : i32 to vector<16xi32>
    %add3A_757 = arith.addi %iota3A, %add3A_756 : vector<16xi32>
    %ge3A_758 = arith.constant 504 : i32
    %ge3A_759 = vector.broadcast %ge3A_758 : i32 to vector<16xi32>
    %ge3A_760 = arith.cmpi sge, %get3A_754, %ge3A_759 : vector<16xi32>
    %lt3A_761 = arith.constant 1000 : i32
    %lt3A_762 = vector.broadcast %lt3A_761 : i32 to vector<16xi32>
    %lt3A_763 = arith.cmpi slt, %get3A_754, %lt3A_762 : vector<16xi32>
    %and3A_764 = arith.andi %ge3A_760, %lt3A_763 : vector<16xi1>
    %sub3A_765 = arith.constant 504 : i32
    %sub3A_766 = vector.broadcast %sub3A_765 : i32 to vector<16xi32>
    %sub3A_767 = arith.subi %get3A_754, %sub3A_766 : vector<16xi32>
    tpu.vector_store_idx %arg6[%sub3A_767, %add3A_757], %broadcast_in_dim3A_5 masked %and3A_764 : memref<504x128xf32, #tpu.memory_space<vmem>>[vector<16xi32>, vector<16xi32>], vector<16xf32>, vector<16xi1>
    %add3A_768 = arith.constant 128 : i32
    %add3A_769 = arith.addi %mul3A_2, %add3A_768 : i32
    %dma_start3A_770 = arith.constant 0 : i32
    %dma_start3A_771 = arith.constant 0 : i32
    %dma_start3A_772 = tpu.memref_slice %arg6[%dma_start3A_770, %dma_start3A_771] : memref<504x128xf32, #tpu.memory_space<vmem>> -> memref<496x128xf32, #tpu.memory_space<vmem>>
    %dma_start3A_773 = arith.constant 504 : i32
    %dma_start3A_774 = tpu.memref_slice %arg3[%dma_start3A_773, %add3A_769] : memref<1000x16384xf32, #tpu.memory_space<hbm>> -> memref<496x128xf32, #tpu.memory_space<hbm>>
    %dma_start3A_775 = arith.constant 504 : i32
    %dma_start3A_776 = tpu.memref_slice %arg3[%dma_start3A_775, %add3A_769] : memref<1000x16384xf32, #tpu.memory_space<hbm>> -> memref<496x128xf32, #tpu.memory_space<hbm>>
    %dma_start3A_777 = arith.constant 0 : i32
    %dma_start3A_778 = arith.constant 0 : i32
    %dma_start3A_779 = tpu.memref_slice %arg6[%dma_start3A_777, %dma_start3A_778] : memref<504x128xf32, #tpu.memory_space<vmem>> -> memref<496x128xf32, #tpu.memory_space<vmem>>
    tpu.enqueue_dma source(%dma_start3A_779 : memref<496x128xf32, #tpu.memory_space<vmem>>) target(%dma_start3A_776 : memref<496x128xf32, #tpu.memory_space<hbm>>) target_semaphore(%arg8 : memref<!tpu.dma_semaphore, #tpu.memory_space<semaphore_mem>>)
    %dma_wait3A_780 = arith.constant 0 : i32
    %dma_wait3A_781 = tpu.memref_slice %arg3[%dma_wait3A_780, %add3A_513] : memref<1000x16384xf32, #tpu.memory_space<hbm>> -> memref<504x128xf32, #tpu.memory_space<hbm>>
    %dma_wait3A_782 = arith.constant 0 : i32
    %dma_wait3A_783 = tpu.memref_slice %arg3[%dma_wait3A_782, %add3A_513] : memref<1000x16384xf32, #tpu.memory_space<hbm>> -> memref<504x128xf32, #tpu.memory_space<hbm>>
    tpu.wait_dma2 semaphore(%arg7 : memref<!tpu.dma_semaphore, #tpu.memory_space<semaphore_mem>>) src(%arg5 : memref<504x128xf32, #tpu.memory_space<vmem>>) dst(%dma_wait3A_783 : memref<504x128xf32, #tpu.memory_space<hbm>>)
    %get3A_784 = arith.constant 128 : index
    %get3A_785 = tpu.vector_load %arg4[%get3A_784] {strides = array<i32>} : memref<512xi32, #tpu.memory_space<vmem>>, vector<16xi32>,
    %add3A_786 = arith.constant 0 : i32
    %add3A_787 = vector.broadcast %add3A_786 : i32 to vector<16xi32>
    %add3A_788 = arith.addi %iota3A, %add3A_787 : vector<16xi32>
    %ge3A_789 = arith.constant 0 : i32
    %ge3A_790 = vector.broadcast %ge3A_789 : i32 to vector<16xi32>
    %ge3A_791 = arith.cmpi sge, %get3A_785, %ge3A_790 : vector<16xi32>
    %lt3A_792 = arith.constant 504 : i32
    %lt3A_793 = vector.broadcast %lt3A_792 : i32 to vector<16xi32>
    %lt3A_794 = arith.cmpi slt, %get3A_785, %lt3A_793 : vector<16xi32>
    %and3A_795 = arith.andi %ge3A_791, %lt3A_794 : vector<16xi1>
    %sub3A_796 = arith.constant 0 : i32
    %sub3A_797 = vector.broadcast %sub3A_796 : i32 to vector<16xi32>
    %sub3A_798 = arith.subi %get3A_785, %sub3A_797 : vector<16xi32>
    tpu.vector_store_idx %arg5[%sub3A_798, %add3A_788], %broadcast_in_dim3A_3 masked %and3A_795 : memref<504x128xf32, #tpu.memory_space<vmem>>[vector<16xi32>, vector<16xi32>], vector<16xf32>, vector<16xi1>
    %get3A_799 = arith.constant 144 : index
    %get3A_800 = tpu.vector_load %arg4[%get3A_799] {strides = array<i32>} : memref<512xi32, #tpu.memory_space<vmem>>, vector<16xi32>,
    %add3A_801 = arith.constant 16 : i32
    %add3A_802 = vector.broadcast %add3A_801 : i32 to vector<16xi32>
    %add3A_803 = arith.addi %iota3A, %add3A_802 : vector<16xi32>
    %ge3A_804 = arith.constant 0 : i32
    %ge3A_805 = vector.broadcast %ge3A_804 : i32 to vector<16xi32>
    %ge3A_806 = arith.cmpi sge, %get3A_800, %ge3A_805 : vector<16xi32>
    %lt3A_807 = arith.constant 504 : i32
    %lt3A_808 = vector.broadcast %lt3A_807 : i32 to vector<16xi32>
    %lt3A_809 = arith.cmpi slt, %get3A_800, %lt3A_808 : vector<16xi32>
    %and3A_810 = arith.andi %ge3A_806, %lt3A_809 : vector<16xi1>
    %sub3A_811 = arith.constant 0 : i32
    %sub3A_812 = vector.broadcast %sub3A_811 : i32 to vector<16xi32>
    %sub3A_813 = arith.subi %get3A_800, %sub3A_812 : vector<16xi32>
    tpu.vector_store_idx %arg5[%sub3A_813, %add3A_803], %broadcast_in_dim3A_3 masked %and3A_810 : memref<504x128xf32, #tpu.memory_space<vmem>>[vector<16xi32>, vector<16xi32>], vector<16xf32>, vector<16xi1>
    %get3A_814 = arith.constant 160 : index
    %get3A_815 = tpu.vector_load %arg4[%get3A_814] {strides = array<i32>} : memref<512xi32, #tpu.memory_space<vmem>>, vector<16xi32>,
    %add3A_816 = arith.constant 32 : i32
    %add3A_817 = vector.broadcast %add3A_816 : i32 to vector<16xi32>
    %add3A_818 = arith.addi %iota3A, %add3A_817 : vector<16xi32>
    %ge3A_819 = arith.constant 0 : i32
    %ge3A_820 = vector.broadcast %ge3A_819 : i32 to vector<16xi32>
    %ge3A_821 = arith.cmpi sge, %get3A_815, %ge3A_820 : vector<16xi32>
    %lt3A_822 = arith.constant 504 : i32
    %lt3A_823 = vector.broadcast %lt3A_822 : i32 to vector<16xi32>
    %lt3A_824 = arith.cmpi slt, %get3A_815, %lt3A_823 : vector<16xi32>
    %and3A_825 = arith.andi %ge3A_821, %lt3A_824 : vector<16xi1>
    %sub3A_826 = arith.constant 0 : i32
    %sub3A_827 = vector.broadcast %sub3A_826 : i32 to vector<16xi32>
    %sub3A_828 = arith.subi %get3A_815, %sub3A_827 : vector<16xi32>
    tpu.vector_store_idx %arg5[%sub3A_828, %add3A_818], %broadcast_in_dim3A_3 masked %and3A_825 : memref<504x128xf32, #tpu.memory_space<vmem>>[vector<16xi32>, vector<16xi32>], vector<16xf32>, vector<16xi1>
    %get3A_829 = arith.constant 176 : index
    %get3A_830 = tpu.vector_load %arg4[%get3A_829] {strides = array<i32>} : memref<512xi32, #tpu.memory_space<vmem>>, vector<16xi32>,
    %add3A_831 = arith.constant 48 : i32
    %add3A_832 = vector.broadcast %add3A_831 : i32 to vector<16xi32>
    %add3A_833 = arith.addi %iota3A, %add3A_832 : vector<16xi32>
    %ge3A_834 = arith.constant 0 : i32
    %ge3A_835 = vector.broadcast %ge3A_834 : i32 to vector<16xi32>
    %ge3A_836 = arith.cmpi sge, %get3A_830, %ge3A_835 : vector<16xi32>
    %lt3A_837 = arith.constant 504 : i32
    %lt3A_838 = vector.broadcast %lt3A_837 : i32 to vector<16xi32>
    %lt3A_839 = arith.cmpi slt, %get3A_830, %lt3A_838 : vector<16xi32>
    %and3A_840 = arith.andi %ge3A_836, %lt3A_839 : vector<16xi1>
    %sub3A_841 = arith.constant 0 : i32
    %sub3A_842 = vector.broadcast %sub3A_841 : i32 to vector<16xi32>
    %sub3A_843 = arith.subi %get3A_830, %sub3A_842 : vector<16xi32>
    tpu.vector_store_idx %arg5[%sub3A_843, %add3A_833], %broadcast_in_dim3A_3 masked %and3A_840 : memref<504x128xf32, #tpu.memory_space<vmem>>[vector<16xi32>, vector<16xi32>], vector<16xf32>, vector<16xi1>
    %get3A_844 = arith.constant 192 : index
    %get3A_845 = tpu.vector_load %arg4[%get3A_844] {strides = array<i32>} : memref<512xi32, #tpu.memory_space<vmem>>, vector<16xi32>,
    %add3A_846 = arith.constant 64 : i32
    %add3A_847 = vector.broadcast %add3A_846 : i32 to vector<16xi32>
    %add3A_848 = arith.addi %iota3A, %add3A_847 : vector<16xi32>
    %ge3A_849 = arith.constant 0 : i32
    %ge3A_850 = vector.broadcast %ge3A_849 : i32 to vector<16xi32>
    %ge3A_851 = arith.cmpi sge, %get3A_845, %ge3A_850 : vector<16xi32>
    %lt3A_852 = arith.constant 504 : i32
    %lt3A_853 = vector.broadcast %lt3A_852 : i32 to vector<16xi32>
    %lt3A_854 = arith.cmpi slt, %get3A_845, %lt3A_853 : vector<16xi32>
    %and3A_855 = arith.andi %ge3A_851, %lt3A_854 : vector<16xi1>
    %sub3A_856 = arith.constant 0 : i32
    %sub3A_857 = vector.broadcast %sub3A_856 : i32 to vector<16xi32>
    %sub3A_858 = arith.subi %get3A_845, %sub3A_857 : vector<16xi32>
    tpu.vector_store_idx %arg5[%sub3A_858, %add3A_848], %broadcast_in_dim3A_3 masked %and3A_855 : memref<504x128xf32, #tpu.memory_space<vmem>>[vector<16xi32>, vector<16xi32>], vector<16xf32>, vector<16xi1>
    %get3A_859 = arith.constant 208 : index
    %get3A_860 = tpu.vector_load %arg4[%get3A_859] {strides = array<i32>} : memref<512xi32, #tpu.memory_space<vmem>>, vector<16xi32>,
    %add3A_861 = arith.constant 80 : i32
    %add3A_862 = vector.broadcast %add3A_861 : i32 to vector<16xi32>
    %add3A_863 = arith.addi %iota3A, %add3A_862 : vector<16xi32>
    %ge3A_864 = arith.constant 0 : i32
    %ge3A_865 = vector.broadcast %ge3A_864 : i32 to vector<16xi32>
    %ge3A_866 = arith.cmpi sge, %get3A_860, %ge3A_865 : vector<16xi32>
    %lt3A_867 = arith.constant 504 : i32
    %lt3A_868 = vector.broadcast %lt3A_867 : i32 to vector<16xi32>
    %lt3A_869 = arith.cmpi slt, %get3A_860, %lt3A_868 : vector<16xi32>
    %and3A_870 = arith.andi %ge3A_866, %lt3A_869 : vector<16xi1>
    %sub3A_871 = arith.constant 0 : i32
    %sub3A_872 = vector.broadcast %sub3A_871 : i32 to vector<16xi32>
    %sub3A_873 = arith.subi %get3A_860, %sub3A_872 : vector<16xi32>
    tpu.vector_store_idx %arg5[%sub3A_873, %add3A_863], %broadcast_in_dim3A_3 masked %and3A_870 : memref<504x128xf32, #tpu.memory_space<vmem>>[vector<16xi32>, vector<16xi32>], vector<16xf32>, vector<16xi1>
    %get3A_874 = arith.constant 224 : index
    %get3A_875 = tpu.vector_load %arg4[%get3A_874] {strides = array<i32>} : memref<512xi32, #tpu.memory_space<vmem>>, vector<16xi32>,
    %add3A_876 = arith.constant 96 : i32
    %add3A_877 = vector.broadcast %add3A_876 : i32 to vector<16xi32>
    %add3A_878 = arith.addi %iota3A, %add3A_877 : vector<16xi32>
    %ge3A_879 = arith.constant 0 : i32
    %ge3A_880 = vector.broadcast %ge3A_879 : i32 to vector<16xi32>
    %ge3A_881 = arith.cmpi sge, %get3A_875, %ge3A_880 : vector<16xi32>
    %lt3A_882 = arith.constant 504 : i32
    %lt3A_883 = vector.broadcast %lt3A_882 : i32 to vector<16xi32>
    %lt3A_884 = arith.cmpi slt, %get3A_875, %lt3A_883 : vector<16xi32>
    %and3A_885 = arith.andi %ge3A_881, %lt3A_884 : vector<16xi1>
    %sub3A_886 = arith.constant 0 : i32
    %sub3A_887 = vector.broadcast %sub3A_886 : i32 to vector<16xi32>
    %sub3A_888 = arith.subi %get3A_875, %sub3A_887 : vector<16xi32>
    tpu.vector_store_idx %arg5[%sub3A_888, %add3A_878], %broadcast_in_dim3A_3 masked %and3A_885 : memref<504x128xf32, #tpu.memory_space<vmem>>[vector<16xi32>, vector<16xi32>], vector<16xf32>, vector<16xi1>
    %get3A_889 = arith.constant 240 : index
    %get3A_890 = tpu.vector_load %arg4[%get3A_889] {strides = array<i32>} : memref<512xi32, #tpu.memory_space<vmem>>, vector<16xi32>,
    %add3A_891 = arith.constant 112 : i32
    %add3A_892 = vector.broadcast %add3A_891 : i32 to vector<16xi32>
    %add3A_893 = arith.addi %iota3A, %add3A_892 : vector<16xi32>
    %ge3A_894 = arith.constant 0 : i32
    %ge3A_895 = vector.broadcast %ge3A_894 : i32 to vector<16xi32>
    %ge3A_896 = arith.cmpi sge, %get3A_890, %ge3A_895 : vector<16xi32>
    %lt3A_897 = arith.constant 504 : i32
    %lt3A_898 = vector.broadcast %lt3A_897 : i32 to vector<16xi32>
    %lt3A_899 = arith.cmpi slt, %get3A_890, %lt3A_898 : vector<16xi32>
    %and3A_900 = arith.andi %ge3A_896, %lt3A_899 : vector<16xi1>
    %sub3A_901 = arith.constant 0 : i32
    %sub3A_902 = vector.broadcast %sub3A_901 : i32 to vector<16xi32>
    %sub3A_903 = arith.subi %get3A_890, %sub3A_902 : vector<16xi32>
    tpu.vector_store_idx %arg5[%sub3A_903, %add3A_893], %broadcast_in_dim3A_3 masked %and3A_900 : memref<504x128xf32, #tpu.memory_space<vmem>>[vector<16xi32>, vector<16xi32>], vector<16xf32>, vector<16xi1>
    %get3A_904 = arith.constant 256 : index
    %get3A_905 = tpu.vector_load %arg4[%get3A_904] {strides = array<i32>} : memref<512xi32, #tpu.memory_space<vmem>>, vector<16xi32>,
    %add3A_906 = arith.constant 0 : i32
    %add3A_907 = vector.broadcast %add3A_906 : i32 to vector<16xi32>
    %add3A_908 = arith.addi %iota3A, %add3A_907 : vector<16xi32>
    %ge3A_909 = arith.constant 0 : i32
    %ge3A_910 = vector.broadcast %ge3A_909 : i32 to vector<16xi32>
    %ge3A_911 = arith.cmpi sge, %get3A_905, %ge3A_910 : vector<16xi32>
    %lt3A_912 = arith.constant 504 : i32
    %lt3A_913 = vector.broadcast %lt3A_912 : i32 to vector<16xi32>
    %lt3A_914 = arith.cmpi slt, %get3A_905, %lt3A_913 : vector<16xi32>
    %and3A_915 = arith.andi %ge3A_911, %lt3A_914 : vector<16xi1>
    %sub3A_916 = arith.constant 0 : i32
    %sub3A_917 = vector.broadcast %sub3A_916 : i32 to vector<16xi32>
    %sub3A_918 = arith.subi %get3A_905, %sub3A_917 : vector<16xi32>
    tpu.vector_store_idx %arg5[%sub3A_918, %add3A_908], %broadcast_in_dim3A_5 masked %and3A_915 : memref<504x128xf32, #tpu.memory_space<vmem>>[vector<16xi32>, vector<16xi32>], vector<16xf32>, vector<16xi1>
    %get3A_919 = arith.constant 272 : index
    %get3A_920 = tpu.vector_load %arg4[%get3A_919] {strides = array<i32>} : memref<512xi32, #tpu.memory_space<vmem>>, vector<16xi32>,
    %add3A_921 = arith.constant 16 : i32
    %add3A_922 = vector.broadcast %add3A_921 : i32 to vector<16xi32>
    %add3A_923 = arith.addi %iota3A, %add3A_922 : vector<16xi32>
    %ge3A_924 = arith.constant 0 : i32
    %ge3A_925 = vector.broadcast %ge3A_924 : i32 to vector<16xi32>
    %ge3A_926 = arith.cmpi sge, %get3A_920, %ge3A_925 : vector<16xi32>
    %lt3A_927 = arith.constant 504 : i32
    %lt3A_928 = vector.broadcast %lt3A_927 : i32 to vector<16xi32>
    %lt3A_929 = arith.cmpi slt, %get3A_920, %lt3A_928 : vector<16xi32>
    %and3A_930 = arith.andi %ge3A_926, %lt3A_929 : vector<16xi1>
    %sub3A_931 = arith.constant 0 : i32
    %sub3A_932 = vector.broadcast %sub3A_931 : i32 to vector<16xi32>
    %sub3A_933 = arith.subi %get3A_920, %sub3A_932 : vector<16xi32>
    tpu.vector_store_idx %arg5[%sub3A_933, %add3A_923], %broadcast_in_dim3A_5 masked %and3A_930 : memref<504x128xf32, #tpu.memory_space<vmem>>[vector<16xi32>, vector<16xi32>], vector<16xf32>, vector<16xi1>
    %get3A_934 = arith.constant 288 : index
    %get3A_935 = tpu.vector_load %arg4[%get3A_934] {strides = array<i32>} : memref<512xi32, #tpu.memory_space<vmem>>, vector<16xi32>,
    %add3A_936 = arith.constant 32 : i32
    %add3A_937 = vector.broadcast %add3A_936 : i32 to vector<16xi32>
    %add3A_938 = arith.addi %iota3A, %add3A_937 : vector<16xi32>
    %ge3A_939 = arith.constant 0 : i32
    %ge3A_940 = vector.broadcast %ge3A_939 : i32 to vector<16xi32>
    %ge3A_941 = arith.cmpi sge, %get3A_935, %ge3A_940 : vector<16xi32>
    %lt3A_942 = arith.constant 504 : i32
    %lt3A_943 = vector.broadcast %lt3A_942 : i32 to vector<16xi32>
    %lt3A_944 = arith.cmpi slt, %get3A_935, %lt3A_943 : vector<16xi32>
    %and3A_945 = arith.andi %ge3A_941, %lt3A_944 : vector<16xi1>
    %sub3A_946 = arith.constant 0 : i32
    %sub3A_947 = vector.broadcast %sub3A_946 : i32 to vector<16xi32>
    %sub3A_948 = arith.subi %get3A_935, %sub3A_947 : vector<16xi32>
    tpu.vector_store_idx %arg5[%sub3A_948, %add3A_938], %broadcast_in_dim3A_5 masked %and3A_945 : memref<504x128xf32, #tpu.memory_space<vmem>>[vector<16xi32>, vector<16xi32>], vector<16xf32>, vector<16xi1>
    %get3A_949 = arith.constant 304 : index
    %get3A_950 = tpu.vector_load %arg4[%get3A_949] {strides = array<i32>} : memref<512xi32, #tpu.memory_space<vmem>>, vector<16xi32>,
    %add3A_951 = arith.constant 48 : i32
    %add3A_952 = vector.broadcast %add3A_951 : i32 to vector<16xi32>
    %add3A_953 = arith.addi %iota3A, %add3A_952 : vector<16xi32>
    %ge3A_954 = arith.constant 0 : i32
    %ge3A_955 = vector.broadcast %ge3A_954 : i32 to vector<16xi32>
    %ge3A_956 = arith.cmpi sge, %get3A_950, %ge3A_955 : vector<16xi32>
    %lt3A_957 = arith.constant 504 : i32
    %lt3A_958 = vector.broadcast %lt3A_957 : i32 to vector<16xi32>
    %lt3A_959 = arith.cmpi slt, %get3A_950, %lt3A_958 : vector<16xi32>
    %and3A_960 = arith.andi %ge3A_956, %lt3A_959 : vector<16xi1>
    %sub3A_961 = arith.constant 0 : i32
    %sub3A_962 = vector.broadcast %sub3A_961 : i32 to vector<16xi32>
    %sub3A_963 = arith.subi %get3A_950, %sub3A_962 : vector<16xi32>
    tpu.vector_store_idx %arg5[%sub3A_963, %add3A_953], %broadcast_in_dim3A_5 masked %and3A_960 : memref<504x128xf32, #tpu.memory_space<vmem>>[vector<16xi32>, vector<16xi32>], vector<16xf32>, vector<16xi1>
    %get3A_964 = arith.constant 320 : index
    %get3A_965 = tpu.vector_load %arg4[%get3A_964] {strides = array<i32>} : memref<512xi32, #tpu.memory_space<vmem>>, vector<16xi32>,
    %add3A_966 = arith.constant 64 : i32
    %add3A_967 = vector.broadcast %add3A_966 : i32 to vector<16xi32>
    %add3A_968 = arith.addi %iota3A, %add3A_967 : vector<16xi32>
    %ge3A_969 = arith.constant 0 : i32
    %ge3A_970 = vector.broadcast %ge3A_969 : i32 to vector<16xi32>
    %ge3A_971 = arith.cmpi sge, %get3A_965, %ge3A_970 : vector<16xi32>
    %lt3A_972 = arith.constant 504 : i32
    %lt3A_973 = vector.broadcast %lt3A_972 : i32 to vector<16xi32>
    %lt3A_974 = arith.cmpi slt, %get3A_965, %lt3A_973 : vector<16xi32>
    %and3A_975 = arith.andi %ge3A_971, %lt3A_974 : vector<16xi1>
    %sub3A_976 = arith.constant 0 : i32
    %sub3A_977 = vector.broadcast %sub3A_976 : i32 to vector<16xi32>
    %sub3A_978 = arith.subi %get3A_965, %sub3A_977 : vector<16xi32>
    tpu.vector_store_idx %arg5[%sub3A_978, %add3A_968], %broadcast_in_dim3A_5 masked %and3A_975 : memref<504x128xf32, #tpu.memory_space<vmem>>[vector<16xi32>, vector<16xi32>], vector<16xf32>, vector<16xi1>
    %get3A_979 = arith.constant 336 : index
    %get3A_980 = tpu.vector_load %arg4[%get3A_979] {strides = array<i32>} : memref<512xi32, #tpu.memory_space<vmem>>, vector<16xi32>,
    %add3A_981 = arith.constant 80 : i32
    %add3A_982 = vector.broadcast %add3A_981 : i32 to vector<16xi32>
    %add3A_983 = arith.addi %iota3A, %add3A_982 : vector<16xi32>
    %ge3A_984 = arith.constant 0 : i32
    %ge3A_985 = vector.broadcast %ge3A_984 : i32 to vector<16xi32>
    %ge3A_986 = arith.cmpi sge, %get3A_980, %ge3A_985 : vector<16xi32>
    %lt3A_987 = arith.constant 504 : i32
    %lt3A_988 = vector.broadcast %lt3A_987 : i32 to vector<16xi32>
    %lt3A_989 = arith.cmpi slt, %get3A_980, %lt3A_988 : vector<16xi32>
    %and3A_990 = arith.andi %ge3A_986, %lt3A_989 : vector<16xi1>
    %sub3A_991 = arith.constant 0 : i32
    %sub3A_992 = vector.broadcast %sub3A_991 : i32 to vector<16xi32>
    %sub3A_993 = arith.subi %get3A_980, %sub3A_992 : vector<16xi32>
    tpu.vector_store_idx %arg5[%sub3A_993, %add3A_983], %broadcast_in_dim3A_5 masked %and3A_990 : memref<504x128xf32, #tpu.memory_space<vmem>>[vector<16xi32>, vector<16xi32>], vector<16xf32>, vector<16xi1>
    %get3A_994 = arith.constant 352 : index
    %get3A_995 = tpu.vector_load %arg4[%get3A_994] {strides = array<i32>} : memref<512xi32, #tpu.memory_space<vmem>>, vector<16xi32>,
    %add3A_996 = arith.constant 96 : i32
    %add3A_997 = vector.broadcast %add3A_996 : i32 to vector<16xi32>
    %add3A_998 = arith.addi %iota3A, %add3A_997 : vector<16xi32>
    %ge3A_999 = arith.constant 0 : i32
    %ge3A_1000 = vector.broadcast %ge3A_999 : i32 to vector<16xi32>
    %ge3A_1001 = arith.cmpi sge, %get3A_995, %ge3A_1000 : vector<16xi32>
    %lt3A_1002 = arith.constant 504 : i32
    %lt3A_1003 = vector.broadcast %lt3A_1002 : i32 to vector<16xi32>
    %lt3A_1004 = arith.cmpi slt, %get3A_995, %lt3A_1003 : vector<16xi32>
    %and3A_1005 = arith.andi %ge3A_1001, %lt3A_1004 : vector<16xi1>
    %sub3A_1006 = arith.constant 0 : i32
    %sub3A_1007 = vector.broadcast %sub3A_1006 : i32 to vector<16xi32>
    %sub3A_1008 = arith.subi %get3A_995, %sub3A_1007 : vector<16xi32>
    tpu.vector_store_idx %arg5[%sub3A_1008, %add3A_998], %broadcast_in_dim3A_5 masked %and3A_1005 : memref<504x128xf32, #tpu.memory_space<vmem>>[vector<16xi32>, vector<16xi32>], vector<16xf32>, vector<16xi1>
    %get3A_1009 = arith.constant 368 : index
    %get3A_1010 = tpu.vector_load %arg4[%get3A_1009] {strides = array<i32>} : memref<512xi32, #tpu.memory_space<vmem>>, vector<16xi32>,
    %add3A_1011 = arith.constant 112 : i32
    %add3A_1012 = vector.broadcast %add3A_1011 : i32 to vector<16xi32>
    %add3A_1013 = arith.addi %iota3A, %add3A_1012 : vector<16xi32>
    %ge3A_1014 = arith.constant 0 : i32
    %ge3A_1015 = vector.broadcast %ge3A_1014 : i32 to vector<16xi32>
    %ge3A_1016 = arith.cmpi sge, %get3A_1010, %ge3A_1015 : vector<16xi32>
    %lt3A_1017 = arith.constant 504 : i32
    %lt3A_1018 = vector.broadcast %lt3A_1017 : i32 to vector<16xi32>
    %lt3A_1019 = arith.cmpi slt, %get3A_1010, %lt3A_1018 : vector<16xi32>
    %and3A_1020 = arith.andi %ge3A_1016, %lt3A_1019 : vector<16xi1>
    %sub3A_1021 = arith.constant 0 : i32
    %sub3A_1022 = vector.broadcast %sub3A_1021 : i32 to vector<16xi32>
    %sub3A_1023 = arith.subi %get3A_1010, %sub3A_1022 : vector<16xi32>
    tpu.vector_store_idx %arg5[%sub3A_1023, %add3A_1013], %broadcast_in_dim3A_5 masked %and3A_1020 : memref<504x128xf32, #tpu.memory_space<vmem>>[vector<16xi32>, vector<16xi32>], vector<16xf32>, vector<16xi1>
    %add3A_1024 = arith.constant 256 : i32
    %add3A_1025 = arith.addi %mul3A_2, %add3A_1024 : i32
    %dma_start3A_1026 = arith.constant 0 : i32
    %dma_start3A_1027 = tpu.memref_slice %arg3[%dma_start3A_1026, %add3A_1025] : memref<1000x16384xf32, #tpu.memory_space<hbm>> -> memref<504x128xf32, #tpu.memory_space<hbm>>
    %dma_start3A_1028 = arith.constant 0 : i32
    %dma_start3A_1029 = tpu.memref_slice %arg3[%dma_start3A_1028, %add3A_1025] : memref<1000x16384xf32, #tpu.memory_space<hbm>> -> memref<504x128xf32, #tpu.memory_space<hbm>>
    tpu.enqueue_dma source(%arg5 : memref<504x128xf32, #tpu.memory_space<vmem>>) target(%dma_start3A_1029 : memref<504x128xf32, #tpu.memory_space<hbm>>) target_semaphore(%arg7 : memref<!tpu.dma_semaphore, #tpu.memory_space<semaphore_mem>>)
    %dma_wait3A_1030 = arith.constant 0 : i32
    %dma_wait3A_1031 = arith.constant 0 : i32
    %dma_wait3A_1032 = tpu.memref_slice %arg6[%dma_wait3A_1030, %dma_wait3A_1031] : memref<504x128xf32, #tpu.memory_space<vmem>> -> memref<496x128xf32, #tpu.memory_space<vmem>>
    %dma_wait3A_1033 = arith.constant 504 : i32
    %dma_wait3A_1034 = tpu.memref_slice %arg3[%dma_wait3A_1033, %add3A_769] : memref<1000x16384xf32, #tpu.memory_space<hbm>> -> memref<496x128xf32, #tpu.memory_space<hbm>>
    %dma_wait3A_1035 = arith.constant 504 : i32
    %dma_wait3A_1036 = tpu.memref_slice %arg3[%dma_wait3A_1035, %add3A_769] : memref<1000x16384xf32, #tpu.memory_space<hbm>> -> memref<496x128xf32, #tpu.memory_space<hbm>>
    %dma_wait3A_1037 = arith.constant 0 : i32
    %dma_wait3A_1038 = arith.constant 0 : i32
    %dma_wait3A_1039 = tpu.memref_slice %arg6[%dma_wait3A_1037, %dma_wait3A_1038] : memref<504x128xf32, #tpu.memory_space<vmem>> -> memref<496x128xf32, #tpu.memory_space<vmem>>
    tpu.wait_dma2 semaphore(%arg8 : memref<!tpu.dma_semaphore, #tpu.memory_space<semaphore_mem>>) src(%dma_wait3A_1039 : memref<496x128xf32, #tpu.memory_space<vmem>>) dst(%dma_wait3A_1036 : memref<496x128xf32, #tpu.memory_space<hbm>>)
    %get3A_1040 = arith.constant 128 : index
    %get3A_1041 = tpu.vector_load %arg4[%get3A_1040] {strides = array<i32>} : memref<512xi32, #tpu.memory_space<vmem>>, vector<16xi32>,
    %add3A_1042 = arith.constant 0 : i32
    %add3A_1043 = vector.broadcast %add3A_1042 : i32 to vector<16xi32>
    %add3A_1044 = arith.addi %iota3A, %add3A_1043 : vector<16xi32>
    %ge3A_1045 = arith.constant 504 : i32
    %ge3A_1046 = vector.broadcast %ge3A_1045 : i32 to vector<16xi32>
    %ge3A_1047 = arith.cmpi sge, %get3A_1041, %ge3A_1046 : vector<16xi32>
    %lt3A_1048 = arith.constant 1000 : i32
    %lt3A_1049 = vector.broadcast %lt3A_1048 : i32 to vector<16xi32>
    %lt3A_1050 = arith.cmpi slt, %get3A_1041, %lt3A_1049 : vector<16xi32>
    %and3A_1051 = arith.andi %ge3A_1047, %lt3A_1050 : vector<16xi1>
    %sub3A_1052 = arith.constant 504 : i32
    %sub3A_1053 = vector.broadcast %sub3A_1052 : i32 to vector<16xi32>
    %sub3A_1054 = arith.subi %get3A_1041, %sub3A_1053 : vector<16xi32>
    tpu.vector_store_idx %arg6[%sub3A_1054, %add3A_1044], %broadcast_in_dim3A_3 masked %and3A_1051 : memref<504x128xf32, #tpu.memory_space<vmem>>[vector<16xi32>, vector<16xi32>], vector<16xf32>, vector<16xi1>
    %get3A_1055 = arith.constant 144 : index
    %get3A_1056 = tpu.vector_load %arg4[%get3A_1055] {strides = array<i32>} : memref<512xi32, #tpu.memory_space<vmem>>, vector<16xi32>,
    %add3A_1057 = arith.constant 16 : i32
    %add3A_1058 = vector.broadcast %add3A_1057 : i32 to vector<16xi32>
    %add3A_1059 = arith.addi %iota3A, %add3A_1058 : vector<16xi32>
    %ge3A_1060 = arith.constant 504 : i32
    %ge3A_1061 = vector.broadcast %ge3A_1060 : i32 to vector<16xi32>
    %ge3A_1062 = arith.cmpi sge, %get3A_1056, %ge3A_1061 : vector<16xi32>
    %lt3A_1063 = arith.constant 1000 : i32
    %lt3A_1064 = vector.broadcast %lt3A_1063 : i32 to vector<16xi32>
    %lt3A_1065 = arith.cmpi slt, %get3A_1056, %lt3A_1064 : vector<16xi32>
    %and3A_1066 = arith.andi %ge3A_1062, %lt3A_1065 : vector<16xi1>
    %sub3A_1067 = arith.constant 504 : i32
    %sub3A_1068 = vector.broadcast %sub3A_1067 : i32 to vector<16xi32>
    %sub3A_1069 = arith.subi %get3A_1056, %sub3A_1068 : vector<16xi32>
    tpu.vector_store_idx %arg6[%sub3A_1069, %add3A_1059], %broadcast_in_dim3A_3 masked %and3A_1066 : memref<504x128xf32, #tpu.memory_space<vmem>>[vector<16xi32>, vector<16xi32>], vector<16xf32>, vector<16xi1>
    %get3A_1070 = arith.constant 160 : index
    %get3A_1071 = tpu.vector_load %arg4[%get3A_1070] {strides = array<i32>} : memref<512xi32, #tpu.memory_space<vmem>>, vector<16xi32>,
    %add3A_1072 = arith.constant 32 : i32
    %add3A_1073 = vector.broadcast %add3A_1072 : i32 to vector<16xi32>
    %add3A_1074 = arith.addi %iota3A, %add3A_1073 : vector<16xi32>
    %ge3A_1075 = arith.constant 504 : i32
    %ge3A_1076 = vector.broadcast %ge3A_1075 : i32 to vector<16xi32>
    %ge3A_1077 = arith.cmpi sge, %get3A_1071, %ge3A_1076 : vector<16xi32>
    %lt3A_1078 = arith.constant 1000 : i32
    %lt3A_1079 = vector.broadcast %lt3A_1078 : i32 to vector<16xi32>
    %lt3A_1080 = arith.cmpi slt, %get3A_1071, %lt3A_1079 : vector<16xi32>
    %and3A_1081 = arith.andi %ge3A_1077, %lt3A_1080 : vector<16xi1>
    %sub3A_1082 = arith.constant 504 : i32
    %sub3A_1083 = vector.broadcast %sub3A_1082 : i32 to vector<16xi32>
    %sub3A_1084 = arith.subi %get3A_1071, %sub3A_1083 : vector<16xi32>
    tpu.vector_store_idx %arg6[%sub3A_1084, %add3A_1074], %broadcast_in_dim3A_3 masked %and3A_1081 : memref<504x128xf32, #tpu.memory_space<vmem>>[vector<16xi32>, vector<16xi32>], vector<16xf32>, vector<16xi1>
    %get3A_1085 = arith.constant 176 : index
    %get3A_1086 = tpu.vector_load %arg4[%get3A_1085] {strides = array<i32>} : memref<512xi32, #tpu.memory_space<vmem>>, vector<16xi32>,
    %add3A_1087 = arith.constant 48 : i32
    %add3A_1088 = vector.broadcast %add3A_1087 : i32 to vector<16xi32>
    %add3A_1089 = arith.addi %iota3A, %add3A_1088 : vector<16xi32>
    %ge3A_1090 = arith.constant 504 : i32
    %ge3A_1091 = vector.broadcast %ge3A_1090 : i32 to vector<16xi32>
    %ge3A_1092 = arith.cmpi sge, %get3A_1086, %ge3A_1091 : vector<16xi32>
    %lt3A_1093 = arith.constant 1000 : i32
    %lt3A_1094 = vector.broadcast %lt3A_1093 : i32 to vector<16xi32>
    %lt3A_1095 = arith.cmpi slt, %get3A_1086, %lt3A_1094 : vector<16xi32>
    %and3A_1096 = arith.andi %ge3A_1092, %lt3A_1095 : vector<16xi1>
    %sub3A_1097 = arith.constant 504 : i32
    %sub3A_1098 = vector.broadcast %sub3A_1097 : i32 to vector<16xi32>
    %sub3A_1099 = arith.subi %get3A_1086, %sub3A_1098 : vector<16xi32>
    tpu.vector_store_idx %arg6[%sub3A_1099, %add3A_1089], %broadcast_in_dim3A_3 masked %and3A_1096 : memref<504x128xf32, #tpu.memory_space<vmem>>[vector<16xi32>, vector<16xi32>], vector<16xf32>, vector<16xi1>
    %get3A_1100 = arith.constant 192 : index
    %get3A_1101 = tpu.vector_load %arg4[%get3A_1100] {strides = array<i32>} : memref<512xi32, #tpu.memory_space<vmem>>, vector<16xi32>,
    %add3A_1102 = arith.constant 64 : i32
    %add3A_1103 = vector.broadcast %add3A_1102 : i32 to vector<16xi32>
    %add3A_1104 = arith.addi %iota3A, %add3A_1103 : vector<16xi32>
    %ge3A_1105 = arith.constant 504 : i32
    %ge3A_1106 = vector.broadcast %ge3A_1105 : i32 to vector<16xi32>
    %ge3A_1107 = arith.cmpi sge, %get3A_1101, %ge3A_1106 : vector<16xi32>
    %lt3A_1108 = arith.constant 1000 : i32
    %lt3A_1109 = vector.broadcast %lt3A_1108 : i32 to vector<16xi32>
    %lt3A_1110 = arith.cmpi slt, %get3A_1101, %lt3A_1109 : vector<16xi32>
    %and3A_1111 = arith.andi %ge3A_1107, %lt3A_1110 : vector<16xi1>
    %sub3A_1112 = arith.constant 504 : i32
    %sub3A_1113 = vector.broadcast %sub3A_1112 : i32 to vector<16xi32>
    %sub3A_1114 = arith.subi %get3A_1101, %sub3A_1113 : vector<16xi32>
    tpu.vector_store_idx %arg6[%sub3A_1114, %add3A_1104], %broadcast_in_dim3A_3 masked %and3A_1111 : memref<504x128xf32, #tpu.memory_space<vmem>>[vector<16xi32>, vector<16xi32>], vector<16xf32>, vector<16xi1>
    %get3A_1115 = arith.constant 208 : index
    %get3A_1116 = tpu.vector_load %arg4[%get3A_1115] {strides = array<i32>} : memref<512xi32, #tpu.memory_space<vmem>>, vector<16xi32>,
    %add3A_1117 = arith.constant 80 : i32
    %add3A_1118 = vector.broadcast %add3A_1117 : i32 to vector<16xi32>
    %add3A_1119 = arith.addi %iota3A, %add3A_1118 : vector<16xi32>
    %ge3A_1120 = arith.constant 504 : i32
    %ge3A_1121 = vector.broadcast %ge3A_1120 : i32 to vector<16xi32>
    %ge3A_1122 = arith.cmpi sge, %get3A_1116, %ge3A_1121 : vector<16xi32>
    %lt3A_1123 = arith.constant 1000 : i32
    %lt3A_1124 = vector.broadcast %lt3A_1123 : i32 to vector<16xi32>
    %lt3A_1125 = arith.cmpi slt, %get3A_1116, %lt3A_1124 : vector<16xi32>
    %and3A_1126 = arith.andi %ge3A_1122, %lt3A_1125 : vector<16xi1>
    %sub3A_1127 = arith.constant 504 : i32
    %sub3A_1128 = vector.broadcast %sub3A_1127 : i32 to vector<16xi32>
    %sub3A_1129 = arith.subi %get3A_1116, %sub3A_1128 : vector<16xi32>
    tpu.vector_store_idx %arg6[%sub3A_1129, %add3A_1119], %broadcast_in_dim3A_3 masked %and3A_1126 : memref<504x128xf32, #tpu.memory_space<vmem>>[vector<16xi32>, vector<16xi32>], vector<16xf32>, vector<16xi1>
    %get3A_1130 = arith.constant 224 : index
    %get3A_1131 = tpu.vector_load %arg4[%get3A_1130] {strides = array<i32>} : memref<512xi32, #tpu.memory_space<vmem>>, vector<16xi32>,
    %add3A_1132 = arith.constant 96 : i32
    %add3A_1133 = vector.broadcast %add3A_1132 : i32 to vector<16xi32>
    %add3A_1134 = arith.addi %iota3A, %add3A_1133 : vector<16xi32>
    %ge3A_1135 = arith.constant 504 : i32
    %ge3A_1136 = vector.broadcast %ge3A_1135 : i32 to vector<16xi32>
    %ge3A_1137 = arith.cmpi sge, %get3A_1131, %ge3A_1136 : vector<16xi32>
    %lt3A_1138 = arith.constant 1000 : i32
    %lt3A_1139 = vector.broadcast %lt3A_1138 : i32 to vector<16xi32>
    %lt3A_1140 = arith.cmpi slt, %get3A_1131, %lt3A_1139 : vector<16xi32>
    %and3A_1141 = arith.andi %ge3A_1137, %lt3A_1140 : vector<16xi1>
    %sub3A_1142 = arith.constant 504 : i32
    %sub3A_1143 = vector.broadcast %sub3A_1142 : i32 to vector<16xi32>
    %sub3A_1144 = arith.subi %get3A_1131, %sub3A_1143 : vector<16xi32>
    tpu.vector_store_idx %arg6[%sub3A_1144, %add3A_1134], %broadcast_in_dim3A_3 masked %and3A_1141 : memref<504x128xf32, #tpu.memory_space<vmem>>[vector<16xi32>, vector<16xi32>], vector<16xf32>, vector<16xi1>
    %get3A_1145 = arith.constant 240 : index
    %get3A_1146 = tpu.vector_load %arg4[%get3A_1145] {strides = array<i32>} : memref<512xi32, #tpu.memory_space<vmem>>, vector<16xi32>,
    %add3A_1147 = arith.constant 112 : i32
    %add3A_1148 = vector.broadcast %add3A_1147 : i32 to vector<16xi32>
    %add3A_1149 = arith.addi %iota3A, %add3A_1148 : vector<16xi32>
    %ge3A_1150 = arith.constant 504 : i32
    %ge3A_1151 = vector.broadcast %ge3A_1150 : i32 to vector<16xi32>
    %ge3A_1152 = arith.cmpi sge, %get3A_1146, %ge3A_1151 : vector<16xi32>
    %lt3A_1153 = arith.constant 1000 : i32
    %lt3A_1154 = vector.broadcast %lt3A_1153 : i32 to vector<16xi32>
    %lt3A_1155 = arith.cmpi slt, %get3A_1146, %lt3A_1154 : vector<16xi32>
    %and3A_1156 = arith.andi %ge3A_1152, %lt3A_1155 : vector<16xi1>
    %sub3A_1157 = arith.constant 504 : i32
    %sub3A_1158 = vector.broadcast %sub3A_1157 : i32 to vector<16xi32>
    %sub3A_1159 = arith.subi %get3A_1146, %sub3A_1158 : vector<16xi32>
    tpu.vector_store_idx %arg6[%sub3A_1159, %add3A_1149], %broadcast_in_dim3A_3 masked %and3A_1156 : memref<504x128xf32, #tpu.memory_space<vmem>>[vector<16xi32>, vector<16xi32>], vector<16xf32>, vector<16xi1>
    %get3A_1160 = arith.constant 256 : index
    %get3A_1161 = tpu.vector_load %arg4[%get3A_1160] {strides = array<i32>} : memref<512xi32, #tpu.memory_space<vmem>>, vector<16xi32>,
    %add3A_1162 = arith.constant 0 : i32
    %add3A_1163 = vector.broadcast %add3A_1162 : i32 to vector<16xi32>
    %add3A_1164 = arith.addi %iota3A, %add3A_1163 : vector<16xi32>
    %ge3A_1165 = arith.constant 504 : i32
    %ge3A_1166 = vector.broadcast %ge3A_1165 : i32 to vector<16xi32>
    %ge3A_1167 = arith.cmpi sge, %get3A_1161, %ge3A_1166 : vector<16xi32>
    %lt3A_1168 = arith.constant 1000 : i32
    %lt3A_1169 = vector.broadcast %lt3A_1168 : i32 to vector<16xi32>
    %lt3A_1170 = arith.cmpi slt, %get3A_1161, %lt3A_1169 : vector<16xi32>
    %and3A_1171 = arith.andi %ge3A_1167, %lt3A_1170 : vector<16xi1>
    %sub3A_1172 = arith.constant 504 : i32
    %sub3A_1173 = vector.broadcast %sub3A_1172 : i32 to vector<16xi32>
    %sub3A_1174 = arith.subi %get3A_1161, %sub3A_1173 : vector<16xi32>
    tpu.vector_store_idx %arg6[%sub3A_1174, %add3A_1164], %broadcast_in_dim3A_5 masked %and3A_1171 : memref<504x128xf32, #tpu.memory_space<vmem>>[vector<16xi32>, vector<16xi32>], vector<16xf32>, vector<16xi1>
    %get3A_1175 = arith.constant 272 : index
    %get3A_1176 = tpu.vector_load %arg4[%get3A_1175] {strides = array<i32>} : memref<512xi32, #tpu.memory_space<vmem>>, vector<16xi32>,
    %add3A_1177 = arith.constant 16 : i32
    %add3A_1178 = vector.broadcast %add3A_1177 : i32 to vector<16xi32>
    %add3A_1179 = arith.addi %iota3A, %add3A_1178 : vector<16xi32>
    %ge3A_1180 = arith.constant 504 : i32
    %ge3A_1181 = vector.broadcast %ge3A_1180 : i32 to vector<16xi32>
    %ge3A_1182 = arith.cmpi sge, %get3A_1176, %ge3A_1181 : vector<16xi32>
    %lt3A_1183 = arith.constant 1000 : i32
    %lt3A_1184 = vector.broadcast %lt3A_1183 : i32 to vector<16xi32>
    %lt3A_1185 = arith.cmpi slt, %get3A_1176, %lt3A_1184 : vector<16xi32>
    %and3A_1186 = arith.andi %ge3A_1182, %lt3A_1185 : vector<16xi1>
    %sub3A_1187 = arith.constant 504 : i32
    %sub3A_1188 = vector.broadcast %sub3A_1187 : i32 to vector<16xi32>
    %sub3A_1189 = arith.subi %get3A_1176, %sub3A_1188 : vector<16xi32>
    tpu.vector_store_idx %arg6[%sub3A_1189, %add3A_1179], %broadcast_in_dim3A_5 masked %and3A_1186 : memref<504x128xf32, #tpu.memory_space<vmem>>[vector<16xi32>, vector<16xi32>], vector<16xf32>, vector<16xi1>
    %get3A_1190 = arith.constant 288 : index
    %get3A_1191 = tpu.vector_load %arg4[%get3A_1190] {strides = array<i32>} : memref<512xi32, #tpu.memory_space<vmem>>, vector<16xi32>,
    %add3A_1192 = arith.constant 32 : i32
    %add3A_1193 = vector.broadcast %add3A_1192 : i32 to vector<16xi32>
    %add3A_1194 = arith.addi %iota3A, %add3A_1193 : vector<16xi32>
    %ge3A_1195 = arith.constant 504 : i32
    %ge3A_1196 = vector.broadcast %ge3A_1195 : i32 to vector<16xi32>
    %ge3A_1197 = arith.cmpi sge, %get3A_1191, %ge3A_1196 : vector<16xi32>
    %lt3A_1198 = arith.constant 1000 : i32
    %lt3A_1199 = vector.broadcast %lt3A_1198 : i32 to vector<16xi32>
    %lt3A_1200 = arith.cmpi slt, %get3A_1191, %lt3A_1199 : vector<16xi32>
    %and3A_1201 = arith.andi %ge3A_1197, %lt3A_1200 : vector<16xi1>
    %sub3A_1202 = arith.constant 504 : i32
    %sub3A_1203 = vector.broadcast %sub3A_1202 : i32 to vector<16xi32>
    %sub3A_1204 = arith.subi %get3A_1191, %sub3A_1203 : vector<16xi32>
    tpu.vector_store_idx %arg6[%sub3A_1204, %add3A_1194], %broadcast_in_dim3A_5 masked %and3A_1201 : memref<504x128xf32, #tpu.memory_space<vmem>>[vector<16xi32>, vector<16xi32>], vector<16xf32>, vector<16xi1>
    %get3A_1205 = arith.constant 304 : index
    %get3A_1206 = tpu.vector_load %arg4[%get3A_1205] {strides = array<i32>} : memref<512xi32, #tpu.memory_space<vmem>>, vector<16xi32>,
    %add3A_1207 = arith.constant 48 : i32
    %add3A_1208 = vector.broadcast %add3A_1207 : i32 to vector<16xi32>
    %add3A_1209 = arith.addi %iota3A, %add3A_1208 : vector<16xi32>
    %ge3A_1210 = arith.constant 504 : i32
    %ge3A_1211 = vector.broadcast %ge3A_1210 : i32 to vector<16xi32>
    %ge3A_1212 = arith.cmpi sge, %get3A_1206, %ge3A_1211 : vector<16xi32>
    %lt3A_1213 = arith.constant 1000 : i32
    %lt3A_1214 = vector.broadcast %lt3A_1213 : i32 to vector<16xi32>
    %lt3A_1215 = arith.cmpi slt, %get3A_1206, %lt3A_1214 : vector<16xi32>
    %and3A_1216 = arith.andi %ge3A_1212, %lt3A_1215 : vector<16xi1>
    %sub3A_1217 = arith.constant 504 : i32
    %sub3A_1218 = vector.broadcast %sub3A_1217 : i32 to vector<16xi32>
    %sub3A_1219 = arith.subi %get3A_1206, %sub3A_1218 : vector<16xi32>
    tpu.vector_store_idx %arg6[%sub3A_1219, %add3A_1209], %broadcast_in_dim3A_5 masked %and3A_1216 : memref<504x128xf32, #tpu.memory_space<vmem>>[vector<16xi32>, vector<16xi32>], vector<16xf32>, vector<16xi1>
    %get3A_1220 = arith.constant 320 : index
    %get3A_1221 = tpu.vector_load %arg4[%get3A_1220] {strides = array<i32>} : memref<512xi32, #tpu.memory_space<vmem>>, vector<16xi32>,
    %add3A_1222 = arith.constant 64 : i32
    %add3A_1223 = vector.broadcast %add3A_1222 : i32 to vector<16xi32>
    %add3A_1224 = arith.addi %iota3A, %add3A_1223 : vector<16xi32>
    %ge3A_1225 = arith.constant 504 : i32
    %ge3A_1226 = vector.broadcast %ge3A_1225 : i32 to vector<16xi32>
    %ge3A_1227 = arith.cmpi sge, %get3A_1221, %ge3A_1226 : vector<16xi32>
    %lt3A_1228 = arith.constant 1000 : i32
    %lt3A_1229 = vector.broadcast %lt3A_1228 : i32 to vector<16xi32>
    %lt3A_1230 = arith.cmpi slt, %get3A_1221, %lt3A_1229 : vector<16xi32>
    %and3A_1231 = arith.andi %ge3A_1227, %lt3A_1230 : vector<16xi1>
    %sub3A_1232 = arith.constant 504 : i32
    %sub3A_1233 = vector.broadcast %sub3A_1232 : i32 to vector<16xi32>
    %sub3A_1234 = arith.subi %get3A_1221, %sub3A_1233 : vector<16xi32>
    tpu.vector_store_idx %arg6[%sub3A_1234, %add3A_1224], %broadcast_in_dim3A_5 masked %and3A_1231 : memref<504x128xf32, #tpu.memory_space<vmem>>[vector<16xi32>, vector<16xi32>], vector<16xf32>, vector<16xi1>
    %get3A_1235 = arith.constant 336 : index
    %get3A_1236 = tpu.vector_load %arg4[%get3A_1235] {strides = array<i32>} : memref<512xi32, #tpu.memory_space<vmem>>, vector<16xi32>,
    %add3A_1237 = arith.constant 80 : i32
    %add3A_1238 = vector.broadcast %add3A_1237 : i32 to vector<16xi32>
    %add3A_1239 = arith.addi %iota3A, %add3A_1238 : vector<16xi32>
    %ge3A_1240 = arith.constant 504 : i32
    %ge3A_1241 = vector.broadcast %ge3A_1240 : i32 to vector<16xi32>
    %ge3A_1242 = arith.cmpi sge, %get3A_1236, %ge3A_1241 : vector<16xi32>
    %lt3A_1243 = arith.constant 1000 : i32
    %lt3A_1244 = vector.broadcast %lt3A_1243 : i32 to vector<16xi32>
    %lt3A_1245 = arith.cmpi slt, %get3A_1236, %lt3A_1244 : vector<16xi32>
    %and3A_1246 = arith.andi %ge3A_1242, %lt3A_1245 : vector<16xi1>
    %sub3A_1247 = arith.constant 504 : i32
    %sub3A_1248 = vector.broadcast %sub3A_1247 : i32 to vector<16xi32>
    %sub3A_1249 = arith.subi %get3A_1236, %sub3A_1248 : vector<16xi32>
    tpu.vector_store_idx %arg6[%sub3A_1249, %add3A_1239], %broadcast_in_dim3A_5 masked %and3A_1246 : memref<504x128xf32, #tpu.memory_space<vmem>>[vector<16xi32>, vector<16xi32>], vector<16xf32>, vector<16xi1>
    %get3A_1250 = arith.constant 352 : index
    %get3A_1251 = tpu.vector_load %arg4[%get3A_1250] {strides = array<i32>} : memref<512xi32, #tpu.memory_space<vmem>>, vector<16xi32>,
    %add3A_1252 = arith.constant 96 : i32
    %add3A_1253 = vector.broadcast %add3A_1252 : i32 to vector<16xi32>
    %add3A_1254 = arith.addi %iota3A, %add3A_1253 : vector<16xi32>
    %ge3A_1255 = arith.constant 504 : i32
    %ge3A_1256 = vector.broadcast %ge3A_1255 : i32 to vector<16xi32>
    %ge3A_1257 = arith.cmpi sge, %get3A_1251, %ge3A_1256 : vector<16xi32>
    %lt3A_1258 = arith.constant 1000 : i32
    %lt3A_1259 = vector.broadcast %lt3A_1258 : i32 to vector<16xi32>
    %lt3A_1260 = arith.cmpi slt, %get3A_1251, %lt3A_1259 : vector<16xi32>
    %and3A_1261 = arith.andi %ge3A_1257, %lt3A_1260 : vector<16xi1>
    %sub3A_1262 = arith.constant 504 : i32
    %sub3A_1263 = vector.broadcast %sub3A_1262 : i32 to vector<16xi32>
    %sub3A_1264 = arith.subi %get3A_1251, %sub3A_1263 : vector<16xi32>
    tpu.vector_store_idx %arg6[%sub3A_1264, %add3A_1254], %broadcast_in_dim3A_5 masked %and3A_1261 : memref<504x128xf32, #tpu.memory_space<vmem>>[vector<16xi32>, vector<16xi32>], vector<16xf32>, vector<16xi1>
    %get3A_1265 = arith.constant 368 : index
    %get3A_1266 = tpu.vector_load %arg4[%get3A_1265] {strides = array<i32>} : memref<512xi32, #tpu.memory_space<vmem>>, vector<16xi32>,
    %add3A_1267 = arith.constant 112 : i32
    %add3A_1268 = vector.broadcast %add3A_1267 : i32 to vector<16xi32>
    %add3A_1269 = arith.addi %iota3A, %add3A_1268 : vector<16xi32>
    %ge3A_1270 = arith.constant 504 : i32
    %ge3A_1271 = vector.broadcast %ge3A_1270 : i32 to vector<16xi32>
    %ge3A_1272 = arith.cmpi sge, %get3A_1266, %ge3A_1271 : vector<16xi32>
    %lt3A_1273 = arith.constant 1000 : i32
    %lt3A_1274 = vector.broadcast %lt3A_1273 : i32 to vector<16xi32>
    %lt3A_1275 = arith.cmpi slt, %get3A_1266, %lt3A_1274 : vector<16xi32>
    %and3A_1276 = arith.andi %ge3A_1272, %lt3A_1275 : vector<16xi1>
    %sub3A_1277 = arith.constant 504 : i32
    %sub3A_1278 = vector.broadcast %sub3A_1277 : i32 to vector<16xi32>
    %sub3A_1279 = arith.subi %get3A_1266, %sub3A_1278 : vector<16xi32>
    tpu.vector_store_idx %arg6[%sub3A_1279, %add3A_1269], %broadcast_in_dim3A_5 masked %and3A_1276 : memref<504x128xf32, #tpu.memory_space<vmem>>[vector<16xi32>, vector<16xi32>], vector<16xf32>, vector<16xi1>
    %add3A_1280 = arith.constant 256 : i32
    %add3A_1281 = arith.addi %mul3A_2, %add3A_1280 : i32
    %dma_start3A_1282 = arith.constant 0 : i32
    %dma_start3A_1283 = arith.constant 0 : i32
    %dma_start3A_1284 = tpu.memref_slice %arg6[%dma_start3A_1282, %dma_start3A_1283] : memref<504x128xf32, #tpu.memory_space<vmem>> -> memref<496x128xf32, #tpu.memory_space<vmem>>
    %dma_start3A_1285 = arith.constant 504 : i32
    %dma_start3A_1286 = tpu.memref_slice %arg3[%dma_start3A_1285, %add3A_1281] : memref<1000x16384xf32, #tpu.memory_space<hbm>> -> memref<496x128xf32, #tpu.memory_space<hbm>>
    %dma_start3A_1287 = arith.constant 504 : i32
    %dma_start3A_1288 = tpu.memref_slice %arg3[%dma_start3A_1287, %add3A_1281] : memref<1000x16384xf32, #tpu.memory_space<hbm>> -> memref<496x128xf32, #tpu.memory_space<hbm>>
    %dma_start3A_1289 = arith.constant 0 : i32
    %dma_start3A_1290 = arith.constant 0 : i32
    %dma_start3A_1291 = tpu.memref_slice %arg6[%dma_start3A_1289, %dma_start3A_1290] : memref<504x128xf32, #tpu.memory_space<vmem>> -> memref<496x128xf32, #tpu.memory_space<vmem>>
    tpu.enqueue_dma source(%dma_start3A_1291 : memref<496x128xf32, #tpu.memory_space<vmem>>) target(%dma_start3A_1288 : memref<496x128xf32, #tpu.memory_space<hbm>>) target_semaphore(%arg8 : memref<!tpu.dma_semaphore, #tpu.memory_space<semaphore_mem>>)
    %dma_wait3A_1292 = arith.constant 0 : i32
    %dma_wait3A_1293 = tpu.memref_slice %arg3[%dma_wait3A_1292, %add3A_1025] : memref<1000x16384xf32, #tpu.memory_space<hbm>> -> memref<504x128xf32, #tpu.memory_space<hbm>>
    %dma_wait3A_1294 = arith.constant 0 : i32
    %dma_wait3A_1295 = tpu.memref_slice %arg3[%dma_wait3A_1294, %add3A_1025] : memref<1000x16384xf32, #tpu.memory_space<hbm>> -> memref<504x128xf32, #tpu.memory_space<hbm>>
    tpu.wait_dma2 semaphore(%arg7 : memref<!tpu.dma_semaphore, #tpu.memory_space<semaphore_mem>>) src(%arg5 : memref<504x128xf32, #tpu.memory_space<vmem>>) dst(%dma_wait3A_1295 : memref<504x128xf32, #tpu.memory_space<hbm>>)
    %get3A_1296 = arith.constant 256 : index
    %get3A_1297 = tpu.vector_load %arg4[%get3A_1296] {strides = array<i32>} : memref<512xi32, #tpu.memory_space<vmem>>, vector<16xi32>,
    %add3A_1298 = arith.constant 0 : i32
    %add3A_1299 = vector.broadcast %add3A_1298 : i32 to vector<16xi32>
    %add3A_1300 = arith.addi %iota3A, %add3A_1299 : vector<16xi32>
    %ge3A_1301 = arith.constant 0 : i32
    %ge3A_1302 = vector.broadcast %ge3A_1301 : i32 to vector<16xi32>
    %ge3A_1303 = arith.cmpi sge, %get3A_1297, %ge3A_1302 : vector<16xi32>
    %lt3A_1304 = arith.constant 504 : i32
    %lt3A_1305 = vector.broadcast %lt3A_1304 : i32 to vector<16xi32>
    %lt3A_1306 = arith.cmpi slt, %get3A_1297, %lt3A_1305 : vector<16xi32>
    %and3A_1307 = arith.andi %ge3A_1303, %lt3A_1306 : vector<16xi1>
    %sub3A_1308 = arith.constant 0 : i32
    %sub3A_1309 = vector.broadcast %sub3A_1308 : i32 to vector<16xi32>
    %sub3A_1310 = arith.subi %get3A_1297, %sub3A_1309 : vector<16xi32>
    tpu.vector_store_idx %arg5[%sub3A_1310, %add3A_1300], %broadcast_in_dim3A_3 masked %and3A_1307 : memref<504x128xf32, #tpu.memory_space<vmem>>[vector<16xi32>, vector<16xi32>], vector<16xf32>, vector<16xi1>
    %get3A_1311 = arith.constant 272 : index
    %get3A_1312 = tpu.vector_load %arg4[%get3A_1311] {strides = array<i32>} : memref<512xi32, #tpu.memory_space<vmem>>, vector<16xi32>,
    %add3A_1313 = arith.constant 16 : i32
    %add3A_1314 = vector.broadcast %add3A_1313 : i32 to vector<16xi32>
    %add3A_1315 = arith.addi %iota3A, %add3A_1314 : vector<16xi32>
    %ge3A_1316 = arith.constant 0 : i32
    %ge3A_1317 = vector.broadcast %ge3A_1316 : i32 to vector<16xi32>
    %ge3A_1318 = arith.cmpi sge, %get3A_1312, %ge3A_1317 : vector<16xi32>
    %lt3A_1319 = arith.constant 504 : i32
    %lt3A_1320 = vector.broadcast %lt3A_1319 : i32 to vector<16xi32>
    %lt3A_1321 = arith.cmpi slt, %get3A_1312, %lt3A_1320 : vector<16xi32>
    %and3A_1322 = arith.andi %ge3A_1318, %lt3A_1321 : vector<16xi1>
    %sub3A_1323 = arith.constant 0 : i32
    %sub3A_1324 = vector.broadcast %sub3A_1323 : i32 to vector<16xi32>
    %sub3A_1325 = arith.subi %get3A_1312, %sub3A_1324 : vector<16xi32>
    tpu.vector_store_idx %arg5[%sub3A_1325, %add3A_1315], %broadcast_in_dim3A_3 masked %and3A_1322 : memref<504x128xf32, #tpu.memory_space<vmem>>[vector<16xi32>, vector<16xi32>], vector<16xf32>, vector<16xi1>
    %get3A_1326 = arith.constant 288 : index
    %get3A_1327 = tpu.vector_load %arg4[%get3A_1326] {strides = array<i32>} : memref<512xi32, #tpu.memory_space<vmem>>, vector<16xi32>,
    %add3A_1328 = arith.constant 32 : i32
    %add3A_1329 = vector.broadcast %add3A_1328 : i32 to vector<16xi32>
    %add3A_1330 = arith.addi %iota3A, %add3A_1329 : vector<16xi32>
    %ge3A_1331 = arith.constant 0 : i32
    %ge3A_1332 = vector.broadcast %ge3A_1331 : i32 to vector<16xi32>
    %ge3A_1333 = arith.cmpi sge, %get3A_1327, %ge3A_1332 : vector<16xi32>
    %lt3A_1334 = arith.constant 504 : i32
    %lt3A_1335 = vector.broadcast %lt3A_1334 : i32 to vector<16xi32>
    %lt3A_1336 = arith.cmpi slt, %get3A_1327, %lt3A_1335 : vector<16xi32>
    %and3A_1337 = arith.andi %ge3A_1333, %lt3A_1336 : vector<16xi1>
    %sub3A_1338 = arith.constant 0 : i32
    %sub3A_1339 = vector.broadcast %sub3A_1338 : i32 to vector<16xi32>
    %sub3A_1340 = arith.subi %get3A_1327, %sub3A_1339 : vector<16xi32>
    tpu.vector_store_idx %arg5[%sub3A_1340, %add3A_1330], %broadcast_in_dim3A_3 masked %and3A_1337 : memref<504x128xf32, #tpu.memory_space<vmem>>[vector<16xi32>, vector<16xi32>], vector<16xf32>, vector<16xi1>
    %get3A_1341 = arith.constant 304 : index
    %get3A_1342 = tpu.vector_load %arg4[%get3A_1341] {strides = array<i32>} : memref<512xi32, #tpu.memory_space<vmem>>, vector<16xi32>,
    %add3A_1343 = arith.constant 48 : i32
    %add3A_1344 = vector.broadcast %add3A_1343 : i32 to vector<16xi32>
    %add3A_1345 = arith.addi %iota3A, %add3A_1344 : vector<16xi32>
    %ge3A_1346 = arith.constant 0 : i32
    %ge3A_1347 = vector.broadcast %ge3A_1346 : i32 to vector<16xi32>
    %ge3A_1348 = arith.cmpi sge, %get3A_1342, %ge3A_1347 : vector<16xi32>
    %lt3A_1349 = arith.constant 504 : i32
    %lt3A_1350 = vector.broadcast %lt3A_1349 : i32 to vector<16xi32>
    %lt3A_1351 = arith.cmpi slt, %get3A_1342, %lt3A_1350 : vector<16xi32>
    %and3A_1352 = arith.andi %ge3A_1348, %lt3A_1351 : vector<16xi1>
    %sub3A_1353 = arith.constant 0 : i32
    %sub3A_1354 = vector.broadcast %sub3A_1353 : i32 to vector<16xi32>
    %sub3A_1355 = arith.subi %get3A_1342, %sub3A_1354 : vector<16xi32>
    tpu.vector_store_idx %arg5[%sub3A_1355, %add3A_1345], %broadcast_in_dim3A_3 masked %and3A_1352 : memref<504x128xf32, #tpu.memory_space<vmem>>[vector<16xi32>, vector<16xi32>], vector<16xf32>, vector<16xi1>
    %get3A_1356 = arith.constant 320 : index
    %get3A_1357 = tpu.vector_load %arg4[%get3A_1356] {strides = array<i32>} : memref<512xi32, #tpu.memory_space<vmem>>, vector<16xi32>,
    %add3A_1358 = arith.constant 64 : i32
    %add3A_1359 = vector.broadcast %add3A_1358 : i32 to vector<16xi32>
    %add3A_1360 = arith.addi %iota3A, %add3A_1359 : vector<16xi32>
    %ge3A_1361 = arith.constant 0 : i32
    %ge3A_1362 = vector.broadcast %ge3A_1361 : i32 to vector<16xi32>
    %ge3A_1363 = arith.cmpi sge, %get3A_1357, %ge3A_1362 : vector<16xi32>
    %lt3A_1364 = arith.constant 504 : i32
    %lt3A_1365 = vector.broadcast %lt3A_1364 : i32 to vector<16xi32>
    %lt3A_1366 = arith.cmpi slt, %get3A_1357, %lt3A_1365 : vector<16xi32>
    %and3A_1367 = arith.andi %ge3A_1363, %lt3A_1366 : vector<16xi1>
    %sub3A_1368 = arith.constant 0 : i32
    %sub3A_1369 = vector.broadcast %sub3A_1368 : i32 to vector<16xi32>
    %sub3A_1370 = arith.subi %get3A_1357, %sub3A_1369 : vector<16xi32>
    tpu.vector_store_idx %arg5[%sub3A_1370, %add3A_1360], %broadcast_in_dim3A_3 masked %and3A_1367 : memref<504x128xf32, #tpu.memory_space<vmem>>[vector<16xi32>, vector<16xi32>], vector<16xf32>, vector<16xi1>
    %get3A_1371 = arith.constant 336 : index
    %get3A_1372 = tpu.vector_load %arg4[%get3A_1371] {strides = array<i32>} : memref<512xi32, #tpu.memory_space<vmem>>, vector<16xi32>,
    %add3A_1373 = arith.constant 80 : i32
    %add3A_1374 = vector.broadcast %add3A_1373 : i32 to vector<16xi32>
    %add3A_1375 = arith.addi %iota3A, %add3A_1374 : vector<16xi32>
    %ge3A_1376 = arith.constant 0 : i32
    %ge3A_1377 = vector.broadcast %ge3A_1376 : i32 to vector<16xi32>
    %ge3A_1378 = arith.cmpi sge, %get3A_1372, %ge3A_1377 : vector<16xi32>
    %lt3A_1379 = arith.constant 504 : i32
    %lt3A_1380 = vector.broadcast %lt3A_1379 : i32 to vector<16xi32>
    %lt3A_1381 = arith.cmpi slt, %get3A_1372, %lt3A_1380 : vector<16xi32>
    %and3A_1382 = arith.andi %ge3A_1378, %lt3A_1381 : vector<16xi1>
    %sub3A_1383 = arith.constant 0 : i32
    %sub3A_1384 = vector.broadcast %sub3A_1383 : i32 to vector<16xi32>
    %sub3A_1385 = arith.subi %get3A_1372, %sub3A_1384 : vector<16xi32>
    tpu.vector_store_idx %arg5[%sub3A_1385, %add3A_1375], %broadcast_in_dim3A_3 masked %and3A_1382 : memref<504x128xf32, #tpu.memory_space<vmem>>[vector<16xi32>, vector<16xi32>], vector<16xf32>, vector<16xi1>
    %get3A_1386 = arith.constant 352 : index
    %get3A_1387 = tpu.vector_load %arg4[%get3A_1386] {strides = array<i32>} : memref<512xi32, #tpu.memory_space<vmem>>, vector<16xi32>,
    %add3A_1388 = arith.constant 96 : i32
    %add3A_1389 = vector.broadcast %add3A_1388 : i32 to vector<16xi32>
    %add3A_1390 = arith.addi %iota3A, %add3A_1389 : vector<16xi32>
    %ge3A_1391 = arith.constant 0 : i32
    %ge3A_1392 = vector.broadcast %ge3A_1391 : i32 to vector<16xi32>
    %ge3A_1393 = arith.cmpi sge, %get3A_1387, %ge3A_1392 : vector<16xi32>
    %lt3A_1394 = arith.constant 504 : i32
    %lt3A_1395 = vector.broadcast %lt3A_1394 : i32 to vector<16xi32>
    %lt3A_1396 = arith.cmpi slt, %get3A_1387, %lt3A_1395 : vector<16xi32>
    %and3A_1397 = arith.andi %ge3A_1393, %lt3A_1396 : vector<16xi1>
    %sub3A_1398 = arith.constant 0 : i32
    %sub3A_1399 = vector.broadcast %sub3A_1398 : i32 to vector<16xi32>
    %sub3A_1400 = arith.subi %get3A_1387, %sub3A_1399 : vector<16xi32>
    tpu.vector_store_idx %arg5[%sub3A_1400, %add3A_1390], %broadcast_in_dim3A_3 masked %and3A_1397 : memref<504x128xf32, #tpu.memory_space<vmem>>[vector<16xi32>, vector<16xi32>], vector<16xf32>, vector<16xi1>
    %get3A_1401 = arith.constant 368 : index
    %get3A_1402 = tpu.vector_load %arg4[%get3A_1401] {strides = array<i32>} : memref<512xi32, #tpu.memory_space<vmem>>, vector<16xi32>,
    %add3A_1403 = arith.constant 112 : i32
    %add3A_1404 = vector.broadcast %add3A_1403 : i32 to vector<16xi32>
    %add3A_1405 = arith.addi %iota3A, %add3A_1404 : vector<16xi32>
    %ge3A_1406 = arith.constant 0 : i32
    %ge3A_1407 = vector.broadcast %ge3A_1406 : i32 to vector<16xi32>
    %ge3A_1408 = arith.cmpi sge, %get3A_1402, %ge3A_1407 : vector<16xi32>
    %lt3A_1409 = arith.constant 504 : i32
    %lt3A_1410 = vector.broadcast %lt3A_1409 : i32 to vector<16xi32>
    %lt3A_1411 = arith.cmpi slt, %get3A_1402, %lt3A_1410 : vector<16xi32>
    %and3A_1412 = arith.andi %ge3A_1408, %lt3A_1411 : vector<16xi1>
    %sub3A_1413 = arith.constant 0 : i32
    %sub3A_1414 = vector.broadcast %sub3A_1413 : i32 to vector<16xi32>
    %sub3A_1415 = arith.subi %get3A_1402, %sub3A_1414 : vector<16xi32>
    tpu.vector_store_idx %arg5[%sub3A_1415, %add3A_1405], %broadcast_in_dim3A_3 masked %and3A_1412 : memref<504x128xf32, #tpu.memory_space<vmem>>[vector<16xi32>, vector<16xi32>], vector<16xf32>, vector<16xi1>
    %get3A_1416 = arith.constant 384 : index
    %get3A_1417 = tpu.vector_load %arg4[%get3A_1416] {strides = array<i32>} : memref<512xi32, #tpu.memory_space<vmem>>, vector<16xi32>,
    %add3A_1418 = arith.constant 0 : i32
    %add3A_1419 = vector.broadcast %add3A_1418 : i32 to vector<16xi32>
    %add3A_1420 = arith.addi %iota3A, %add3A_1419 : vector<16xi32>
    %ge3A_1421 = arith.constant 0 : i32
    %ge3A_1422 = vector.broadcast %ge3A_1421 : i32 to vector<16xi32>
    %ge3A_1423 = arith.cmpi sge, %get3A_1417, %ge3A_1422 : vector<16xi32>
    %lt3A_1424 = arith.constant 504 : i32
    %lt3A_1425 = vector.broadcast %lt3A_1424 : i32 to vector<16xi32>
    %lt3A_1426 = arith.cmpi slt, %get3A_1417, %lt3A_1425 : vector<16xi32>
    %and3A_1427 = arith.andi %ge3A_1423, %lt3A_1426 : vector<16xi1>
    %sub3A_1428 = arith.constant 0 : i32
    %sub3A_1429 = vector.broadcast %sub3A_1428 : i32 to vector<16xi32>
    %sub3A_1430 = arith.subi %get3A_1417, %sub3A_1429 : vector<16xi32>
    tpu.vector_store_idx %arg5[%sub3A_1430, %add3A_1420], %broadcast_in_dim3A_5 masked %and3A_1427 : memref<504x128xf32, #tpu.memory_space<vmem>>[vector<16xi32>, vector<16xi32>], vector<16xf32>, vector<16xi1>
    %get3A_1431 = arith.constant 400 : index
    %get3A_1432 = tpu.vector_load %arg4[%get3A_1431] {strides = array<i32>} : memref<512xi32, #tpu.memory_space<vmem>>, vector<16xi32>,
    %add3A_1433 = arith.constant 16 : i32
    %add3A_1434 = vector.broadcast %add3A_1433 : i32 to vector<16xi32>
    %add3A_1435 = arith.addi %iota3A, %add3A_1434 : vector<16xi32>
    %ge3A_1436 = arith.constant 0 : i32
    %ge3A_1437 = vector.broadcast %ge3A_1436 : i32 to vector<16xi32>
    %ge3A_1438 = arith.cmpi sge, %get3A_1432, %ge3A_1437 : vector<16xi32>
    %lt3A_1439 = arith.constant 504 : i32
    %lt3A_1440 = vector.broadcast %lt3A_1439 : i32 to vector<16xi32>
    %lt3A_1441 = arith.cmpi slt, %get3A_1432, %lt3A_1440 : vector<16xi32>
    %and3A_1442 = arith.andi %ge3A_1438, %lt3A_1441 : vector<16xi1>
    %sub3A_1443 = arith.constant 0 : i32
    %sub3A_1444 = vector.broadcast %sub3A_1443 : i32 to vector<16xi32>
    %sub3A_1445 = arith.subi %get3A_1432, %sub3A_1444 : vector<16xi32>
    tpu.vector_store_idx %arg5[%sub3A_1445, %add3A_1435], %broadcast_in_dim3A_5 masked %and3A_1442 : memref<504x128xf32, #tpu.memory_space<vmem>>[vector<16xi32>, vector<16xi32>], vector<16xf32>, vector<16xi1>
    %get3A_1446 = arith.constant 416 : index
    %get3A_1447 = tpu.vector_load %arg4[%get3A_1446] {strides = array<i32>} : memref<512xi32, #tpu.memory_space<vmem>>, vector<16xi32>,
    %add3A_1448 = arith.constant 32 : i32
    %add3A_1449 = vector.broadcast %add3A_1448 : i32 to vector<16xi32>
    %add3A_1450 = arith.addi %iota3A, %add3A_1449 : vector<16xi32>
    %ge3A_1451 = arith.constant 0 : i32
    %ge3A_1452 = vector.broadcast %ge3A_1451 : i32 to vector<16xi32>
    %ge3A_1453 = arith.cmpi sge, %get3A_1447, %ge3A_1452 : vector<16xi32>
    %lt3A_1454 = arith.constant 504 : i32
    %lt3A_1455 = vector.broadcast %lt3A_1454 : i32 to vector<16xi32>
    %lt3A_1456 = arith.cmpi slt, %get3A_1447, %lt3A_1455 : vector<16xi32>
    %and3A_1457 = arith.andi %ge3A_1453, %lt3A_1456 : vector<16xi1>
    %sub3A_1458 = arith.constant 0 : i32
    %sub3A_1459 = vector.broadcast %sub3A_1458 : i32 to vector<16xi32>
    %sub3A_1460 = arith.subi %get3A_1447, %sub3A_1459 : vector<16xi32>
    tpu.vector_store_idx %arg5[%sub3A_1460, %add3A_1450], %broadcast_in_dim3A_5 masked %and3A_1457 : memref<504x128xf32, #tpu.memory_space<vmem>>[vector<16xi32>, vector<16xi32>], vector<16xf32>, vector<16xi1>
    %get3A_1461 = arith.constant 432 : index
    %get3A_1462 = tpu.vector_load %arg4[%get3A_1461] {strides = array<i32>} : memref<512xi32, #tpu.memory_space<vmem>>, vector<16xi32>,
    %add3A_1463 = arith.constant 48 : i32
    %add3A_1464 = vector.broadcast %add3A_1463 : i32 to vector<16xi32>
    %add3A_1465 = arith.addi %iota3A, %add3A_1464 : vector<16xi32>
    %ge3A_1466 = arith.constant 0 : i32
    %ge3A_1467 = vector.broadcast %ge3A_1466 : i32 to vector<16xi32>
    %ge3A_1468 = arith.cmpi sge, %get3A_1462, %ge3A_1467 : vector<16xi32>
    %lt3A_1469 = arith.constant 504 : i32
    %lt3A_1470 = vector.broadcast %lt3A_1469 : i32 to vector<16xi32>
    %lt3A_1471 = arith.cmpi slt, %get3A_1462, %lt3A_1470 : vector<16xi32>
    %and3A_1472 = arith.andi %ge3A_1468, %lt3A_1471 : vector<16xi1>
    %sub3A_1473 = arith.constant 0 : i32
    %sub3A_1474 = vector.broadcast %sub3A_1473 : i32 to vector<16xi32>
    %sub3A_1475 = arith.subi %get3A_1462, %sub3A_1474 : vector<16xi32>
    tpu.vector_store_idx %arg5[%sub3A_1475, %add3A_1465], %broadcast_in_dim3A_5 masked %and3A_1472 : memref<504x128xf32, #tpu.memory_space<vmem>>[vector<16xi32>, vector<16xi32>], vector<16xf32>, vector<16xi1>
    %get3A_1476 = arith.constant 448 : index
    %get3A_1477 = tpu.vector_load %arg4[%get3A_1476] {strides = array<i32>} : memref<512xi32, #tpu.memory_space<vmem>>, vector<16xi32>,
    %add3A_1478 = arith.constant 64 : i32
    %add3A_1479 = vector.broadcast %add3A_1478 : i32 to vector<16xi32>
    %add3A_1480 = arith.addi %iota3A, %add3A_1479 : vector<16xi32>
    %ge3A_1481 = arith.constant 0 : i32
    %ge3A_1482 = vector.broadcast %ge3A_1481 : i32 to vector<16xi32>
    %ge3A_1483 = arith.cmpi sge, %get3A_1477, %ge3A_1482 : vector<16xi32>
    %lt3A_1484 = arith.constant 504 : i32
    %lt3A_1485 = vector.broadcast %lt3A_1484 : i32 to vector<16xi32>
    %lt3A_1486 = arith.cmpi slt, %get3A_1477, %lt3A_1485 : vector<16xi32>
    %and3A_1487 = arith.andi %ge3A_1483, %lt3A_1486 : vector<16xi1>
    %sub3A_1488 = arith.constant 0 : i32
    %sub3A_1489 = vector.broadcast %sub3A_1488 : i32 to vector<16xi32>
    %sub3A_1490 = arith.subi %get3A_1477, %sub3A_1489 : vector<16xi32>
    tpu.vector_store_idx %arg5[%sub3A_1490, %add3A_1480], %broadcast_in_dim3A_5 masked %and3A_1487 : memref<504x128xf32, #tpu.memory_space<vmem>>[vector<16xi32>, vector<16xi32>], vector<16xf32>, vector<16xi1>
    %get3A_1491 = arith.constant 464 : index
    %get3A_1492 = tpu.vector_load %arg4[%get3A_1491] {strides = array<i32>} : memref<512xi32, #tpu.memory_space<vmem>>, vector<16xi32>,
    %add3A_1493 = arith.constant 80 : i32
    %add3A_1494 = vector.broadcast %add3A_1493 : i32 to vector<16xi32>
    %add3A_1495 = arith.addi %iota3A, %add3A_1494 : vector<16xi32>
    %ge3A_1496 = arith.constant 0 : i32
    %ge3A_1497 = vector.broadcast %ge3A_1496 : i32 to vector<16xi32>
    %ge3A_1498 = arith.cmpi sge, %get3A_1492, %ge3A_1497 : vector<16xi32>
    %lt3A_1499 = arith.constant 504 : i32
    %lt3A_1500 = vector.broadcast %lt3A_1499 : i32 to vector<16xi32>
    %lt3A_1501 = arith.cmpi slt, %get3A_1492, %lt3A_1500 : vector<16xi32>
    %and3A_1502 = arith.andi %ge3A_1498, %lt3A_1501 : vector<16xi1>
    %sub3A_1503 = arith.constant 0 : i32
    %sub3A_1504 = vector.broadcast %sub3A_1503 : i32 to vector<16xi32>
    %sub3A_1505 = arith.subi %get3A_1492, %sub3A_1504 : vector<16xi32>
    tpu.vector_store_idx %arg5[%sub3A_1505, %add3A_1495], %broadcast_in_dim3A_5 masked %and3A_1502 : memref<504x128xf32, #tpu.memory_space<vmem>>[vector<16xi32>, vector<16xi32>], vector<16xf32>, vector<16xi1>
    %get3A_1506 = arith.constant 480 : index
    %get3A_1507 = tpu.vector_load %arg4[%get3A_1506] {strides = array<i32>} : memref<512xi32, #tpu.memory_space<vmem>>, vector<16xi32>,
    %add3A_1508 = arith.constant 96 : i32
    %add3A_1509 = vector.broadcast %add3A_1508 : i32 to vector<16xi32>
    %add3A_1510 = arith.addi %iota3A, %add3A_1509 : vector<16xi32>
    %ge3A_1511 = arith.constant 0 : i32
    %ge3A_1512 = vector.broadcast %ge3A_1511 : i32 to vector<16xi32>
    %ge3A_1513 = arith.cmpi sge, %get3A_1507, %ge3A_1512 : vector<16xi32>
    %lt3A_1514 = arith.constant 504 : i32
    %lt3A_1515 = vector.broadcast %lt3A_1514 : i32 to vector<16xi32>
    %lt3A_1516 = arith.cmpi slt, %get3A_1507, %lt3A_1515 : vector<16xi32>
    %and3A_1517 = arith.andi %ge3A_1513, %lt3A_1516 : vector<16xi1>
    %sub3A_1518 = arith.constant 0 : i32
    %sub3A_1519 = vector.broadcast %sub3A_1518 : i32 to vector<16xi32>
    %sub3A_1520 = arith.subi %get3A_1507, %sub3A_1519 : vector<16xi32>
    tpu.vector_store_idx %arg5[%sub3A_1520, %add3A_1510], %broadcast_in_dim3A_5 masked %and3A_1517 : memref<504x128xf32, #tpu.memory_space<vmem>>[vector<16xi32>, vector<16xi32>], vector<16xf32>, vector<16xi1>
    %get3A_1521 = arith.constant 496 : index
    %get3A_1522 = tpu.vector_load %arg4[%get3A_1521] {strides = array<i32>} : memref<512xi32, #tpu.memory_space<vmem>>, vector<16xi32>,
    %add3A_1523 = arith.constant 112 : i32
    %add3A_1524 = vector.broadcast %add3A_1523 : i32 to vector<16xi32>
    %add3A_1525 = arith.addi %iota3A, %add3A_1524 : vector<16xi32>
    %ge3A_1526 = arith.constant 0 : i32
    %ge3A_1527 = vector.broadcast %ge3A_1526 : i32 to vector<16xi32>
    %ge3A_1528 = arith.cmpi sge, %get3A_1522, %ge3A_1527 : vector<16xi32>
    %lt3A_1529 = arith.constant 504 : i32
    %lt3A_1530 = vector.broadcast %lt3A_1529 : i32 to vector<16xi32>
    %lt3A_1531 = arith.cmpi slt, %get3A_1522, %lt3A_1530 : vector<16xi32>
    %and3A_1532 = arith.andi %ge3A_1528, %lt3A_1531 : vector<16xi1>
    %sub3A_1533 = arith.constant 0 : i32
    %sub3A_1534 = vector.broadcast %sub3A_1533 : i32 to vector<16xi32>
    %sub3A_1535 = arith.subi %get3A_1522, %sub3A_1534 : vector<16xi32>
    tpu.vector_store_idx %arg5[%sub3A_1535, %add3A_1525], %broadcast_in_dim3A_5 masked %and3A_1532 : memref<504x128xf32, #tpu.memory_space<vmem>>[vector<16xi32>, vector<16xi32>], vector<16xf32>, vector<16xi1>
    %add3A_1536 = arith.constant 384 : i32
    %add3A_1537 = arith.addi %mul3A_2, %add3A_1536 : i32
    %dma_start3A_1538 = arith.constant 0 : i32
    %dma_start3A_1539 = tpu.memref_slice %arg3[%dma_start3A_1538, %add3A_1537] : memref<1000x16384xf32, #tpu.memory_space<hbm>> -> memref<504x128xf32, #tpu.memory_space<hbm>>
    %dma_start3A_1540 = arith.constant 0 : i32
    %dma_start3A_1541 = tpu.memref_slice %arg3[%dma_start3A_1540, %add3A_1537] : memref<1000x16384xf32, #tpu.memory_space<hbm>> -> memref<504x128xf32, #tpu.memory_space<hbm>>
    tpu.enqueue_dma source(%arg5 : memref<504x128xf32, #tpu.memory_space<vmem>>) target(%dma_start3A_1541 : memref<504x128xf32, #tpu.memory_space<hbm>>) target_semaphore(%arg7 : memref<!tpu.dma_semaphore, #tpu.memory_space<semaphore_mem>>)
    %dma_wait3A_1542 = arith.constant 0 : i32
    %dma_wait3A_1543 = arith.constant 0 : i32
    %dma_wait3A_1544 = tpu.memref_slice %arg6[%dma_wait3A_1542, %dma_wait3A_1543] : memref<504x128xf32, #tpu.memory_space<vmem>> -> memref<496x128xf32, #tpu.memory_space<vmem>>
    %dma_wait3A_1545 = arith.constant 504 : i32
    %dma_wait3A_1546 = tpu.memref_slice %arg3[%dma_wait3A_1545, %add3A_1281] : memref<1000x16384xf32, #tpu.memory_space<hbm>> -> memref<496x128xf32, #tpu.memory_space<hbm>>
    %dma_wait3A_1547 = arith.constant 504 : i32
    %dma_wait3A_1548 = tpu.memref_slice %arg3[%dma_wait3A_1547, %add3A_1281] : memref<1000x16384xf32, #tpu.memory_space<hbm>> -> memref<496x128xf32, #tpu.memory_space<hbm>>
    %dma_wait3A_1549 = arith.constant 0 : i32
    %dma_wait3A_1550 = arith.constant 0 : i32
    %dma_wait3A_1551 = tpu.memref_slice %arg6[%dma_wait3A_1549, %dma_wait3A_1550] : memref<504x128xf32, #tpu.memory_space<vmem>> -> memref<496x128xf32, #tpu.memory_space<vmem>>
    tpu.wait_dma2 semaphore(%arg8 : memref<!tpu.dma_semaphore, #tpu.memory_space<semaphore_mem>>) src(%dma_wait3A_1551 : memref<496x128xf32, #tpu.memory_space<vmem>>) dst(%dma_wait3A_1548 : memref<496x128xf32, #tpu.memory_space<hbm>>)
    %get3A_1552 = arith.constant 256 : index
    %get3A_1553 = tpu.vector_load %arg4[%get3A_1552] {strides = array<i32>} : memref<512xi32, #tpu.memory_space<vmem>>, vector<16xi32>,
    %add3A_1554 = arith.constant 0 : i32
    %add3A_1555 = vector.broadcast %add3A_1554 : i32 to vector<16xi32>
    %add3A_1556 = arith.addi %iota3A, %add3A_1555 : vector<16xi32>
    %ge3A_1557 = arith.constant 504 : i32
    %ge3A_1558 = vector.broadcast %ge3A_1557 : i32 to vector<16xi32>
    %ge3A_1559 = arith.cmpi sge, %get3A_1553, %ge3A_1558 : vector<16xi32>
    %lt3A_1560 = arith.constant 1000 : i32
    %lt3A_1561 = vector.broadcast %lt3A_1560 : i32 to vector<16xi32>
    %lt3A_1562 = arith.cmpi slt, %get3A_1553, %lt3A_1561 : vector<16xi32>
    %and3A_1563 = arith.andi %ge3A_1559, %lt3A_1562 : vector<16xi1>
    %sub3A_1564 = arith.constant 504 : i32
    %sub3A_1565 = vector.broadcast %sub3A_1564 : i32 to vector<16xi32>
    %sub3A_1566 = arith.subi %get3A_1553, %sub3A_1565 : vector<16xi32>
    tpu.vector_store_idx %arg6[%sub3A_1566, %add3A_1556], %broadcast_in_dim3A_3 masked %and3A_1563 : memref<504x128xf32, #tpu.memory_space<vmem>>[vector<16xi32>, vector<16xi32>], vector<16xf32>, vector<16xi1>
    %get3A_1567 = arith.constant 272 : index
    %get3A_1568 = tpu.vector_load %arg4[%get3A_1567] {strides = array<i32>} : memref<512xi32, #tpu.memory_space<vmem>>, vector<16xi32>,
    %add3A_1569 = arith.constant 16 : i32
    %add3A_1570 = vector.broadcast %add3A_1569 : i32 to vector<16xi32>
    %add3A_1571 = arith.addi %iota3A, %add3A_1570 : vector<16xi32>
    %ge3A_1572 = arith.constant 504 : i32
    %ge3A_1573 = vector.broadcast %ge3A_1572 : i32 to vector<16xi32>
    %ge3A_1574 = arith.cmpi sge, %get3A_1568, %ge3A_1573 : vector<16xi32>
    %lt3A_1575 = arith.constant 1000 : i32
    %lt3A_1576 = vector.broadcast %lt3A_1575 : i32 to vector<16xi32>
    %lt3A_1577 = arith.cmpi slt, %get3A_1568, %lt3A_1576 : vector<16xi32>
    %and3A_1578 = arith.andi %ge3A_1574, %lt3A_1577 : vector<16xi1>
    %sub3A_1579 = arith.constant 504 : i32
    %sub3A_1580 = vector.broadcast %sub3A_1579 : i32 to vector<16xi32>
    %sub3A_1581 = arith.subi %get3A_1568, %sub3A_1580 : vector<16xi32>
    tpu.vector_store_idx %arg6[%sub3A_1581, %add3A_1571], %broadcast_in_dim3A_3 masked %and3A_1578 : memref<504x128xf32, #tpu.memory_space<vmem>>[vector<16xi32>, vector<16xi32>], vector<16xf32>, vector<16xi1>
    %get3A_1582 = arith.constant 288 : index
    %get3A_1583 = tpu.vector_load %arg4[%get3A_1582] {strides = array<i32>} : memref<512xi32, #tpu.memory_space<vmem>>, vector<16xi32>,
    %add3A_1584 = arith.constant 32 : i32
    %add3A_1585 = vector.broadcast %add3A_1584 : i32 to vector<16xi32>
    %add3A_1586 = arith.addi %iota3A, %add3A_1585 : vector<16xi32>
    %ge3A_1587 = arith.constant 504 : i32
    %ge3A_1588 = vector.broadcast %ge3A_1587 : i32 to vector<16xi32>
    %ge3A_1589 = arith.cmpi sge, %get3A_1583, %ge3A_1588 : vector<16xi32>
    %lt3A_1590 = arith.constant 1000 : i32
    %lt3A_1591 = vector.broadcast %lt3A_1590 : i32 to vector<16xi32>
    %lt3A_1592 = arith.cmpi slt, %get3A_1583, %lt3A_1591 : vector<16xi32>
    %and3A_1593 = arith.andi %ge3A_1589, %lt3A_1592 : vector<16xi1>
    %sub3A_1594 = arith.constant 504 : i32
    %sub3A_1595 = vector.broadcast %sub3A_1594 : i32 to vector<16xi32>
    %sub3A_1596 = arith.subi %get3A_1583, %sub3A_1595 : vector<16xi32>
    tpu.vector_store_idx %arg6[%sub3A_1596, %add3A_1586], %broadcast_in_dim3A_3 masked %and3A_1593 : memref<504x128xf32, #tpu.memory_space<vmem>>[vector<16xi32>, vector<16xi32>], vector<16xf32>, vector<16xi1>
    %get3A_1597 = arith.constant 304 : index
    %get3A_1598 = tpu.vector_load %arg4[%get3A_1597] {strides = array<i32>} : memref<512xi32, #tpu.memory_space<vmem>>, vector<16xi32>,
    %add3A_1599 = arith.constant 48 : i32
    %add3A_1600 = vector.broadcast %add3A_1599 : i32 to vector<16xi32>
    %add3A_1601 = arith.addi %iota3A, %add3A_1600 : vector<16xi32>
    %ge3A_1602 = arith.constant 504 : i32
    %ge3A_1603 = vector.broadcast %ge3A_1602 : i32 to vector<16xi32>
    %ge3A_1604 = arith.cmpi sge, %get3A_1598, %ge3A_1603 : vector<16xi32>
    %lt3A_1605 = arith.constant 1000 : i32
    %lt3A_1606 = vector.broadcast %lt3A_1605 : i32 to vector<16xi32>
    %lt3A_1607 = arith.cmpi slt, %get3A_1598, %lt3A_1606 : vector<16xi32>
    %and3A_1608 = arith.andi %ge3A_1604, %lt3A_1607 : vector<16xi1>
    %sub3A_1609 = arith.constant 504 : i32
    %sub3A_1610 = vector.broadcast %sub3A_1609 : i32 to vector<16xi32>
    %sub3A_1611 = arith.subi %get3A_1598, %sub3A_1610 : vector<16xi32>
    tpu.vector_store_idx %arg6[%sub3A_1611, %add3A_1601], %broadcast_in_dim3A_3 masked %and3A_1608 : memref<504x128xf32, #tpu.memory_space<vmem>>[vector<16xi32>, vector<16xi32>], vector<16xf32>, vector<16xi1>
    %get3A_1612 = arith.constant 320 : index
    %get3A_1613 = tpu.vector_load %arg4[%get3A_1612] {strides = array<i32>} : memref<512xi32, #tpu.memory_space<vmem>>, vector<16xi32>,
    %add3A_1614 = arith.constant 64 : i32
    %add3A_1615 = vector.broadcast %add3A_1614 : i32 to vector<16xi32>
    %add3A_1616 = arith.addi %iota3A, %add3A_1615 : vector<16xi32>
    %ge3A_1617 = arith.constant 504 : i32
    %ge3A_1618 = vector.broadcast %ge3A_1617 : i32 to vector<16xi32>
    %ge3A_1619 = arith.cmpi sge, %get3A_1613, %ge3A_1618 : vector<16xi32>
    %lt3A_1620 = arith.constant 1000 : i32
    %lt3A_1621 = vector.broadcast %lt3A_1620 : i32 to vector<16xi32>
    %lt3A_1622 = arith.cmpi slt, %get3A_1613, %lt3A_1621 : vector<16xi32>
    %and3A_1623 = arith.andi %ge3A_1619, %lt3A_1622 : vector<16xi1>
    %sub3A_1624 = arith.constant 504 : i32
    %sub3A_1625 = vector.broadcast %sub3A_1624 : i32 to vector<16xi32>
    %sub3A_1626 = arith.subi %get3A_1613, %sub3A_1625 : vector<16xi32>
    tpu.vector_store_idx %arg6[%sub3A_1626, %add3A_1616], %broadcast_in_dim3A_3 masked %and3A_1623 : memref<504x128xf32, #tpu.memory_space<vmem>>[vector<16xi32>, vector<16xi32>], vector<16xf32>, vector<16xi1>
    %get3A_1627 = arith.constant 336 : index
    %get3A_1628 = tpu.vector_load %arg4[%get3A_1627] {strides = array<i32>} : memref<512xi32, #tpu.memory_space<vmem>>, vector<16xi32>,
    %add3A_1629 = arith.constant 80 : i32
    %add3A_1630 = vector.broadcast %add3A_1629 : i32 to vector<16xi32>
    %add3A_1631 = arith.addi %iota3A, %add3A_1630 : vector<16xi32>
    %ge3A_1632 = arith.constant 504 : i32
    %ge3A_1633 = vector.broadcast %ge3A_1632 : i32 to vector<16xi32>
    %ge3A_1634 = arith.cmpi sge, %get3A_1628, %ge3A_1633 : vector<16xi32>
    %lt3A_1635 = arith.constant 1000 : i32
    %lt3A_1636 = vector.broadcast %lt3A_1635 : i32 to vector<16xi32>
    %lt3A_1637 = arith.cmpi slt, %get3A_1628, %lt3A_1636 : vector<16xi32>
    %and3A_1638 = arith.andi %ge3A_1634, %lt3A_1637 : vector<16xi1>
    %sub3A_1639 = arith.constant 504 : i32
    %sub3A_1640 = vector.broadcast %sub3A_1639 : i32 to vector<16xi32>
    %sub3A_1641 = arith.subi %get3A_1628, %sub3A_1640 : vector<16xi32>
    tpu.vector_store_idx %arg6[%sub3A_1641, %add3A_1631], %broadcast_in_dim3A_3 masked %and3A_1638 : memref<504x128xf32, #tpu.memory_space<vmem>>[vector<16xi32>, vector<16xi32>], vector<16xf32>, vector<16xi1>
    %get3A_1642 = arith.constant 352 : index
    %get3A_1643 = tpu.vector_load %arg4[%get3A_1642] {strides = array<i32>} : memref<512xi32, #tpu.memory_space<vmem>>, vector<16xi32>,
    %add3A_1644 = arith.constant 96 : i32
    %add3A_1645 = vector.broadcast %add3A_1644 : i32 to vector<16xi32>
    %add3A_1646 = arith.addi %iota3A, %add3A_1645 : vector<16xi32>
    %ge3A_1647 = arith.constant 504 : i32
    %ge3A_1648 = vector.broadcast %ge3A_1647 : i32 to vector<16xi32>
    %ge3A_1649 = arith.cmpi sge, %get3A_1643, %ge3A_1648 : vector<16xi32>
    %lt3A_1650 = arith.constant 1000 : i32
    %lt3A_1651 = vector.broadcast %lt3A_1650 : i32 to vector<16xi32>
    %lt3A_1652 = arith.cmpi slt, %get3A_1643, %lt3A_1651 : vector<16xi32>
    %and3A_1653 = arith.andi %ge3A_1649, %lt3A_1652 : vector<16xi1>
    %sub3A_1654 = arith.constant 504 : i32
    %sub3A_1655 = vector.broadcast %sub3A_1654 : i32 to vector<16xi32>
    %sub3A_1656 = arith.subi %get3A_1643, %sub3A_1655 : vector<16xi32>
    tpu.vector_store_idx %arg6[%sub3A_1656, %add3A_1646], %broadcast_in_dim3A_3 masked %and3A_1653 : memref<504x128xf32, #tpu.memory_space<vmem>>[vector<16xi32>, vector<16xi32>], vector<16xf32>, vector<16xi1>
    %get3A_1657 = arith.constant 368 : index
    %get3A_1658 = tpu.vector_load %arg4[%get3A_1657] {strides = array<i32>} : memref<512xi32, #tpu.memory_space<vmem>>, vector<16xi32>,
    %add3A_1659 = arith.constant 112 : i32
    %add3A_1660 = vector.broadcast %add3A_1659 : i32 to vector<16xi32>
    %add3A_1661 = arith.addi %iota3A, %add3A_1660 : vector<16xi32>
    %ge3A_1662 = arith.constant 504 : i32
    %ge3A_1663 = vector.broadcast %ge3A_1662 : i32 to vector<16xi32>
    %ge3A_1664 = arith.cmpi sge, %get3A_1658, %ge3A_1663 : vector<16xi32>
    %lt3A_1665 = arith.constant 1000 : i32
    %lt3A_1666 = vector.broadcast %lt3A_1665 : i32 to vector<16xi32>
    %lt3A_1667 = arith.cmpi slt, %get3A_1658, %lt3A_1666 : vector<16xi32>
    %and3A_1668 = arith.andi %ge3A_1664, %lt3A_1667 : vector<16xi1>
    %sub3A_1669 = arith.constant 504 : i32
    %sub3A_1670 = vector.broadcast %sub3A_1669 : i32 to vector<16xi32>
    %sub3A_1671 = arith.subi %get3A_1658, %sub3A_1670 : vector<16xi32>
    tpu.vector_store_idx %arg6[%sub3A_1671, %add3A_1661], %broadcast_in_dim3A_3 masked %and3A_1668 : memref<504x128xf32, #tpu.memory_space<vmem>>[vector<16xi32>, vector<16xi32>], vector<16xf32>, vector<16xi1>
    %get3A_1672 = arith.constant 384 : index
    %get3A_1673 = tpu.vector_load %arg4[%get3A_1672] {strides = array<i32>} : memref<512xi32, #tpu.memory_space<vmem>>, vector<16xi32>,
    %add3A_1674 = arith.constant 0 : i32
    %add3A_1675 = vector.broadcast %add3A_1674 : i32 to vector<16xi32>
    %add3A_1676 = arith.addi %iota3A, %add3A_1675 : vector<16xi32>
    %ge3A_1677 = arith.constant 504 : i32
    %ge3A_1678 = vector.broadcast %ge3A_1677 : i32 to vector<16xi32>
    %ge3A_1679 = arith.cmpi sge, %get3A_1673, %ge3A_1678 : vector<16xi32>
    %lt3A_1680 = arith.constant 1000 : i32
    %lt3A_1681 = vector.broadcast %lt3A_1680 : i32 to vector<16xi32>
    %lt3A_1682 = arith.cmpi slt, %get3A_1673, %lt3A_1681 : vector<16xi32>
    %and3A_1683 = arith.andi %ge3A_1679, %lt3A_1682 : vector<16xi1>
    %sub3A_1684 = arith.constant 504 : i32
    %sub3A_1685 = vector.broadcast %sub3A_1684 : i32 to vector<16xi32>
    %sub3A_1686 = arith.subi %get3A_1673, %sub3A_1685 : vector<16xi32>
    tpu.vector_store_idx %arg6[%sub3A_1686, %add3A_1676], %broadcast_in_dim3A_5 masked %and3A_1683 : memref<504x128xf32, #tpu.memory_space<vmem>>[vector<16xi32>, vector<16xi32>], vector<16xf32>, vector<16xi1>
    %get3A_1687 = arith.constant 400 : index
    %get3A_1688 = tpu.vector_load %arg4[%get3A_1687] {strides = array<i32>} : memref<512xi32, #tpu.memory_space<vmem>>, vector<16xi32>,
    %add3A_1689 = arith.constant 16 : i32
    %add3A_1690 = vector.broadcast %add3A_1689 : i32 to vector<16xi32>
    %add3A_1691 = arith.addi %iota3A, %add3A_1690 : vector<16xi32>
    %ge3A_1692 = arith.constant 504 : i32
    %ge3A_1693 = vector.broadcast %ge3A_1692 : i32 to vector<16xi32>
    %ge3A_1694 = arith.cmpi sge, %get3A_1688, %ge3A_1693 : vector<16xi32>
    %lt3A_1695 = arith.constant 1000 : i32
    %lt3A_1696 = vector.broadcast %lt3A_1695 : i32 to vector<16xi32>
    %lt3A_1697 = arith.cmpi slt, %get3A_1688, %lt3A_1696 : vector<16xi32>
    %and3A_1698 = arith.andi %ge3A_1694, %lt3A_1697 : vector<16xi1>
    %sub3A_1699 = arith.constant 504 : i32
    %sub3A_1700 = vector.broadcast %sub3A_1699 : i32 to vector<16xi32>
    %sub3A_1701 = arith.subi %get3A_1688, %sub3A_1700 : vector<16xi32>
    tpu.vector_store_idx %arg6[%sub3A_1701, %add3A_1691], %broadcast_in_dim3A_5 masked %and3A_1698 : memref<504x128xf32, #tpu.memory_space<vmem>>[vector<16xi32>, vector<16xi32>], vector<16xf32>, vector<16xi1>
    %get3A_1702 = arith.constant 416 : index
    %get3A_1703 = tpu.vector_load %arg4[%get3A_1702] {strides = array<i32>} : memref<512xi32, #tpu.memory_space<vmem>>, vector<16xi32>,
    %add3A_1704 = arith.constant 32 : i32
    %add3A_1705 = vector.broadcast %add3A_1704 : i32 to vector<16xi32>
    %add3A_1706 = arith.addi %iota3A, %add3A_1705 : vector<16xi32>
    %ge3A_1707 = arith.constant 504 : i32
    %ge3A_1708 = vector.broadcast %ge3A_1707 : i32 to vector<16xi32>
    %ge3A_1709 = arith.cmpi sge, %get3A_1703, %ge3A_1708 : vector<16xi32>
    %lt3A_1710 = arith.constant 1000 : i32
    %lt3A_1711 = vector.broadcast %lt3A_1710 : i32 to vector<16xi32>
    %lt3A_1712 = arith.cmpi slt, %get3A_1703, %lt3A_1711 : vector<16xi32>
    %and3A_1713 = arith.andi %ge3A_1709, %lt3A_1712 : vector<16xi1>
    %sub3A_1714 = arith.constant 504 : i32
    %sub3A_1715 = vector.broadcast %sub3A_1714 : i32 to vector<16xi32>
    %sub3A_1716 = arith.subi %get3A_1703, %sub3A_1715 : vector<16xi32>
    tpu.vector_store_idx %arg6[%sub3A_1716, %add3A_1706], %broadcast_in_dim3A_5 masked %and3A_1713 : memref<504x128xf32, #tpu.memory_space<vmem>>[vector<16xi32>, vector<16xi32>], vector<16xf32>, vector<16xi1>
    %get3A_1717 = arith.constant 432 : index
    %get3A_1718 = tpu.vector_load %arg4[%get3A_1717] {strides = array<i32>} : memref<512xi32, #tpu.memory_space<vmem>>, vector<16xi32>,
    %add3A_1719 = arith.constant 48 : i32
    %add3A_1720 = vector.broadcast %add3A_1719 : i32 to vector<16xi32>
    %add3A_1721 = arith.addi %iota3A, %add3A_1720 : vector<16xi32>
    %ge3A_1722 = arith.constant 504 : i32
    %ge3A_1723 = vector.broadcast %ge3A_1722 : i32 to vector<16xi32>
    %ge3A_1724 = arith.cmpi sge, %get3A_1718, %ge3A_1723 : vector<16xi32>
    %lt3A_1725 = arith.constant 1000 : i32
    %lt3A_1726 = vector.broadcast %lt3A_1725 : i32 to vector<16xi32>
    %lt3A_1727 = arith.cmpi slt, %get3A_1718, %lt3A_1726 : vector<16xi32>
    %and3A_1728 = arith.andi %ge3A_1724, %lt3A_1727 : vector<16xi1>
    %sub3A_1729 = arith.constant 504 : i32
    %sub3A_1730 = vector.broadcast %sub3A_1729 : i32 to vector<16xi32>
    %sub3A_1731 = arith.subi %get3A_1718, %sub3A_1730 : vector<16xi32>
    tpu.vector_store_idx %arg6[%sub3A_1731, %add3A_1721], %broadcast_in_dim3A_5 masked %and3A_1728 : memref<504x128xf32, #tpu.memory_space<vmem>>[vector<16xi32>, vector<16xi32>], vector<16xf32>, vector<16xi1>
    %get3A_1732 = arith.constant 448 : index
    %get3A_1733 = tpu.vector_load %arg4[%get3A_1732] {strides = array<i32>} : memref<512xi32, #tpu.memory_space<vmem>>, vector<16xi32>,
    %add3A_1734 = arith.constant 64 : i32
    %add3A_1735 = vector.broadcast %add3A_1734 : i32 to vector<16xi32>
    %add3A_1736 = arith.addi %iota3A, %add3A_1735 : vector<16xi32>
    %ge3A_1737 = arith.constant 504 : i32
    %ge3A_1738 = vector.broadcast %ge3A_1737 : i32 to vector<16xi32>
    %ge3A_1739 = arith.cmpi sge, %get3A_1733, %ge3A_1738 : vector<16xi32>
    %lt3A_1740 = arith.constant 1000 : i32
    %lt3A_1741 = vector.broadcast %lt3A_1740 : i32 to vector<16xi32>
    %lt3A_1742 = arith.cmpi slt, %get3A_1733, %lt3A_1741 : vector<16xi32>
    %and3A_1743 = arith.andi %ge3A_1739, %lt3A_1742 : vector<16xi1>
    %sub3A_1744 = arith.constant 504 : i32
    %sub3A_1745 = vector.broadcast %sub3A_1744 : i32 to vector<16xi32>
    %sub3A_1746 = arith.subi %get3A_1733, %sub3A_1745 : vector<16xi32>
    tpu.vector_store_idx %arg6[%sub3A_1746, %add3A_1736], %broadcast_in_dim3A_5 masked %and3A_1743 : memref<504x128xf32, #tpu.memory_space<vmem>>[vector<16xi32>, vector<16xi32>], vector<16xf32>, vector<16xi1>
    %get3A_1747 = arith.constant 464 : index
    %get3A_1748 = tpu.vector_load %arg4[%get3A_1747] {strides = array<i32>} : memref<512xi32, #tpu.memory_space<vmem>>, vector<16xi32>,
    %add3A_1749 = arith.constant 80 : i32
    %add3A_1750 = vector.broadcast %add3A_1749 : i32 to vector<16xi32>
    %add3A_1751 = arith.addi %iota3A, %add3A_1750 : vector<16xi32>
    %ge3A_1752 = arith.constant 504 : i32
    %ge3A_1753 = vector.broadcast %ge3A_1752 : i32 to vector<16xi32>
    %ge3A_1754 = arith.cmpi sge, %get3A_1748, %ge3A_1753 : vector<16xi32>
    %lt3A_1755 = arith.constant 1000 : i32
    %lt3A_1756 = vector.broadcast %lt3A_1755 : i32 to vector<16xi32>
    %lt3A_1757 = arith.cmpi slt, %get3A_1748, %lt3A_1756 : vector<16xi32>
    %and3A_1758 = arith.andi %ge3A_1754, %lt3A_1757 : vector<16xi1>
    %sub3A_1759 = arith.constant 504 : i32
    %sub3A_1760 = vector.broadcast %sub3A_1759 : i32 to vector<16xi32>
    %sub3A_1761 = arith.subi %get3A_1748, %sub3A_1760 : vector<16xi32>
    tpu.vector_store_idx %arg6[%sub3A_1761, %add3A_1751], %broadcast_in_dim3A_5 masked %and3A_1758 : memref<504x128xf32, #tpu.memory_space<vmem>>[vector<16xi32>, vector<16xi32>], vector<16xf32>, vector<16xi1>
    %get3A_1762 = arith.constant 480 : index
    %get3A_1763 = tpu.vector_load %arg4[%get3A_1762] {strides = array<i32>} : memref<512xi32, #tpu.memory_space<vmem>>, vector<16xi32>,
    %add3A_1764 = arith.constant 96 : i32
    %add3A_1765 = vector.broadcast %add3A_1764 : i32 to vector<16xi32>
    %add3A_1766 = arith.addi %iota3A, %add3A_1765 : vector<16xi32>
    %ge3A_1767 = arith.constant 504 : i32
    %ge3A_1768 = vector.broadcast %ge3A_1767 : i32 to vector<16xi32>
    %ge3A_1769 = arith.cmpi sge, %get3A_1763, %ge3A_1768 : vector<16xi32>
    %lt3A_1770 = arith.constant 1000 : i32
    %lt3A_1771 = vector.broadcast %lt3A_1770 : i32 to vector<16xi32>
    %lt3A_1772 = arith.cmpi slt, %get3A_1763, %lt3A_1771 : vector<16xi32>
    %and3A_1773 = arith.andi %ge3A_1769, %lt3A_1772 : vector<16xi1>
    %sub3A_1774 = arith.constant 504 : i32
    %sub3A_1775 = vector.broadcast %sub3A_1774 : i32 to vector<16xi32>
    %sub3A_1776 = arith.subi %get3A_1763, %sub3A_1775 : vector<16xi32>
    tpu.vector_store_idx %arg6[%sub3A_1776, %add3A_1766], %broadcast_in_dim3A_5 masked %and3A_1773 : memref<504x128xf32, #tpu.memory_space<vmem>>[vector<16xi32>, vector<16xi32>], vector<16xf32>, vector<16xi1>
    %get3A_1777 = arith.constant 496 : index
    %get3A_1778 = tpu.vector_load %arg4[%get3A_1777] {strides = array<i32>} : memref<512xi32, #tpu.memory_space<vmem>>, vector<16xi32>,
    %add3A_1779 = arith.constant 112 : i32
    %add3A_1780 = vector.broadcast %add3A_1779 : i32 to vector<16xi32>
    %add3A_1781 = arith.addi %iota3A, %add3A_1780 : vector<16xi32>
    %ge3A_1782 = arith.constant 504 : i32
    %ge3A_1783 = vector.broadcast %ge3A_1782 : i32 to vector<16xi32>
    %ge3A_1784 = arith.cmpi sge, %get3A_1778, %ge3A_1783 : vector<16xi32>
    %lt3A_1785 = arith.constant 1000 : i32
    %lt3A_1786 = vector.broadcast %lt3A_1785 : i32 to vector<16xi32>
    %lt3A_1787 = arith.cmpi slt, %get3A_1778, %lt3A_1786 : vector<16xi32>
    %and3A_1788 = arith.andi %ge3A_1784, %lt3A_1787 : vector<16xi1>
    %sub3A_1789 = arith.constant 504 : i32
    %sub3A_1790 = vector.broadcast %sub3A_1789 : i32 to vector<16xi32>
    %sub3A_1791 = arith.subi %get3A_1778, %sub3A_1790 : vector<16xi32>
    tpu.vector_store_idx %arg6[%sub3A_1791, %add3A_1781], %broadcast_in_dim3A_5 masked %and3A_1788 : memref<504x128xf32, #tpu.memory_space<vmem>>[vector<16xi32>, vector<16xi32>], vector<16xf32>, vector<16xi1>
    %add3A_1792 = arith.constant 384 : i32
    %add3A_1793 = arith.addi %mul3A_2, %add3A_1792 : i32
    %dma_start3A_1794 = arith.constant 0 : i32
    %dma_start3A_1795 = arith.constant 0 : i32
    %dma_start3A_1796 = tpu.memref_slice %arg6[%dma_start3A_1794, %dma_start3A_1795] : memref<504x128xf32, #tpu.memory_space<vmem>> -> memref<496x128xf32, #tpu.memory_space<vmem>>
    %dma_start3A_1797 = arith.constant 504 : i32
    %dma_start3A_1798 = tpu.memref_slice %arg3[%dma_start3A_1797, %add3A_1793] : memref<1000x16384xf32, #tpu.memory_space<hbm>> -> memref<496x128xf32, #tpu.memory_space<hbm>>
    %dma_start3A_1799 = arith.constant 504 : i32
    %dma_start3A_1800 = tpu.memref_slice %arg3[%dma_start3A_1799, %add3A_1793] : memref<1000x16384xf32, #tpu.memory_space<hbm>> -> memref<496x128xf32, #tpu.memory_space<hbm>>
    %dma_start3A_1801 = arith.constant 0 : i32
    %dma_start3A_1802 = arith.constant 0 : i32
    %dma_start3A_1803 = tpu.memref_slice %arg6[%dma_start3A_1801, %dma_start3A_1802] : memref<504x128xf32, #tpu.memory_space<vmem>> -> memref<496x128xf32, #tpu.memory_space<vmem>>
    tpu.enqueue_dma source(%dma_start3A_1803 : memref<496x128xf32, #tpu.memory_space<vmem>>) target(%dma_start3A_1800 : memref<496x128xf32, #tpu.memory_space<hbm>>) target_semaphore(%arg8 : memref<!tpu.dma_semaphore, #tpu.memory_space<semaphore_mem>>)
    %dma_wait3A_1804 = arith.constant 0 : i32
    %dma_wait3A_1805 = tpu.memref_slice %arg3[%dma_wait3A_1804, %add3A_1537] : memref<1000x16384xf32, #tpu.memory_space<hbm>> -> memref<504x128xf32, #tpu.memory_space<hbm>>
    %dma_wait3A_1806 = arith.constant 0 : i32
    %dma_wait3A_1807 = tpu.memref_slice %arg3[%dma_wait3A_1806, %add3A_1537] : memref<1000x16384xf32, #tpu.memory_space<hbm>> -> memref<504x128xf32, #tpu.memory_space<hbm>>
    tpu.wait_dma2 semaphore(%arg7 : memref<!tpu.dma_semaphore, #tpu.memory_space<semaphore_mem>>) src(%arg5 : memref<504x128xf32, #tpu.memory_space<vmem>>) dst(%dma_wait3A_1807 : memref<504x128xf32, #tpu.memory_space<hbm>>)
    %dma_wait3A_1808 = arith.constant 0 : i32
    %dma_wait3A_1809 = arith.constant 0 : i32
    %dma_wait3A_1810 = tpu.memref_slice %arg6[%dma_wait3A_1808, %dma_wait3A_1809] : memref<504x128xf32, #tpu.memory_space<vmem>> -> memref<496x128xf32, #tpu.memory_space<vmem>>
    %dma_wait3A_1811 = arith.constant 504 : i32
    %dma_wait3A_1812 = tpu.memref_slice %arg3[%dma_wait3A_1811, %add3A_1793] : memref<1000x16384xf32, #tpu.memory_space<hbm>> -> memref<496x128xf32, #tpu.memory_space<hbm>>
    %dma_wait3A_1813 = arith.constant 504 : i32
    %dma_wait3A_1814 = tpu.memref_slice %arg3[%dma_wait3A_1813, %add3A_1793] : memref<1000x16384xf32, #tpu.memory_space<hbm>> -> memref<496x128xf32, #tpu.memory_space<hbm>>
    %dma_wait3A_1815 = arith.constant 0 : i32
    %dma_wait3A_1816 = arith.constant 0 : i32
    %dma_wait3A_1817 = tpu.memref_slice %arg6[%dma_wait3A_1815, %dma_wait3A_1816] : memref<504x128xf32, #tpu.memory_space<vmem>> -> memref<496x128xf32, #tpu.memory_space<vmem>>
    tpu.wait_dma2 semaphore(%arg8 : memref<!tpu.dma_semaphore, #tpu.memory_space<semaphore_mem>>) src(%dma_wait3A_1817 : memref<496x128xf32, #tpu.memory_space<vmem>>) dst(%dma_wait3A_1814 : memref<496x128xf32, #tpu.memory_space<hbm>>)
    return
  }
}

</mosaic_0001>

<sc_bundles>
// kernel: kernel.3.cloned.1.call-start
scs
__scs_entry_jumppad:
0x0: {  	(pc) =	sbr.rel $0x88, $3  }
0x1: {  	(tag) =	ssettag $0x0;
	lr =	simm.s32 $0x1  }
0x2: {  	[smem:$0x3FA0] =	sst lr;
	_ =	strace $0xD0000000  }
0x3: {  	_ = 	snop  }
0x4: {  	_ = 	snop  }
0x5: {  	_ = 	snop  }
0x6: {  	_ = 	snop  }
0x7: {  	_ = 	snop  }
__scs_overlays_trampoline_lowered:
0x8: {  	[smem:$0x3FAF] =	sst s0  }
0x9: {  	[smem:$0x3FB0] =	sst s1  }
0xa: {  	[smem:$0x3FB1] =	sst s2  }
0xb: {  	[smem:$0x3FB2] =	sst s3  }
0xc: {  	[smem:$0x3FB3] =	sst s4  }
0xd: {  	[smem:$0x3FB4] =	sst s5  }
0xe: {  	[smem:$0x3FB5] =	sst s6  }
0xf: {  	[smem:$0x3FB6] =	sst s7  }
0x10: {  	[smem:$0x3FB7] =	sst s8  }
0x11: {  	[smem:$0x3FB8] =	sst s9;
	s0 =	simm.s32 @!p0 $0x0  }
0x12: {  	s1 =	sld [smem:$0x3F9E];
	s0 =	simm.s32 @p0 $0x1  }
0x13: {  	[smem:$0x3FB9] =	sst s0;
	s0 =	simm.s32 @!p1 $0x0  }
0x14: {  	s2 =	sld [smem:$0x3F9D];
	s0 =	simm.s32 @p1 $0x1  }
0x15: {  	[smem:$0x3FBA] =	sst s0;
	s0 =	simm.s32 @!p2 $0x0  }
0x16: {  	s3 =	sld [smem:$0x3FDB];
	s0 =	simm.s32 @p2 $0x1  }
0x17: {  	s4 =	simm.s32 $0x1BF5;
	[smem:$0x3FBC] =	sst s0  }
0x18: {  	s0 =	sld [smem:$0x3F9F];
	_ =	swait.ge [sflag:s4], $0x0  }
0x19: {  	s7 =	sld [smem:$0x3FA0]  }
0x1a: {  	s8 =	sadd.s32 $0xFFFFE003, lr  }
0x1b: {  	s9 =	sadd.s32 $0xFFFFFEF7, lr;
	s5 =	simm.s32 $0xFFFFFFFF;
	p2 =	slt.u32 s8, $0xFFFFF086  }
0x1c: {  	p1 =	slt.u32 s9, $0xF7A;
	s5 =	simm.s32 @!p2 $0x0  }
0x1d: {  	s5 =	simm.s32 @p1 $0x1;
	p0 =	seq.s32 s7, s2  }
0x1e: {  	s7 =	smul.u32 @!p0 $0xF7A, s2;
	p2 =	seq.s32 @!p0 s5, $0x0  }
0x1f: {  	s9 =	smul.u32 $0xF7A, s1;
	s8 =	simm.s32 @!p0 $0x1BF5;
	p2 =	por !p2, p0  }
0x20: {  	[sflag:s8] =	ssyncset.s32 @!p0 $0xFFFFF086;
	s6 =	sadd.s32 @!p0 s3, s7;
	s7 =	simm.s32 @!p0 $0x108  }
0x21: {  	s3 =	sadd.s32 s3, s9;
	s6 =	sadd.s32 @!p0 $0x88, s6;
	s7 =	simm.s32 @p2 $0x1082  }
0x22: {  	[simem:s7], [sflag:s8] =	dma.local @!p0 [hbm:s6], $0xF7A  }
0x23: {  	s9 =	sor.u32 $0xD0000000, s2;
	s6 =	simm.s32 $0x108;
	_ =	swait.ge @!p0 [sflag:s8], $0x0  }
0x24: {  	s3 =	sadd.s32 $0x88, s3;
	s6 =	simm.s32 @!p1 $0x1082;
	[sflag:s4] =	ssyncset.s32 $0xFFFFF086  }
0x25: {  	[simem:s6], [sflag:s4] =	dma.local [hbm:s3], $0xF7A  }
0x26: {  	[smem:$0x3FA0] =	sst s1;
	(tag) =	ssettag s2;
	_ =	strace s9  }
0x27: {  	s1 =	sld [smem:$0x3FB0]  }
0x28: {  	s2 =	sld [smem:$0x3FB1]  }
0x29: {  	s4 =	sld [smem:$0x3FB3]  }
0x2a: {  	p0 =	seq.s32 s5, $0x0;
	s5 =	sld [smem:$0x3FB4]  }
0x2b: {  	s6 =	sld [smem:$0x3FB5]  }
0x2c: {  	s7 =	sld [smem:$0x3FB6]  }
0x2d: {  	s3 =	simm.s32 $0x108;
	s8 =	sld [smem:$0x3FB7]  }
0x2e: {  	s3 =	simm.s32 @!p0 $0x1082;
	s9 =	sld [smem:$0x3FB8]  }
0x2f: {  	lr =	sadd.s32 s0, s3;
	s0 =	sld [smem:$0x3FAF]  }
0x30: {  	s3 =	sld [smem:$0x3FB2]  }
0x31: {  	[smem:$0x3FBB] =	sst s10  }
0x32: {  	s10 =	sld [smem:$0x3FB9];
	_ =	sdelay $0x3  }
0x33: {  	p0 =	seq.s32 s10, $0x1;
	s10 =	sld [smem:$0x3FBB];
	_ =	sdelay $0x3  }
0x34: {  	[smem:$0x3FBB] =	sst s10  }
0x35: {  	s10 =	sld [smem:$0x3FBA];
	_ =	sdelay $0x3  }
0x36: {  	p1 =	seq.s32 s10, $0x1;
	s10 =	sld [smem:$0x3FBB];
	_ =	sdelay $0x3  }
0x37: {  	[smem:$0x3FBB] =	sst s10  }
0x38: {  	s10 =	sld [smem:$0x3FBC]  }
0x39: {  	_ = 	snop;
	(pc) =	sbr.ind lr, $3  }
0x3a: {  	_ = 	snop  }
0x3b: {  	_ = 	snop  }
0x3c: {  	p2 =	seq.s32 s10, $0x1;
	s10 =	sld [smem:$0x3FBB]  }
0x3d: {  	_ =	shalt  }
0x3e: {  	_ =	shalt  }
0x3f: {  	_ =	shalt  }
0x40: {  	_ =	shalt  }
0x41: {  	_ =	shalt  }
0x42: {  	_ =	shalt  }
0x43: {  	_ =	shalt  }
0x44: {  	_ =	shalt  }
0x45: {  	_ =	shalt  }
0x46: {  	_ =	shalt  }
0x47: {  	_ =	shalt  }
0x48: {  	_ =	shalt  }
0x49: {  	_ =	shalt  }
0x4a: {  	_ =	shalt  }
0x4b: {  	_ =	shalt  }
0x4c: {  	_ =	shalt  }
0x4d: {  	_ =	shalt  }
0x4e: {  	_ =	shalt  }
0x4f: {  	_ =	shalt  }
0x50: {  	_ =	shalt  }
0x51: {  	_ =	shalt  }
0x52: {  	_ =	shalt  }
0x53: {  	_ =	shalt  }
0x54: {  	_ =	shalt  }
0x55: {  	_ =	shalt  }
0x56: {  	_ =	shalt  }
0x57: {  	_ =	shalt  }
0x58: {  	_ =	shalt  }
0x59: {  	_ =	shalt  }
0x5a: {  	_ =	shalt  }
0x5b: {  	_ =	shalt  }
0x5c: {  	_ =	shalt  }
0x5d: {  	_ =	shalt  }
0x5e: {  	_ =	shalt  }
0x5f: {  	_ =	shalt  }
0x60: {  	_ =	shalt  }
0x61: {  	_ =	shalt  }
0x62: {  	_ =	shalt  }
0x63: {  	_ =	shalt  }
0x64: {  	_ =	shalt  }
0x65: {  	_ =	shalt  }
0x66: {  	_ =	shalt  }
0x67: {  	_ =	shalt  }
0x68: {  	_ =	shalt  }
0x69: {  	_ =	shalt  }
0x6a: {  	_ =	shalt  }
0x6b: {  	_ =	shalt  }
0x6c: {  	_ =	shalt  }
0x6d: {  	_ =	shalt  }
0x6e: {  	_ =	shalt  }
0x6f: {  	_ =	shalt  }
0x70: {  	_ =	shalt  }
0x71: {  	_ =	shalt  }
0x72: {  	_ =	shalt  }
0x73: {  	_ =	shalt  }
0x74: {  	_ =	shalt  }
0x75: {  	_ =	shalt  }
0x76: {  	_ =	shalt  }
0x77: {  	_ =	shalt  }
0x78: {  	_ =	shalt  }
0x79: {  	_ =	shalt  }
0x7a: {  	_ =	shalt  }
0x7b: {  	_ =	shalt  }
0x7c: {  	_ =	shalt  }
0x7d: {  	_ =	shalt  }
0x7e: {  	_ =	shalt  }
0x7f: {  	_ =	shalt  }
0x80: {  	_ =	shalt  }
0x81: {  	_ =	shalt  }
0x82: {  	_ =	shalt  }
0x83: {  	_ =	shalt  }
0x84: {  	_ =	shalt  }
0x85: {  	_ =	shalt  }
0x86: {  	_ =	shalt  }
0x87: {  	_ =	shalt  }
.Lfunc_end0:
.L_simem_size_0:
called_computation_lowered:
.L_overlay_start_0:
0x88: {  	s2 =	sld [smem:$0x3FD9]  }
0x89: {  	s3 =	sld [smem:$0x3FFE];
	_ =	sdelay $0x1  }
0x8a: {  	s1 =	srdreg.scid  }
0x8b: {  	s0 =	sand.u32 $0x1, s1  }
0x8c: {  	s18 =	sshll.u32 s0, $0xA;
	s2 =	sadd.s32 s3, s2  }
0x8d: {  	s2 =	sadd.s32 s2, s18  }
0x8e: {  	[smem:$0x3FC7] =	sst s2  }
0x8f: {  	_ = 	snop  }
0x90: {  	s2 =	sld [smem:$0x3FC9]  }
0x91: {  	s19 =	sld [smem:$0x3FD0];
	(tm) =	ssettm $0x1  }
0x92: {  	s4 =	sld [smem:$0x3FFB];
	_ =	sdelay $0x3  }
0x93: {  	_ =	strace s4  }
0x94: {  	s4 =	sld [smem:$0x3FFC];
	_ =	sdelay $0x3  }
0x95: {  	_ =	strace s4  }
0x96: {  	s4 =	sld [smem:$0x3FFD];
	_ =	sdelay $0x3  }
0x97: {  	_ =	strace s4  }
0x98: {  	_ =	strace $0x8FFFFFFF  }
0x99: {  	s20 =	sld [smem:$0x3FDB];
	_ =	sdelay $0x1  }
0x9a: {  	s5 =	simm.s32 $_scs_section_size  }
0x9b: {  	s6 =	simm.s32 $_size__tile_overlayer_lowered;
	s7 =	simm.s32 $_tile_overlayer_lowered  }
0x9c: {  	s23 =	simm.s32 $0x1BFF;
	s22 =	sshll.u32 s7, $0x1;
	s4 =	sadd.s32 s5, s20  }
0x9d: {  	s8 =	simm.s32 $0x0;
	s21 =	sshll.u32 s6, $0x1;
	s6 =	sadd.s32 s22, s4  }
0x9e: {  	[timem:s8], [sflag:s23] =	dma.local [hbm:s6], s21  }
0x9f: {  	_ =	swait.ge [sflag:s23], s21  }
0xa0: {  	s5 =	ssub.s32 $0x0, s21;
	[sflag:s23] =	ssyncset.done $0x0  }
0xa1: {  	[sflag:s23] =	ssyncadd.s32 s5;
	_ =	sdelay $0x1  }
0xa2: {  	s24 =	simm.s32 $0x1B8B  }
0xa3: {  	_ =	swait.ge [sflag:s24], $0x1  }
0xa4: {  	[sflag:s24] =	ssyncset.done $0x0  }
0xa5: {  	s25 =	simm.s32 $0x1B8E;
	[sflag:s24] =	ssyncadd.s32 $0xFFFFFFFF  }
0xa6: {  	s26 =	simm.s32 $execute0_lowered;
	[smem:$0x3FD2] =	sst s25  }
0xa7: {  	s5 =	sshll.u32 s26, $0x1;
	_ =	strace $0x80000046;
	[dreg:$0x1] =	wrdreg $0xFFFFFFFF  }
0xa8: {  	s28 =	simm.s32 $_size_execute0_lowered;
	s4 =	sadd.s32 s4, s5;
	[dreg:$0x0] =	wrdreg $0x0  }
0xa9: {  	s5 =	sshll.u32 s28, $0x1;
	[dreg:$0x2] =	wrdreg s4  }
0xaa: {  	[dreg:$0x3] =	wrdreg s5  }
0xab: {  	[dreg:$0x4] =	wrdreg $0xC0  }
0xac: {  	_ =	task [dreg:s8], $0x5FFFF  }
0xad: {  	[dreg:$0x1] =	wrdreg $0xFFFFFFFF  }
0xae: {  	[dreg:$0x0] =	wrdreg $0x60  }
0xaf: {  	[dreg:$0x2] =	wrdreg s2  }
0xb0: {  	[dreg:$0x3] =	wrdreg s19  }
0xb1: {  	[dreg:$0x4] =	wrdreg $0x9  }
0xb2: {  	_ =	task.clear_ibuf [dreg:s8], $0x5FFFF;
	_ =	strace $0x90000046  }
0xb3: {  	s29 =	simm.s32 $0x9;
	_ =	strace $0x80000048  }
0xb4: {  	_ =	swait.ge [sflag:s29], $0x1  }
0xb5: {  	[sflag:s29] =	ssyncadd.s32 $0xFFFFFFFF  }
0xb6: {  	_ =	strace $0x90000048  }
0xb7: {  	_ =	sfence  }
0xb8: {  	s30 =	sld [smem:$0x0];
	_ =	sdelay $0x2  }
0xb9: {  	s31 =	sshll.u32 s1, $0xD;
	s1 =	sshrl.u32 s1, $0x2  }
0xba: {  	s3 =	sand.u32 $0x4000, s31;
	s1 =	sadd.s32 s1, s30  }
0xbb: {  	s0 =	sor.u32 s3, s0;
	s1 =	sshll.u32 s1, $0x11  }
0xbc: {  	s0 =	sor.u32 s1, s0  }
0xbd: {  	s0 =	sadd.s32 $0x8F2B, s0  }
0xbe: {  	[sflag:s0] =	ssyncadd.remote.s32 $0x1  }
0xbf: {  	_ =	sfence.sel $0xFFFF  }
0xc0: {  	[dreg:$0x0] =	wrdreg $0xFFFFFFFF;
	(pc) =	sbr.abs _section_cstart, $3  }
0xc1: {  	[dreg:$0x1] =	wrdreg $0xFFFFFFFF  }
0xc2: {  	_ =	task.clear_ibuf [dreg:s8], $0x2FFFF;
	_ =	strace $0x9FFFFFFF  }
0xc3: {  	(tm) =	ssettm $0x7FFFFFFF  }
tec
execute0_lowered:
.L_overlay_start_1:
0x0: {  	(tag) =	ssettag $0x1  }
0x1: {  	s4 =	rddreg [dreg:$0x0]  }
0x2: {  	s3 =	rddreg [dreg:$0x1]  }
0x3: {  	s0 =	rddreg [dreg:$0x2];
	s5 =	srdreg.scid  }
0x4: {  	s2 =	simm.s32 $0x0;
	s1 =	stileid.u32;
	s13 =	simm.s32 $0x3  }
0x5: {  	s14 =	simm.s32 $0x200;
	s15 =	simm.s32 $0x400;
	s16 =	simm.s32 $0x20000  }
0x6: {  	s17 =	simm.s32 $0xFE00;
	s18 =	simm.s32 $0x1;
	s19 =	simm.s32 $0x2  }
0x7: {  	s20 =	simm.s32 $0x0;
	s5 =	sand.u32 $0x1, s5;
	[smem:$0x7FF] =	sst s2  }
0x8: {  	v0 =	vimm.f32 $0.0e+00;
	v1 =	vlaneseq.u32;
	v2 =	vimm.f32 $1.000000000e+00;
	s6 =	sshll.u32 s1, $0xA;
	s7 =	sshll.u32 s5, $0x9;
	s5 =	ssub.s32 $0x2, s5  }
0x9: {  	v3 =	vor.u32 $0x10, v1;
	v4 =	vor.u32 $0x20, v1;
	v5 =	vor.u32 $0x30, v1;
	_ =	strace $0x80000047;
	s6 =	sor.u32 s7, s6;
	s31 =	sshrl.u32 s5, $0x1  }
0xa: {  	v6 =	vor.u32 $0x40, v1;
	v7 =	vor.u32 $0x50, v1;
	v8 =	vor.u32 $0x60, v1;
	s8 =	sshrl.u32 s6, $0x3;
	s3 =	sadd.s32 s3, s6;
	s12 =	ssub.s32 s5, s31  }
0xb: {  	v9 =	vor.u32 $0x70, v1;
	v10 =	vor.u32 $0xFFFF0400, v1;
	v11 =	vor.u32 $0xFFFF0410, v1;
	s4 =	sadd.s32 s4, s8;
	s5 =	sadd.s32 $0xFC000, s3;
	s6 =	sadd.s32 $0x80, s3  }
0xc: {  	v12 =	vor.u32 $0xFFFF0420, v1;
	v13 =	vor.u32 $0xFFFF0430, v1;
	v14 =	vor.u32 $0xFFFF0440, v1;
	s7 =	sadd.s32 $0xFC080, s3;
	s8 =	sadd.s32 $0x100, s3;
	s9 =	sadd.s32 $0xFC100, s3  }
0xd: {  	v15 =	vor.u32 $0xFFFF0450, v1;
	v16 =	vor.u32 $0xFFFF0460, v1;
	v17 =	vor.u32 $0xFFFF0470, v1;
	s10 =	sadd.s32 $0x180, s3;
	s11 =	sadd.s32 $0xFC180, s3;
	s12 =	smax.u32 s12, $0x1  }
.LBB2_1:
0xe: {  	[tilespmem:s2], [sflag:$0x3] =	stream.linear.gather [hbm4b:s4+s2], $0x200, $0x38;
	[tilespmem:$0x1FA00] =	vst v63  }
0xf: {  	_ =	swait.ge [sflag:s13], $0x200  }
0x10: {  	[sflag:s13] =	ssyncset.done $0x0  }
0x11: {  	s21 =	simm.s32 $0x0;
	s22 =	simm.s32 $0x200;
	[sflag:s13] =	ssyncadd.s32 $0xFFFFFE00  }
.LBB2_2:
0x12: {  	p0 =	sne.s32 s22, $0x3EE00;
	[tilespmem:s21+$0x270] =	vst v0  }
0x13: {  	[tilespmem:s21+$0x200] =	vst v0  }
0x14: {  	[tilespmem:s21+$0x210] =	vst v0  }
.Ltmp0:
0x15: {  	[tilespmem:s21+$0x220] =	vst v0;
	(pc) =	sbr.rel @p0 .LBB2_2-.Ltmp0, $4  }
0x16: {  	[tilespmem:s21+$0x230] =	vst v0  }
0x17: {  	[tilespmem:s21+$0x240] =	vst v0  }
0x18: {  	[tilespmem:s21+$0x250] =	vst v0  }
0x19: {  	[tilespmem:s21+$0x260] =	vst v0;
	s21 =	sshra.s32 s22, $0x2;
	s22 =	sadd.s32 $0x200, s22  }
0x1a: {  	[tilespmem:s21+$0x270] =	vst v0  }
0x1b: {  	[tilespmem:s21+$0x200] =	vst v0  }
0x1c: {  	[tilespmem:s21+$0x210] =	vst v0  }
0x1d: {  	[tilespmem:s21+$0x220] =	vst v0  }
0x1e: {  	[tilespmem:s21+$0x230] =	vst v0  }
0x1f: {  	[tilespmem:s21+$0x240] =	vst v0  }
0x20: {  	[tilespmem:s21+$0x250] =	vst v0  }
0x21: {  	[tilespmem:s21+$0x260] =	vst v0  }
0x22: {  	v18 =	vld [tilespmem:$0x0];
	_ =	sdelay $0x4  }
0x23: {  	vm0 =	vlt.u32 v18, $0x1F8;
	v18 =	vshll.u32 v18, $0x7  }
0x24: {  	v18 =	vor.u32 v1, v18;
	_ =	sdelay $0x4  }
0x25: {  	[tilespmem:v18+s14+$0x0] =	vst.idx.msk vm0, v2  }
0x26: {  	v18 =	vld [tilespmem:$0x10];
	_ =	sdelay $0x4  }
0x27: {  	vm9 =	vlt.u32 v18, $0x1F8;
	v18 =	vshll.u32 v18, $0x7  }
0x28: {  	v18 =	vor.u32 v3, v18;
	_ =	sdelay $0x4  }
0x29: {  	[tilespmem:v18+s14+$0x0] =	vst.idx.msk vm9, v2  }
0x2a: {  	v18 =	vld [tilespmem:$0x20];
	_ =	sdelay $0x4  }
0x2b: {  	vm10 =	vlt.u32 v18, $0x1F8;
	v18 =	vshll.u32 v18, $0x7  }
0x2c: {  	v18 =	vor.u32 v4, v18;
	_ =	sdelay $0x4  }
0x2d: {  	[tilespmem:v18+s14+$0x0] =	vst.idx.msk vm10, v2  }
0x2e: {  	v18 =	vld [tilespmem:$0x30];
	_ =	sdelay $0x4  }
0x2f: {  	vm11 =	vlt.u32 v18, $0x1F8;
	v18 =	vshll.u32 v18, $0x7  }
0x30: {  	v18 =	vor.u32 v5, v18;
	_ =	sdelay $0x4  }
0x31: {  	[tilespmem:v18+s14+$0x0] =	vst.idx.msk vm11, v2  }
0x32: {  	v18 =	vld [tilespmem:$0x40];
	_ =	sdelay $0x4  }
0x33: {  	vm12 =	vlt.u32 v18, $0x1F8;
	v18 =	vshll.u32 v18, $0x7  }
0x34: {  	v18 =	vor.u32 v6, v18;
	_ =	sdelay $0x4  }
0x35: {  	[tilespmem:v18+s14+$0x0] =	vst.idx.msk vm12, v2  }
0x36: {  	v18 =	vld [tilespmem:$0x50];
	_ =	sdelay $0x4  }
0x37: {  	vm13 =	vlt.u32 v18, $0x1F8;
	v18 =	vshll.u32 v18, $0x7  }
0x38: {  	v18 =	vor.u32 v7, v18;
	_ =	sdelay $0x4  }
0x39: {  	[tilespmem:v18+s14+$0x0] =	vst.idx.msk vm13, v2  }
0x3a: {  	v18 =	vld [tilespmem:$0x60];
	_ =	sdelay $0x4  }
0x3b: {  	vm14 =	vlt.u32 v18, $0x1F8;
	v18 =	vshll.u32 v18, $0x7  }
0x3c: {  	v18 =	vor.u32 v8, v18;
	_ =	sdelay $0x4  }
0x3d: {  	[tilespmem:v18+s14+$0x0] =	vst.idx.msk vm14, v2  }
0x3e: {  	v18 =	vld [tilespmem:$0x70];
	_ =	sdelay $0x4  }
0x3f: {  	vm15 =	vlt.u32 v18, $0x1F8;
	v18 =	vshll.u32 v18, $0x7  }
0x40: {  	v18 =	vor.u32 v9, v18;
	_ =	sdelay $0x4  }
0x41: {  	s21 =	simm.s32 $0x0;
	s22 =	simm.s32 $0x200;
	[tilespmem:v18+s14+$0x0] =	vst.idx.msk vm15, v2  }
0x42: {  	[hbm4b:s3+s15] =	stream.strided.scatter [tilespmem:s14], [sflag:$0x1], $0xFC00, s16, s15, $0x38;
	[tilespmem:$0x1FA00] =	vst v63  }
.LBB2_4:
0x43: {  	p0 =	sne.s32 s22, $0x3EE00;
	[tilespmem:s21+$0xFE70] =	vst v0  }
0x44: {  	[tilespmem:s21+$0xFE00] =	vst v0  }
0x45: {  	[tilespmem:s21+$0xFE10] =	vst v0  }
.Ltmp1:
0x46: {  	[tilespmem:s21+$0xFE20] =	vst v0;
	(pc) =	sbr.rel @p0 .LBB2_4-.Ltmp1, $4  }
0x47: {  	[tilespmem:s21+$0xFE30] =	vst v0  }
0x48: {  	[tilespmem:s21+$0xFE40] =	vst v0  }
0x49: {  	[tilespmem:s21+$0xFE50] =	vst v0  }
0x4a: {  	[tilespmem:s21+$0xFE60] =	vst v0;
	s21 =	sshra.s32 s22, $0x2;
	s22 =	sadd.s32 $0x200, s22  }
0x4b: {  	[tilespmem:s21+$0xFE70] =	vst v0  }
0x4c: {  	[tilespmem:s21+$0xFE00] =	vst v0  }
0x4d: {  	[tilespmem:s21+$0xFE10] =	vst v0  }
0x4e: {  	[tilespmem:s21+$0xFE20] =	vst v0  }
0x4f: {  	[tilespmem:s21+$0xFE30] =	vst v0  }
0x50: {  	[tilespmem:s21+$0xFE40] =	vst v0  }
0x51: {  	[tilespmem:s21+$0xFE50] =	vst v0  }
0x52: {  	[tilespmem:s21+$0xFE60] =	vst v0  }
0x53: {  	v18 =	vld [tilespmem:$0x0];
	_ =	sdelay $0x4  }
0x54: {  	v19 =	vadd.s32 $0xFFFFFE08, v18  }
0x55: {  	v18 =	vshll.u32 v18, $0x7;
	vm0 =	vlt.u32 v19, $0x1F0  }
0x56: {  	v18 =	vadd.s32 v10, v18;
	_ =	sdelay $0x4  }
0x57: {  	[tilespmem:v18+s17+$0x0] =	vst.idx.msk vm0, v2  }
0x58: {  	v18 =	vld [tilespmem:$0x10];
	_ =	sdelay $0x4  }
0x59: {  	v19 =	vadd.s32 $0xFFFFFE08, v18  }
0x5a: {  	v18 =	vshll.u32 v18, $0x7;
	vm9 =	vlt.u32 v19, $0x1F0  }
0x5b: {  	v18 =	vadd.s32 v11, v18;
	_ =	sdelay $0x4  }
0x5c: {  	[tilespmem:v18+s17+$0x0] =	vst.idx.msk vm9, v2  }
0x5d: {  	v18 =	vld [tilespmem:$0x20];
	_ =	sdelay $0x4  }
0x5e: {  	v19 =	vadd.s32 $0xFFFFFE08, v18  }
0x5f: {  	v18 =	vshll.u32 v18, $0x7;
	vm10 =	vlt.u32 v19, $0x1F0  }
0x60: {  	v18 =	vadd.s32 v12, v18;
	_ =	sdelay $0x4  }
0x61: {  	[tilespmem:v18+s17+$0x0] =	vst.idx.msk vm10, v2  }
0x62: {  	v18 =	vld [tilespmem:$0x30];
	_ =	sdelay $0x4  }
0x63: {  	v19 =	vadd.s32 $0xFFFFFE08, v18  }
0x64: {  	v18 =	vshll.u32 v18, $0x7;
	vm11 =	vlt.u32 v19, $0x1F0  }
0x65: {  	v18 =	vadd.s32 v13, v18;
	_ =	sdelay $0x4  }
0x66: {  	[tilespmem:v18+s17+$0x0] =	vst.idx.msk vm11, v2  }
0x67: {  	v18 =	vld [tilespmem:$0x40];
	_ =	sdelay $0x4  }
0x68: {  	v19 =	vadd.s32 $0xFFFFFE08, v18  }
0x69: {  	v18 =	vshll.u32 v18, $0x7;
	vm12 =	vlt.u32 v19, $0x1F0  }
0x6a: {  	v18 =	vadd.s32 v14, v18;
	_ =	sdelay $0x4  }
0x6b: {  	[tilespmem:v18+s17+$0x0] =	vst.idx.msk vm12, v2  }
0x6c: {  	v18 =	vld [tilespmem:$0x50];
	_ =	sdelay $0x4  }
0x6d: {  	v19 =	vadd.s32 $0xFFFFFE08, v18  }
0x6e: {  	v18 =	vshll.u32 v18, $0x7;
	vm13 =	vlt.u32 v19, $0x1F0  }
0x6f: {  	v18 =	vadd.s32 v15, v18;
	_ =	sdelay $0x4  }
0x70: {  	[tilespmem:v18+s17+$0x0] =	vst.idx.msk vm13, v2  }
0x71: {  	v18 =	vld [tilespmem:$0x60];
	_ =	sdelay $0x4  }
0x72: {  	v19 =	vadd.s32 $0xFFFFFE08, v18  }
0x73: {  	v18 =	vshll.u32 v18, $0x7;
	vm14 =	vlt.u32 v19, $0x1F0  }
0x74: {  	v18 =	vadd.s32 v16, v18;
	_ =	sdelay $0x4  }
0x75: {  	[tilespmem:v18+s17+$0x0] =	vst.idx.msk vm14, v2  }
0x76: {  	v18 =	vld [tilespmem:$0x70];
	_ =	sdelay $0x4  }
0x77: {  	v19 =	vadd.s32 $0xFFFFFE08, v18  }
0x78: {  	v18 =	vshll.u32 v18, $0x7;
	vm15 =	vlt.u32 v19, $0x1F0  }
0x79: {  	v18 =	vadd.s32 v17, v18;
	_ =	sdelay $0x4  }
0x7a: {  	[tilespmem:v18+s17+$0x0] =	vst.idx.msk vm15, v2  }
0x7b: {  	[hbm4b:s5+s15] =	stream.strided.scatter [tilespmem:s17], [sflag:$0x2], $0xF800, s16, s15, $0x38;
	[tilespmem:$0x1FA00] =	vst v63  }
0x7c: {  	_ =	swait.ge [sflag:s18], $0xFC00  }
0x7d: {  	[sflag:s18] =	ssyncset.done $0x0  }
0x7e: {  	[sflag:s18] =	ssyncadd.s32 $0xFFFF0400  }
0x7f: {  	v18 =	vld [tilespmem:$0x0];
	_ =	sdelay $0x4  }
0x80: {  	vm4 =	vlt.u32 v18, $0x1F8;
	v18 =	vshll.u32 v18, $0x7  }
0x81: {  	v18 =	vor.u32 v1, v18;
	_ =	sdelay $0x4  }
0x82: {  	[tilespmem:v18+s14+$0x0] =	vst.idx.msk vm4, v0  }
0x83: {  	v18 =	vld [tilespmem:$0x10];
	_ =	sdelay $0x4  }
0x84: {  	vm5 =	vlt.u32 v18, $0x1F8;
	v18 =	vshll.u32 v18, $0x7  }
0x85: {  	v18 =	vor.u32 v3, v18;
	_ =	sdelay $0x4  }
0x86: {  	[tilespmem:v18+s14+$0x0] =	vst.idx.msk vm5, v0  }
0x87: {  	v18 =	vld [tilespmem:$0x20];
	_ =	sdelay $0x4  }
0x88: {  	vm6 =	vlt.u32 v18, $0x1F8;
	v18 =	vshll.u32 v18, $0x7  }
0x89: {  	v18 =	vor.u32 v4, v18;
	_ =	sdelay $0x4  }
0x8a: {  	[tilespmem:v18+s14+$0x0] =	vst.idx.msk vm6, v0  }
0x8b: {  	v18 =	vld [tilespmem:$0x30];
	_ =	sdelay $0x4  }
0x8c: {  	vm7 =	vlt.u32 v18, $0x1F8;
	v18 =	vshll.u32 v18, $0x7  }
0x8d: {  	v18 =	vor.u32 v5, v18;
	_ =	sdelay $0x4  }
0x8e: {  	[tilespmem:v18+s14+$0x0] =	vst.idx.msk vm7, v0  }
0x8f: {  	v18 =	vld [tilespmem:$0x40];
	_ =	sdelay $0x4  }
0x90: {  	vm8 =	vlt.u32 v18, $0x1F8;
	v18 =	vshll.u32 v18, $0x7  }
0x91: {  	v18 =	vor.u32 v6, v18;
	_ =	sdelay $0x4  }
0x92: {  	[tilespmem:v18+s14+$0x0] =	vst.idx.msk vm8, v0  }
0x93: {  	v18 =	vld [tilespmem:$0x50];
	_ =	sdelay $0x4  }
0x94: {  	vm9 =	vlt.u32 v18, $0x1F8;
	v18 =	vshll.u32 v18, $0x7  }
0x95: {  	v18 =	vor.u32 v7, v18;
	_ =	sdelay $0x4  }
0x96: {  	[tilespmem:v18+s14+$0x0] =	vst.idx.msk vm9, v0  }
0x97: {  	v18 =	vld [tilespmem:$0x60];
	_ =	sdelay $0x4  }
0x98: {  	vm10 =	vlt.u32 v18, $0x1F8;
	v18 =	vshll.u32 v18, $0x7  }
0x99: {  	v18 =	vor.u32 v8, v18;
	_ =	sdelay $0x4  }
0x9a: {  	[tilespmem:v18+s14+$0x0] =	vst.idx.msk vm10, v0  }
0x9b: {  	v18 =	vld [tilespmem:$0x70];
	_ =	sdelay $0x4  }
0x9c: {  	vm11 =	vlt.u32 v18, $0x1F8;
	v18 =	vshll.u32 v18, $0x7  }
0x9d: {  	v18 =	vor.u32 v9, v18;
	_ =	sdelay $0x4  }
0x9e: {  	[tilespmem:v18+s14+$0x0] =	vst.idx.msk vm11, v0  }
0x9f: {  	v18 =	vld [tilespmem:$0x80];
	_ =	sdelay $0x4  }
0xa0: {  	vm12 =	vlt.u32 v18, $0x1F8;
	v18 =	vshll.u32 v18, $0x7  }
0xa1: {  	v18 =	vor.u32 v1, v18;
	_ =	sdelay $0x4  }
0xa2: {  	[tilespmem:v18+s14+$0x0] =	vst.idx.msk vm12, v2  }
0xa3: {  	v18 =	vld [tilespmem:$0x90];
	_ =	sdelay $0x4  }
0xa4: {  	vm13 =	vlt.u32 v18, $0x1F8;
	v18 =	vshll.u32 v18, $0x7  }
0xa5: {  	v18 =	vor.u32 v3, v18;
	_ =	sdelay $0x4  }
0xa6: {  	[tilespmem:v18+s14+$0x0] =	vst.idx.msk vm13, v2  }
0xa7: {  	v18 =	vld [tilespmem:$0xA0];
	_ =	sdelay $0x4  }
0xa8: {  	vm14 =	vlt.u32 v18, $0x1F8;
	v18 =	vshll.u32 v18, $0x7  }
0xa9: {  	v18 =	vor.u32 v4, v18;
	_ =	sdelay $0x4  }
0xaa: {  	[tilespmem:v18+s14+$0x0] =	vst.idx.msk vm14, v2  }
0xab: {  	v18 =	vld [tilespmem:$0xB0];
	_ =	sdelay $0x4  }
0xac: {  	vm15 =	vlt.u32 v18, $0x1F8;
	v18 =	vshll.u32 v18, $0x7  }
0xad: {  	v18 =	vor.u32 v5, v18;
	_ =	sdelay $0x4  }
0xae: {  	[tilespmem:v18+s14+$0x0] =	vst.idx.msk vm15, v2  }
0xaf: {  	v18 =	vld [tilespmem:$0xC0];
	_ =	sdelay $0x4  }
0xb0: {  	vm4 =	vlt.u32 v18, $0x1F8;
	v18 =	vshll.u32 v18, $0x7  }
0xb1: {  	v18 =	vor.u32 v6, v18;
	_ =	sdelay $0x4  }
0xb2: {  	[tilespmem:v18+s14+$0x0] =	vst.idx.msk vm4, v2  }
0xb3: {  	v18 =	vld [tilespmem:$0xD0];
	_ =	sdelay $0x4  }
0xb4: {  	vm5 =	vlt.u32 v18, $0x1F8;
	v18 =	vshll.u32 v18, $0x7  }
0xb5: {  	v18 =	vor.u32 v7, v18;
	_ =	sdelay $0x4  }
0xb6: {  	[tilespmem:v18+s14+$0x0] =	vst.idx.msk vm5, v2  }
0xb7: {  	v18 =	vld [tilespmem:$0xE0];
	_ =	sdelay $0x4  }
0xb8: {  	vm6 =	vlt.u32 v18, $0x1F8;
	v18 =	vshll.u32 v18, $0x7  }
0xb9: {  	v18 =	vor.u32 v8, v18;
	_ =	sdelay $0x4  }
0xba: {  	[tilespmem:v18+s14+$0x0] =	vst.idx.msk vm6, v2  }
0xbb: {  	v18 =	vld [tilespmem:$0xF0];
	_ =	sdelay $0x4  }
0xbc: {  	vm7 =	vlt.u32 v18, $0x1F8;
	v18 =	vshll.u32 v18, $0x7  }
0xbd: {  	v18 =	vor.u32 v9, v18;
	_ =	sdelay $0x4  }
0xbe: {  	[tilespmem:v18+s14+$0x0] =	vst.idx.msk vm7, v2  }
0xbf: {  	[hbm4b:s6+s15] =	stream.strided.scatter [tilespmem:s14], [sflag:$0x1], $0xFC00, s16, s15, $0x38;
	[tilespmem:$0x1FA00] =	vst v63  }
0xc0: {  	_ =	swait.ge [sflag:s19], $0xF800  }
0xc1: {  	[sflag:s19] =	ssyncset.done $0x0  }
0xc2: {  	[sflag:s19] =	ssyncadd.s32 $0xFFFF0800  }
0xc3: {  	v18 =	vld [tilespmem:$0x0];
	_ =	sdelay $0x4  }
0xc4: {  	v19 =	vadd.s32 $0xFFFFFE08, v18  }
0xc5: {  	v18 =	vshll.u32 v18, $0x7;
	vm8 =	vlt.u32 v19, $0x1F0  }
0xc6: {  	v18 =	vadd.s32 v10, v18;
	_ =	sdelay $0x4  }
0xc7: {  	[tilespmem:v18+s17+$0x0] =	vst.idx.msk vm8, v0  }
0xc8: {  	v18 =	vld [tilespmem:$0x10];
	_ =	sdelay $0x4  }
0xc9: {  	v19 =	vadd.s32 $0xFFFFFE08, v18  }
0xca: {  	v18 =	vshll.u32 v18, $0x7;
	vm9 =	vlt.u32 v19, $0x1F0  }
0xcb: {  	v18 =	vadd.s32 v11, v18;
	_ =	sdelay $0x4  }
0xcc: {  	[tilespmem:v18+s17+$0x0] =	vst.idx.msk vm9, v0  }
0xcd: {  	v18 =	vld [tilespmem:$0x20];
	_ =	sdelay $0x4  }
0xce: {  	v19 =	vadd.s32 $0xFFFFFE08, v18  }
0xcf: {  	v18 =	vshll.u32 v18, $0x7;
	vm10 =	vlt.u32 v19, $0x1F0  }
0xd0: {  	v18 =	vadd.s32 v12, v18;
	_ =	sdelay $0x4  }
0xd1: {  	[tilespmem:v18+s17+$0x0] =	vst.idx.msk vm10, v0  }
0xd2: {  	v18 =	vld [tilespmem:$0x30];
	_ =	sdelay $0x4  }
0xd3: {  	v19 =	vadd.s32 $0xFFFFFE08, v18  }
0xd4: {  	v18 =	vshll.u32 v18, $0x7;
	vm11 =	vlt.u32 v19, $0x1F0  }
0xd5: {  	v18 =	vadd.s32 v13, v18;
	_ =	sdelay $0x4  }
0xd6: {  	[tilespmem:v18+s17+$0x0] =	vst.idx.msk vm11, v0  }
0xd7: {  	v18 =	vld [tilespmem:$0x40];
	_ =	sdelay $0x4  }
0xd8: {  	v19 =	vadd.s32 $0xFFFFFE08, v18  }
0xd9: {  	v18 =	vshll.u32 v18, $0x7;
	vm12 =	vlt.u32 v19, $0x1F0  }
0xda: {  	v18 =	vadd.s32 v14, v18;
	_ =	sdelay $0x4  }
0xdb: {  	[tilespmem:v18+s17+$0x0] =	vst.idx.msk vm12, v0  }
0xdc: {  	v18 =	vld [tilespmem:$0x50];
	_ =	sdelay $0x4  }
0xdd: {  	v19 =	vadd.s32 $0xFFFFFE08, v18  }
0xde: {  	v18 =	vshll.u32 v18, $0x7;
	vm13 =	vlt.u32 v19, $0x1F0  }
0xdf: {  	v18 =	vadd.s32 v15, v18;
	_ =	sdelay $0x4  }
0xe0: {  	[tilespmem:v18+s17+$0x0] =	vst.idx.msk vm13, v0  }
0xe1: {  	v18 =	vld [tilespmem:$0x60];
	_ =	sdelay $0x4  }
0xe2: {  	v19 =	vadd.s32 $0xFFFFFE08, v18  }
0xe3: {  	v18 =	vshll.u32 v18, $0x7;
	vm14 =	vlt.u32 v19, $0x1F0  }
0xe4: {  	v18 =	vadd.s32 v16, v18;
	_ =	sdelay $0x4  }
0xe5: {  	[tilespmem:v18+s17+$0x0] =	vst.idx.msk vm14, v0  }
0xe6: {  	v18 =	vld [tilespmem:$0x70];
	_ =	sdelay $0x4  }
0xe7: {  	v19 =	vadd.s32 $0xFFFFFE08, v18  }
0xe8: {  	v18 =	vshll.u32 v18, $0x7;
	vm15 =	vlt.u32 v19, $0x1F0  }
0xe9: {  	v18 =	vadd.s32 v17, v18;
	_ =	sdelay $0x4  }
0xea: {  	[tilespmem:v18+s17+$0x0] =	vst.idx.msk vm15, v0  }
0xeb: {  	v18 =	vld [tilespmem:$0x80];
	_ =	sdelay $0x4  }
0xec: {  	v19 =	vadd.s32 $0xFFFFFE08, v18  }
0xed: {  	v18 =	vshll.u32 v18, $0x7;
	vm4 =	vlt.u32 v19, $0x1F0  }
0xee: {  	v18 =	vadd.s32 v10, v18;
	_ =	sdelay $0x4  }
0xef: {  	[tilespmem:v18+s17+$0x0] =	vst.idx.msk vm4, v2  }
0xf0: {  	v18 =	vld [tilespmem:$0x90];
	_ =	sdelay $0x4  }
0xf1: {  	v19 =	vadd.s32 $0xFFFFFE08, v18  }
0xf2: {  	v18 =	vshll.u32 v18, $0x7;
	vm5 =	vlt.u32 v19, $0x1F0  }
0xf3: {  	v18 =	vadd.s32 v11, v18;
	_ =	sdelay $0x4  }
0xf4: {  	[tilespmem:v18+s17+$0x0] =	vst.idx.msk vm5, v2  }
0xf5: {  	v18 =	vld [tilespmem:$0xA0];
	_ =	sdelay $0x4  }
0xf6: {  	v19 =	vadd.s32 $0xFFFFFE08, v18  }
0xf7: {  	v18 =	vshll.u32 v18, $0x7;
	vm6 =	vlt.u32 v19, $0x1F0  }
0xf8: {  	v18 =	vadd.s32 v12, v18;
	_ =	sdelay $0x4  }
0xf9: {  	[tilespmem:v18+s17+$0x0] =	vst.idx.msk vm6, v2  }
0xfa: {  	v18 =	vld [tilespmem:$0xB0];
	_ =	sdelay $0x4  }
0xfb: {  	v19 =	vadd.s32 $0xFFFFFE08, v18  }
0xfc: {  	v18 =	vshll.u32 v18, $0x7;
	vm7 =	vlt.u32 v19, $0x1F0  }
0xfd: {  	v18 =	vadd.s32 v13, v18;
	_ =	sdelay $0x4  }
0xfe: {  	[tilespmem:v18+s17+$0x0] =	vst.idx.msk vm7, v2  }
0xff: {  	v18 =	vld [tilespmem:$0xC0];
	_ =	sdelay $0x4  }
0x100: {  	v19 =	vadd.s32 $0xFFFFFE08, v18  }
0x101: {  	v18 =	vshll.u32 v18, $0x7;
	vm8 =	vlt.u32 v19, $0x1F0  }
0x102: {  	v18 =	vadd.s32 v14, v18;
	_ =	sdelay $0x4  }
0x103: {  	[tilespmem:v18+s17+$0x0] =	vst.idx.msk vm8, v2  }
0x104: {  	v18 =	vld [tilespmem:$0xD0];
	_ =	sdelay $0x4  }
0x105: {  	v19 =	vadd.s32 $0xFFFFFE08, v18  }
0x106: {  	v18 =	vshll.u32 v18, $0x7;
	vm9 =	vlt.u32 v19, $0x1F0  }
0x107: {  	v18 =	vadd.s32 v15, v18;
	_ =	sdelay $0x4  }
0x108: {  	[tilespmem:v18+s17+$0x0] =	vst.idx.msk vm9, v2  }
0x109: {  	v18 =	vld [tilespmem:$0xE0];
	_ =	sdelay $0x4  }
0x10a: {  	v19 =	vadd.s32 $0xFFFFFE08, v18  }
0x10b: {  	v18 =	vshll.u32 v18, $0x7;
	vm10 =	vlt.u32 v19, $0x1F0  }
0x10c: {  	v18 =	vadd.s32 v16, v18;
	_ =	sdelay $0x4  }
0x10d: {  	[tilespmem:v18+s17+$0x0] =	vst.idx.msk vm10, v2  }
0x10e: {  	v18 =	vld [tilespmem:$0xF0];
	_ =	sdelay $0x4  }
0x10f: {  	v19 =	vadd.s32 $0xFFFFFE08, v18  }
0x110: {  	v18 =	vshll.u32 v18, $0x7;
	vm11 =	vlt.u32 v19, $0x1F0  }
0x111: {  	v18 =	vadd.s32 v17, v18;
	_ =	sdelay $0x4  }
0x112: {  	[tilespmem:v18+s17+$0x0] =	vst.idx.msk vm11, v2  }
0x113: {  	[hbm4b:s7+s15] =	stream.strided.scatter [tilespmem:s17], [sflag:$0x2], $0xF800, s16, s15, $0x38;
	[tilespmem:$0x1FA00] =	vst v63  }
0x114: {  	_ =	swait.ge [sflag:s18], $0xFC00  }
0x115: {  	[sflag:s18] =	ssyncset.done $0x0  }
0x116: {  	[sflag:s18] =	ssyncadd.s32 $0xFFFF0400  }
0x117: {  	v18 =	vld [tilespmem:$0x80];
	_ =	sdelay $0x4  }
0x118: {  	vm12 =	vlt.u32 v18, $0x1F8;
	v18 =	vshll.u32 v18, $0x7  }
0x119: {  	v18 =	vor.u32 v1, v18;
	_ =	sdelay $0x4  }
0x11a: {  	[tilespmem:v18+s14+$0x0] =	vst.idx.msk vm12, v0  }
0x11b: {  	v18 =	vld [tilespmem:$0x90];
	_ =	sdelay $0x4  }
0x11c: {  	vm13 =	vlt.u32 v18, $0x1F8;
	v18 =	vshll.u32 v18, $0x7  }
0x11d: {  	v18 =	vor.u32 v3, v18;
	_ =	sdelay $0x4  }
0x11e: {  	[tilespmem:v18+s14+$0x0] =	vst.idx.msk vm13, v0  }
0x11f: {  	v18 =	vld [tilespmem:$0xA0];
	_ =	sdelay $0x4  }
0x120: {  	vm14 =	vlt.u32 v18, $0x1F8;
	v18 =	vshll.u32 v18, $0x7  }
0x121: {  	v18 =	vor.u32 v4, v18;
	_ =	sdelay $0x4  }
0x122: {  	[tilespmem:v18+s14+$0x0] =	vst.idx.msk vm14, v0  }
0x123: {  	v18 =	vld [tilespmem:$0xB0];
	_ =	sdelay $0x4  }
0x124: {  	vm15 =	vlt.u32 v18, $0x1F8;
	v18 =	vshll.u32 v18, $0x7  }
0x125: {  	v18 =	vor.u32 v5, v18;
	_ =	sdelay $0x4  }
0x126: {  	[tilespmem:v18+s14+$0x0] =	vst.idx.msk vm15, v0  }
0x127: {  	v18 =	vld [tilespmem:$0xC0];
	_ =	sdelay $0x4  }
0x128: {  	vm4 =	vlt.u32 v18, $0x1F8;
	v18 =	vshll.u32 v18, $0x7  }
0x129: {  	v18 =	vor.u32 v6, v18;
	_ =	sdelay $0x4  }
0x12a: {  	[tilespmem:v18+s14+$0x0] =	vst.idx.msk vm4, v0  }
0x12b: {  	v18 =	vld [tilespmem:$0xD0];
	_ =	sdelay $0x4  }
0x12c: {  	vm5 =	vlt.u32 v18, $0x1F8;
	v18 =	vshll.u32 v18, $0x7  }
0x12d: {  	v18 =	vor.u32 v7, v18;
	_ =	sdelay $0x4  }
0x12e: {  	[tilespmem:v18+s14+$0x0] =	vst.idx.msk vm5, v0  }
0x12f: {  	v18 =	vld [tilespmem:$0xE0];
	_ =	sdelay $0x4  }
0x130: {  	vm6 =	vlt.u32 v18, $0x1F8;
	v18 =	vshll.u32 v18, $0x7  }
0x131: {  	v18 =	vor.u32 v8, v18;
	_ =	sdelay $0x4  }
0x132: {  	[tilespmem:v18+s14+$0x0] =	vst.idx.msk vm6, v0  }
0x133: {  	v18 =	vld [tilespmem:$0xF0];
	_ =	sdelay $0x4  }
0x134: {  	vm7 =	vlt.u32 v18, $0x1F8;
	v18 =	vshll.u32 v18, $0x7  }
0x135: {  	v18 =	vor.u32 v9, v18;
	_ =	sdelay $0x4  }
0x136: {  	[tilespmem:v18+s14+$0x0] =	vst.idx.msk vm7, v0  }
0x137: {  	v18 =	vld [tilespmem:$0x100];
	_ =	sdelay $0x4  }
0x138: {  	vm8 =	vlt.u32 v18, $0x1F8;
	v18 =	vshll.u32 v18, $0x7  }
0x139: {  	v18 =	vor.u32 v1, v18;
	_ =	sdelay $0x4  }
0x13a: {  	[tilespmem:v18+s14+$0x0] =	vst.idx.msk vm8, v2  }
0x13b: {  	v18 =	vld [tilespmem:$0x110];
	_ =	sdelay $0x4  }
0x13c: {  	vm9 =	vlt.u32 v18, $0x1F8;
	v18 =	vshll.u32 v18, $0x7  }
0x13d: {  	v18 =	vor.u32 v3, v18;
	_ =	sdelay $0x4  }
0x13e: {  	[tilespmem:v18+s14+$0x0] =	vst.idx.msk vm9, v2  }
0x13f: {  	v18 =	vld [tilespmem:$0x120];
	_ =	sdelay $0x4  }
0x140: {  	vm10 =	vlt.u32 v18, $0x1F8;
	v18 =	vshll.u32 v18, $0x7  }
0x141: {  	v18 =	vor.u32 v4, v18;
	_ =	sdelay $0x4  }
0x142: {  	[tilespmem:v18+s14+$0x0] =	vst.idx.msk vm10, v2  }
0x143: {  	v18 =	vld [tilespmem:$0x130];
	_ =	sdelay $0x4  }
0x144: {  	vm11 =	vlt.u32 v18, $0x1F8;
	v18 =	vshll.u32 v18, $0x7  }
0x145: {  	v18 =	vor.u32 v5, v18;
	_ =	sdelay $0x4  }
0x146: {  	[tilespmem:v18+s14+$0x0] =	vst.idx.msk vm11, v2  }
0x147: {  	v18 =	vld [tilespmem:$0x140];
	_ =	sdelay $0x4  }
0x148: {  	vm12 =	vlt.u32 v18, $0x1F8;
	v18 =	vshll.u32 v18, $0x7  }
0x149: {  	v18 =	vor.u32 v6, v18;
	_ =	sdelay $0x4  }
0x14a: {  	[tilespmem:v18+s14+$0x0] =	vst.idx.msk vm12, v2  }
0x14b: {  	v18 =	vld [tilespmem:$0x150];
	_ =	sdelay $0x4  }
0x14c: {  	vm13 =	vlt.u32 v18, $0x1F8;
	v18 =	vshll.u32 v18, $0x7  }
0x14d: {  	v18 =	vor.u32 v7, v18;
	_ =	sdelay $0x4  }
0x14e: {  	[tilespmem:v18+s14+$0x0] =	vst.idx.msk vm13, v2  }
0x14f: {  	v18 =	vld [tilespmem:$0x160];
	_ =	sdelay $0x4  }
0x150: {  	vm14 =	vlt.u32 v18, $0x1F8;
	v18 =	vshll.u32 v18, $0x7  }
0x151: {  	v18 =	vor.u32 v8, v18;
	_ =	sdelay $0x4  }
0x152: {  	[tilespmem:v18+s14+$0x0] =	vst.idx.msk vm14, v2  }
0x153: {  	v18 =	vld [tilespmem:$0x170];
	_ =	sdelay $0x4  }
0x154: {  	vm15 =	vlt.u32 v18, $0x1F8;
	v18 =	vshll.u32 v18, $0x7  }
0x155: {  	v18 =	vor.u32 v9, v18;
	_ =	sdelay $0x4  }
0x156: {  	[tilespmem:v18+s14+$0x0] =	vst.idx.msk vm15, v2  }
0x157: {  	[hbm4b:s8+s15] =	stream.strided.scatter [tilespmem:s14], [sflag:$0x1], $0xFC00, s16, s15, $0x38;
	[tilespmem:$0x1FA00] =	vst v63  }
0x158: {  	_ =	swait.ge [sflag:s19], $0xF800  }
0x159: {  	[sflag:s19] =	ssyncset.done $0x0  }
0x15a: {  	[sflag:s19] =	ssyncadd.s32 $0xFFFF0800  }
0x15b: {  	v18 =	vld [tilespmem:$0x80];
	_ =	sdelay $0x4  }
0x15c: {  	v19 =	vadd.s32 $0xFFFFFE08, v18  }
0x15d: {  	v18 =	vshll.u32 v18, $0x7;
	vm4 =	vlt.u32 v19, $0x1F0  }
0x15e: {  	v18 =	vadd.s32 v10, v18;
	_ =	sdelay $0x4  }
0x15f: {  	[tilespmem:v18+s17+$0x0] =	vst.idx.msk vm4, v0  }
0x160: {  	v18 =	vld [tilespmem:$0x90];
	_ =	sdelay $0x4  }
0x161: {  	v19 =	vadd.s32 $0xFFFFFE08, v18  }
0x162: {  	v18 =	vshll.u32 v18, $0x7;
	vm5 =	vlt.u32 v19, $0x1F0  }
0x163: {  	v18 =	vadd.s32 v11, v18;
	_ =	sdelay $0x4  }
0x164: {  	[tilespmem:v18+s17+$0x0] =	vst.idx.msk vm5, v0  }
0x165: {  	v18 =	vld [tilespmem:$0xA0];
	_ =	sdelay $0x4  }
0x166: {  	v19 =	vadd.s32 $0xFFFFFE08, v18  }
0x167: {  	v18 =	vshll.u32 v18, $0x7;
	vm6 =	vlt.u32 v19, $0x1F0  }
0x168: {  	v18 =	vadd.s32 v12, v18;
	_ =	sdelay $0x4  }
0x169: {  	[tilespmem:v18+s17+$0x0] =	vst.idx.msk vm6, v0  }
0x16a: {  	v18 =	vld [tilespmem:$0xB0];
	_ =	sdelay $0x4  }
0x16b: {  	v19 =	vadd.s32 $0xFFFFFE08, v18  }
0x16c: {  	v18 =	vshll.u32 v18, $0x7;
	vm7 =	vlt.u32 v19, $0x1F0  }
0x16d: {  	v18 =	vadd.s32 v13, v18;
	_ =	sdelay $0x4  }
0x16e: {  	[tilespmem:v18+s17+$0x0] =	vst.idx.msk vm7, v0  }
0x16f: {  	v18 =	vld [tilespmem:$0xC0];
	_ =	sdelay $0x4  }
0x170: {  	v19 =	vadd.s32 $0xFFFFFE08, v18  }
0x171: {  	v18 =	vshll.u32 v18, $0x7;
	vm8 =	vlt.u32 v19, $0x1F0  }
0x172: {  	v18 =	vadd.s32 v14, v18;
	_ =	sdelay $0x4  }
0x173: {  	[tilespmem:v18+s17+$0x0] =	vst.idx.msk vm8, v0  }
0x174: {  	v18 =	vld [tilespmem:$0xD0];
	_ =	sdelay $0x4  }
0x175: {  	v19 =	vadd.s32 $0xFFFFFE08, v18  }
0x176: {  	v18 =	vshll.u32 v18, $0x7;
	vm9 =	vlt.u32 v19, $0x1F0  }
0x177: {  	v18 =	vadd.s32 v15, v18;
	_ =	sdelay $0x4  }
0x178: {  	[tilespmem:v18+s17+$0x0] =	vst.idx.msk vm9, v0  }
0x179: {  	v18 =	vld [tilespmem:$0xE0];
	_ =	sdelay $0x4  }
0x17a: {  	v19 =	vadd.s32 $0xFFFFFE08, v18  }
0x17b: {  	v18 =	vshll.u32 v18, $0x7;
	vm10 =	vlt.u32 v19, $0x1F0  }
0x17c: {  	v18 =	vadd.s32 v16, v18;
	_ =	sdelay $0x4  }
0x17d: {  	[tilespmem:v18+s17+$0x0] =	vst.idx.msk vm10, v0  }
0x17e: {  	v18 =	vld [tilespmem:$0xF0];
	_ =	sdelay $0x4  }
0x17f: {  	v19 =	vadd.s32 $0xFFFFFE08, v18  }
0x180: {  	v18 =	vshll.u32 v18, $0x7;
	vm11 =	vlt.u32 v19, $0x1F0  }
0x181: {  	v18 =	vadd.s32 v17, v18;
	_ =	sdelay $0x4  }
0x182: {  	[tilespmem:v18+s17+$0x0] =	vst.idx.msk vm11, v0  }
0x183: {  	v18 =	vld [tilespmem:$0x100];
	_ =	sdelay $0x4  }
0x184: {  	v19 =	vadd.s32 $0xFFFFFE08, v18  }
0x185: {  	v18 =	vshll.u32 v18, $0x7;
	vm12 =	vlt.u32 v19, $0x1F0  }
0x186: {  	v18 =	vadd.s32 v10, v18;
	_ =	sdelay $0x4  }
0x187: {  	[tilespmem:v18+s17+$0x0] =	vst.idx.msk vm12, v2  }
0x188: {  	v18 =	vld [tilespmem:$0x110];
	_ =	sdelay $0x4  }
0x189: {  	v19 =	vadd.s32 $0xFFFFFE08, v18  }
0x18a: {  	v18 =	vshll.u32 v18, $0x7;
	vm13 =	vlt.u32 v19, $0x1F0  }
0x18b: {  	v18 =	vadd.s32 v11, v18;
	_ =	sdelay $0x4  }
0x18c: {  	[tilespmem:v18+s17+$0x0] =	vst.idx.msk vm13, v2  }
0x18d: {  	v18 =	vld [tilespmem:$0x120];
	_ =	sdelay $0x4  }
0x18e: {  	v19 =	vadd.s32 $0xFFFFFE08, v18  }
0x18f: {  	v18 =	vshll.u32 v18, $0x7;
	vm14 =	vlt.u32 v19, $0x1F0  }
0x190: {  	v18 =	vadd.s32 v12, v18;
	_ =	sdelay $0x4  }
0x191: {  	[tilespmem:v18+s17+$0x0] =	vst.idx.msk vm14, v2  }
0x192: {  	v18 =	vld [tilespmem:$0x130];
	_ =	sdelay $0x4  }
0x193: {  	v19 =	vadd.s32 $0xFFFFFE08, v18  }
0x194: {  	v18 =	vshll.u32 v18, $0x7;
	vm15 =	vlt.u32 v19, $0x1F0  }
0x195: {  	v18 =	vadd.s32 v13, v18;
	_ =	sdelay $0x4  }
0x196: {  	[tilespmem:v18+s17+$0x0] =	vst.idx.msk vm15, v2  }
0x197: {  	v18 =	vld [tilespmem:$0x140];
	_ =	sdelay $0x4  }
0x198: {  	v19 =	vadd.s32 $0xFFFFFE08, v18  }
0x199: {  	v18 =	vshll.u32 v18, $0x7;
	vm4 =	vlt.u32 v19, $0x1F0  }
0x19a: {  	v18 =	vadd.s32 v14, v18;
	_ =	sdelay $0x4  }
0x19b: {  	[tilespmem:v18+s17+$0x0] =	vst.idx.msk vm4, v2  }
0x19c: {  	v18 =	vld [tilespmem:$0x150];
	_ =	sdelay $0x4  }
0x19d: {  	v19 =	vadd.s32 $0xFFFFFE08, v18  }
0x19e: {  	v18 =	vshll.u32 v18, $0x7;
	vm5 =	vlt.u32 v19, $0x1F0  }
0x19f: {  	v18 =	vadd.s32 v15, v18;
	_ =	sdelay $0x4  }
0x1a0: {  	[tilespmem:v18+s17+$0x0] =	vst.idx.msk vm5, v2  }
0x1a1: {  	v18 =	vld [tilespmem:$0x160];
	_ =	sdelay $0x4  }
0x1a2: {  	v19 =	vadd.s32 $0xFFFFFE08, v18  }
0x1a3: {  	v18 =	vshll.u32 v18, $0x7;
	vm6 =	vlt.u32 v19, $0x1F0  }
0x1a4: {  	v18 =	vadd.s32 v16, v18;
	_ =	sdelay $0x4  }
0x1a5: {  	[tilespmem:v18+s17+$0x0] =	vst.idx.msk vm6, v2  }
0x1a6: {  	v18 =	vld [tilespmem:$0x170];
	_ =	sdelay $0x4  }
0x1a7: {  	v19 =	vadd.s32 $0xFFFFFE08, v18  }
0x1a8: {  	v18 =	vshll.u32 v18, $0x7;
	vm7 =	vlt.u32 v19, $0x1F0  }
0x1a9: {  	v18 =	vadd.s32 v17, v18;
	_ =	sdelay $0x4  }
0x1aa: {  	[tilespmem:v18+s17+$0x0] =	vst.idx.msk vm7, v2  }
0x1ab: {  	[hbm4b:s9+s15] =	stream.strided.scatter [tilespmem:s17], [sflag:$0x2], $0xF800, s16, s15, $0x38;
	[tilespmem:$0x1FA00] =	vst v63  }
0x1ac: {  	_ =	swait.ge [sflag:s18], $0xFC00  }
0x1ad: {  	[sflag:s18] =	ssyncset.done $0x0  }
0x1ae: {  	[sflag:s18] =	ssyncadd.s32 $0xFFFF0400  }
0x1af: {  	v18 =	vld [tilespmem:$0x100];
	_ =	sdelay $0x4  }
0x1b0: {  	vm8 =	vlt.u32 v18, $0x1F8;
	v18 =	vshll.u32 v18, $0x7  }
0x1b1: {  	v18 =	vor.u32 v1, v18;
	_ =	sdelay $0x4  }
0x1b2: {  	[tilespmem:v18+s14+$0x0] =	vst.idx.msk vm8, v0  }
0x1b3: {  	v18 =	vld [tilespmem:$0x110];
	_ =	sdelay $0x4  }
0x1b4: {  	vm9 =	vlt.u32 v18, $0x1F8;
	v18 =	vshll.u32 v18, $0x7  }
0x1b5: {  	v18 =	vor.u32 v3, v18;
	_ =	sdelay $0x4  }
0x1b6: {  	[tilespmem:v18+s14+$0x0] =	vst.idx.msk vm9, v0  }
0x1b7: {  	v18 =	vld [tilespmem:$0x120];
	_ =	sdelay $0x4  }
0x1b8: {  	vm10 =	vlt.u32 v18, $0x1F8;
	v18 =	vshll.u32 v18, $0x7  }
0x1b9: {  	v18 =	vor.u32 v4, v18;
	_ =	sdelay $0x4  }
0x1ba: {  	[tilespmem:v18+s14+$0x0] =	vst.idx.msk vm10, v0  }
0x1bb: {  	v18 =	vld [tilespmem:$0x130];
	_ =	sdelay $0x4  }
0x1bc: {  	vm11 =	vlt.u32 v18, $0x1F8;
	v18 =	vshll.u32 v18, $0x7  }
0x1bd: {  	v18 =	vor.u32 v5, v18;
	_ =	sdelay $0x4  }
0x1be: {  	[tilespmem:v18+s14+$0x0] =	vst.idx.msk vm11, v0  }
0x1bf: {  	v18 =	vld [tilespmem:$0x140];
	_ =	sdelay $0x4  }
0x1c0: {  	vm12 =	vlt.u32 v18, $0x1F8;
	v18 =	vshll.u32 v18, $0x7  }
0x1c1: {  	v18 =	vor.u32 v6, v18;
	_ =	sdelay $0x4  }
0x1c2: {  	[tilespmem:v18+s14+$0x0] =	vst.idx.msk vm12, v0  }
0x1c3: {  	v18 =	vld [tilespmem:$0x150];
	_ =	sdelay $0x4  }
0x1c4: {  	vm13 =	vlt.u32 v18, $0x1F8;
	v18 =	vshll.u32 v18, $0x7  }
0x1c5: {  	v18 =	vor.u32 v7, v18;
	_ =	sdelay $0x4  }
0x1c6: {  	[tilespmem:v18+s14+$0x0] =	vst.idx.msk vm13, v0  }
0x1c7: {  	v18 =	vld [tilespmem:$0x160];
	_ =	sdelay $0x4  }
0x1c8: {  	vm14 =	vlt.u32 v18, $0x1F8;
	v18 =	vshll.u32 v18, $0x7  }
0x1c9: {  	v18 =	vor.u32 v8, v18;
	_ =	sdelay $0x4  }
0x1ca: {  	[tilespmem:v18+s14+$0x0] =	vst.idx.msk vm14, v0  }
0x1cb: {  	v18 =	vld [tilespmem:$0x170];
	_ =	sdelay $0x4  }
0x1cc: {  	vm15 =	vlt.u32 v18, $0x1F8;
	v18 =	vshll.u32 v18, $0x7  }
0x1cd: {  	v18 =	vor.u32 v9, v18;
	_ =	sdelay $0x4  }
0x1ce: {  	[tilespmem:v18+s14+$0x0] =	vst.idx.msk vm15, v0  }
0x1cf: {  	v18 =	vld [tilespmem:$0x180];
	_ =	sdelay $0x4  }
0x1d0: {  	vm4 =	vlt.u32 v18, $0x1F8;
	v18 =	vshll.u32 v18, $0x7  }
0x1d1: {  	v18 =	vor.u32 v1, v18;
	_ =	sdelay $0x4  }
0x1d2: {  	[tilespmem:v18+s14+$0x0] =	vst.idx.msk vm4, v2  }
0x1d3: {  	v18 =	vld [tilespmem:$0x190];
	_ =	sdelay $0x4  }
0x1d4: {  	vm5 =	vlt.u32 v18, $0x1F8;
	v18 =	vshll.u32 v18, $0x7  }
0x1d5: {  	v18 =	vor.u32 v3, v18;
	_ =	sdelay $0x4  }
0x1d6: {  	[tilespmem:v18+s14+$0x0] =	vst.idx.msk vm5, v2  }
0x1d7: {  	v18 =	vld [tilespmem:$0x1A0];
	_ =	sdelay $0x4  }
0x1d8: {  	vm6 =	vlt.u32 v18, $0x1F8;
	v18 =	vshll.u32 v18, $0x7  }
0x1d9: {  	v18 =	vor.u32 v4, v18;
	_ =	sdelay $0x4  }
0x1da: {  	[tilespmem:v18+s14+$0x0] =	vst.idx.msk vm6, v2  }
0x1db: {  	v18 =	vld [tilespmem:$0x1B0];
	_ =	sdelay $0x4  }
0x1dc: {  	vm7 =	vlt.u32 v18, $0x1F8;
	v18 =	vshll.u32 v18, $0x7  }
0x1dd: {  	v18 =	vor.u32 v5, v18;
	_ =	sdelay $0x4  }
0x1de: {  	[tilespmem:v18+s14+$0x0] =	vst.idx.msk vm7, v2  }
0x1df: {  	v18 =	vld [tilespmem:$0x1C0];
	_ =	sdelay $0x4  }
0x1e0: {  	vm8 =	vlt.u32 v18, $0x1F8;
	v18 =	vshll.u32 v18, $0x7  }
0x1e1: {  	v18 =	vor.u32 v6, v18;
	_ =	sdelay $0x4  }
0x1e2: {  	[tilespmem:v18+s14+$0x0] =	vst.idx.msk vm8, v2  }
0x1e3: {  	v18 =	vld [tilespmem:$0x1D0];
	_ =	sdelay $0x4  }
0x1e4: {  	vm9 =	vlt.u32 v18, $0x1F8;
	v18 =	vshll.u32 v18, $0x7  }
0x1e5: {  	v18 =	vor.u32 v7, v18;
	_ =	sdelay $0x4  }
0x1e6: {  	[tilespmem:v18+s14+$0x0] =	vst.idx.msk vm9, v2  }
0x1e7: {  	v18 =	vld [tilespmem:$0x1E0];
	_ =	sdelay $0x4  }
0x1e8: {  	vm10 =	vlt.u32 v18, $0x1F8;
	v18 =	vshll.u32 v18, $0x7  }
0x1e9: {  	v18 =	vor.u32 v8, v18;
	_ =	sdelay $0x4  }
0x1ea: {  	[tilespmem:v18+s14+$0x0] =	vst.idx.msk vm10, v2  }
0x1eb: {  	v18 =	vld [tilespmem:$0x1F0];
	_ =	sdelay $0x4  }
0x1ec: {  	vm11 =	vlt.u32 v18, $0x1F8;
	v18 =	vshll.u32 v18, $0x7  }
0x1ed: {  	v18 =	vor.u32 v9, v18;
	_ =	sdelay $0x4  }
0x1ee: {  	[tilespmem:v18+s14+$0x0] =	vst.idx.msk vm11, v2  }
0x1ef: {  	[hbm4b:s10+s15] =	stream.strided.scatter [tilespmem:s14], [sflag:$0x1], $0xFC00, s16, s15, $0x38;
	[tilespmem:$0x1FA00] =	vst v63  }
0x1f0: {  	_ =	swait.ge [sflag:s19], $0xF800  }
0x1f1: {  	[sflag:s19] =	ssyncset.done $0x0  }
0x1f2: {  	[sflag:s19] =	ssyncadd.s32 $0xFFFF0800  }
0x1f3: {  	v18 =	vld [tilespmem:$0x100];
	_ =	sdelay $0x4  }
0x1f4: {  	v19 =	vadd.s32 $0xFFFFFE08, v18  }
0x1f5: {  	v18 =	vshll.u32 v18, $0x7;
	vm12 =	vlt.u32 v19, $0x1F0  }
0x1f6: {  	v18 =	vadd.s32 v10, v18;
	_ =	sdelay $0x4  }
0x1f7: {  	[tilespmem:v18+s17+$0x0] =	vst.idx.msk vm12, v0  }
0x1f8: {  	v18 =	vld [tilespmem:$0x110];
	_ =	sdelay $0x4  }
0x1f9: {  	v19 =	vadd.s32 $0xFFFFFE08, v18  }
0x1fa: {  	v18 =	vshll.u32 v18, $0x7;
	vm13 =	vlt.u32 v19, $0x1F0  }
0x1fb: {  	v18 =	vadd.s32 v11, v18;
	_ =	sdelay $0x4  }
0x1fc: {  	[tilespmem:v18+s17+$0x0] =	vst.idx.msk vm13, v0  }
0x1fd: {  	v18 =	vld [tilespmem:$0x120];
	_ =	sdelay $0x4  }
0x1fe: {  	v19 =	vadd.s32 $0xFFFFFE08, v18  }
0x1ff: {  	v18 =	vshll.u32 v18, $0x7;
	vm14 =	vlt.u32 v19, $0x1F0  }
0x200: {  	v18 =	vadd.s32 v12, v18;
	_ =	sdelay $0x4  }
0x201: {  	[tilespmem:v18+s17+$0x0] =	vst.idx.msk vm14, v0  }
0x202: {  	v18 =	vld [tilespmem:$0x130];
	_ =	sdelay $0x4  }
0x203: {  	v19 =	vadd.s32 $0xFFFFFE08, v18  }
0x204: {  	v18 =	vshll.u32 v18, $0x7;
	vm15 =	vlt.u32 v19, $0x1F0  }
0x205: {  	v18 =	vadd.s32 v13, v18;
	_ =	sdelay $0x4  }
0x206: {  	[tilespmem:v18+s17+$0x0] =	vst.idx.msk vm15, v0  }
0x207: {  	v18 =	vld [tilespmem:$0x140];
	_ =	sdelay $0x4  }
0x208: {  	v19 =	vadd.s32 $0xFFFFFE08, v18  }
0x209: {  	v18 =	vshll.u32 v18, $0x7;
	vm4 =	vlt.u32 v19, $0x1F0  }
0x20a: {  	v18 =	vadd.s32 v14, v18;
	_ =	sdelay $0x4  }
0x20b: {  	[tilespmem:v18+s17+$0x0] =	vst.idx.msk vm4, v0  }
0x20c: {  	v18 =	vld [tilespmem:$0x150];
	_ =	sdelay $0x4  }
0x20d: {  	v19 =	vadd.s32 $0xFFFFFE08, v18  }
0x20e: {  	v18 =	vshll.u32 v18, $0x7;
	vm5 =	vlt.u32 v19, $0x1F0  }
0x20f: {  	v18 =	vadd.s32 v15, v18;
	_ =	sdelay $0x4  }
0x210: {  	[tilespmem:v18+s17+$0x0] =	vst.idx.msk vm5, v0  }
0x211: {  	v18 =	vld [tilespmem:$0x160];
	_ =	sdelay $0x4  }
0x212: {  	v19 =	vadd.s32 $0xFFFFFE08, v18  }
0x213: {  	v18 =	vshll.u32 v18, $0x7;
	vm6 =	vlt.u32 v19, $0x1F0  }
0x214: {  	v18 =	vadd.s32 v16, v18;
	_ =	sdelay $0x4  }
0x215: {  	[tilespmem:v18+s17+$0x0] =	vst.idx.msk vm6, v0  }
0x216: {  	v18 =	vld [tilespmem:$0x170];
	_ =	sdelay $0x4  }
0x217: {  	v19 =	vadd.s32 $0xFFFFFE08, v18  }
0x218: {  	v18 =	vshll.u32 v18, $0x7;
	vm7 =	vlt.u32 v19, $0x1F0  }
0x219: {  	v18 =	vadd.s32 v17, v18;
	_ =	sdelay $0x4  }
0x21a: {  	[tilespmem:v18+s17+$0x0] =	vst.idx.msk vm7, v0  }
0x21b: {  	v18 =	vld [tilespmem:$0x180];
	_ =	sdelay $0x4  }
0x21c: {  	v19 =	vadd.s32 $0xFFFFFE08, v18  }
0x21d: {  	v18 =	vshll.u32 v18, $0x7;
	vm8 =	vlt.u32 v19, $0x1F0  }
0x21e: {  	v18 =	vadd.s32 v10, v18;
	_ =	sdelay $0x4  }
0x21f: {  	[tilespmem:v18+s17+$0x0] =	vst.idx.msk vm8, v2  }
0x220: {  	v18 =	vld [tilespmem:$0x190];
	_ =	sdelay $0x4  }
0x221: {  	v19 =	vadd.s32 $0xFFFFFE08, v18  }
0x222: {  	v18 =	vshll.u32 v18, $0x7;
	vm9 =	vlt.u32 v19, $0x1F0  }
0x223: {  	v18 =	vadd.s32 v11, v18;
	_ =	sdelay $0x4  }
0x224: {  	[tilespmem:v18+s17+$0x0] =	vst.idx.msk vm9, v2  }
0x225: {  	v18 =	vld [tilespmem:$0x1A0];
	_ =	sdelay $0x4  }
0x226: {  	v19 =	vadd.s32 $0xFFFFFE08, v18  }
0x227: {  	v18 =	vshll.u32 v18, $0x7;
	vm10 =	vlt.u32 v19, $0x1F0  }
0x228: {  	v18 =	vadd.s32 v12, v18;
	_ =	sdelay $0x4  }
0x229: {  	[tilespmem:v18+s17+$0x0] =	vst.idx.msk vm10, v2  }
0x22a: {  	v18 =	vld [tilespmem:$0x1B0];
	_ =	sdelay $0x4  }
0x22b: {  	v19 =	vadd.s32 $0xFFFFFE08, v18  }
0x22c: {  	v18 =	vshll.u32 v18, $0x7;
	vm11 =	vlt.u32 v19, $0x1F0  }
0x22d: {  	v18 =	vadd.s32 v13, v18;
	_ =	sdelay $0x4  }
0x22e: {  	[tilespmem:v18+s17+$0x0] =	vst.idx.msk vm11, v2  }
0x22f: {  	v18 =	vld [tilespmem:$0x1C0];
	_ =	sdelay $0x4  }
0x230: {  	v19 =	vadd.s32 $0xFFFFFE08, v18  }
0x231: {  	v18 =	vshll.u32 v18, $0x7;
	vm12 =	vlt.u32 v19, $0x1F0  }
0x232: {  	v18 =	vadd.s32 v14, v18;
	_ =	sdelay $0x4  }
0x233: {  	[tilespmem:v18+s17+$0x0] =	vst.idx.msk vm12, v2  }
0x234: {  	v18 =	vld [tilespmem:$0x1D0];
	_ =	sdelay $0x4  }
0x235: {  	v19 =	vadd.s32 $0xFFFFFE08, v18  }
0x236: {  	v18 =	vshll.u32 v18, $0x7;
	vm13 =	vlt.u32 v19, $0x1F0  }
0x237: {  	v18 =	vadd.s32 v15, v18;
	_ =	sdelay $0x4  }
0x238: {  	[tilespmem:v18+s17+$0x0] =	vst.idx.msk vm13, v2  }
0x239: {  	v18 =	vld [tilespmem:$0x1E0];
	_ =	sdelay $0x4  }
0x23a: {  	v19 =	vadd.s32 $0xFFFFFE08, v18  }
0x23b: {  	v18 =	vshll.u32 v18, $0x7;
	vm14 =	vlt.u32 v19, $0x1F0  }
0x23c: {  	v18 =	vadd.s32 v16, v18;
	_ =	sdelay $0x4  }
0x23d: {  	[tilespmem:v18+s17+$0x0] =	vst.idx.msk vm14, v2  }
0x23e: {  	v18 =	vld [tilespmem:$0x1F0];
	_ =	sdelay $0x4  }
0x23f: {  	v19 =	vadd.s32 $0xFFFFFE08, v18  }
0x240: {  	v18 =	vshll.u32 v18, $0x7;
	vm15 =	vlt.u32 v19, $0x1F0  }
0x241: {  	v18 =	vadd.s32 v17, v18;
	_ =	sdelay $0x4  }
0x242: {  	s20 =	sadd.s32 $0x1, s20;
	[tilespmem:v18+s17+$0x0] =	vst.idx.msk vm15, v2  }
0x243: {  	[hbm4b:s11+s15] =	stream.strided.scatter [tilespmem:s17], [sflag:$0x2], $0xF800, s16, s15, $0x38;
	[tilespmem:$0x1FA00] =	vst v63  }
0x244: {  	p0 =	sne.s32 s20, s12;
	_ =	swait.ge [sflag:s18], $0xFC00  }
.Ltmp2:
0x245: {  	[sflag:s18] =	ssyncset.done $0x0;
	(pc) =	sbr.rel @p0 .LBB2_1-.Ltmp2, $4  }
0x246: {  	[sflag:s18] =	ssyncadd.s32 $0xFFFF0400  }
0x247: {  	_ =	swait.ge [sflag:s19], $0xF800  }
0x248: {  	[sflag:s19] =	ssyncset.done $0x0  }
0x249: {  	[sflag:s19] =	ssyncadd.s32 $0xFFFF0800  }
0x24a: {  	_ =	sfence.sel $0x180000  }
0x24b: {  	[bflag:$0x0] =	sbarrier.arrive $0xFFFF  }
0x24c: {  	p0 =	sne.s32 s1, $0x0;
	_ =	strace $0x90000047  }
0x24d: {  	s0 =	sadd.s32 @!p0 $0x100000, s0;
	[bflag:$0x2] =	sbarrier.arrive $0xFFFF  }
0x24e: {  	[sflag:s0] =	ssyncadd.tile.s32 @!p0 $0x1;
	_ =	shalt  }
.Lfunc_end2:
_tile_overlayer_lowered:
.L_overlay_start_2:
0x24f: {  	(tag) =	ssettag $0x2  }
0x250: {  	s0 =	rddreg [dreg:$0x0];
	s2 =	stileid.u32  }
0x251: {  	s1 =	rddreg [dreg:$0x1];
	p0 =	sne.s32 s2, $0x0  }
0x252: {  	s3 =	rddreg [dreg:$0x2];
	[bflag:$0x3] =	sbarrier.arrive $0xFFFF;
	s2 =	simm.s32 @!p0 $0x1C03  }
0x253: {  	[timem:s3], [sflag:s2] =	dma.local @!p0 [hbm:s0], s1  }
0x254: {  	s0 =	simm.s32 @!p0 $0x3  }
0x255: {  	_ =	swait.ge @!p0 [sflag:s0], s1  }
0x256: {  	s1 =	ssub.s32 @!p0 $0x0, s1;
	[sflag:s0] =	ssyncset.done @!p0 $0x0  }
0x257: {  	[sflag:s0] =	ssyncadd.s32 @!p0 s1  }
0x258: {  	[bflag:$0x3] =	sbarrier.arrive $0xFFFF  }
0x259: {  	_ =	shalt  }

</sc_bundles>
